<compile_context>
chip_gen: v7x
topology: tpu7x:2x2x1
jax: 0.10.2.dev20260603
libtpu: 0.0.44.dev20260713+nightly
codegen_flags: <defaults>
</compile_context>

<pallas_src>
import functools

import jax
import jax.numpy as jnp
from jax import lax
from jax.experimental import pallas as pl
from jax.experimental.pallas import tpu as pltpu
from jax.experimental.pallas import tpu_sc as plsc

N = 10000
D = 128
DH = D // 2
E = 320000
NC = 2
NS = 16
L = 16
CHUNK = 128
CH = 160
NSLOT = 8
HALF = NSLOT // 2
SGC = 40
NSG = CH // SGC
NG = SGC // NSLOT
EW = CH * CHUNK
EPAD = NS * EW
NPAD = 10240
RPT = NPAD // NS
CNTW = 16


def _sc_segsum(tablr, src3, dst3, zrows, zcnt, ocnt, with_cnt):
    mesh = plsc.VectorSubcoreMesh(core_axis_name="c", subcore_axis_name="s")
    out_type = [jax.ShapeDtypeStruct((NC * NPAD, DH), jnp.float32)]
    scratch = (
        [pltpu.VMEM((SGC, CHUNK), jnp.int32)] * 2
        + [pltpu.VMEM((CHUNK, DH), jnp.float32)] * NSLOT
        + [pltpu.VMEM_SHARED((NPAD, DH), jnp.float32)]
        + [pltpu.SemaphoreType.DMA] * (2 * NSLOT)
    )
    if with_cnt:
        out_type.append(jax.ShapeDtypeStruct((NC * NPAD, CNTW), jnp.float32))
        scratch += (
            [pltpu.VMEM((CHUNK, CNTW), jnp.float32)]
            + [pltpu.VMEM_SHARED((NPAD, CNTW), jnp.float32)]
            + [pltpu.SemaphoreType.DMA] * NSLOT
        )

    @functools.partial(
        pl.kernel,
        out_type=tuple(out_type) if with_cnt else out_type[0],
        mesh=mesh,
        scratch_types=tuple(scratch),
        compiler_params=pltpu.CompilerParams(use_tc_tiling_on_sc=False),
    )
    def k(tab_h, src_h, dst_h, zrows_h, zcnt_h, ocnt_h, *rest):
        outs = 2 if with_cnt else 1
        if with_cnt:
            ssum_out, cnt_out = rest[0], rest[1]
        else:
            ssum_out = rest[0]
        srcall_v, dstall_v = rest[outs], rest[outs + 1]
        rows = list(rest[outs + 2:outs + 2 + NSLOT])
        acc_s = rest[outs + 2 + NSLOT]
        gsem = list(rest[outs + 3 + NSLOT:outs + 3 + 2 * NSLOT])
        ssem = list(rest[outs + 3 + 2 * NSLOT:outs + 3 + 3 * NSLOT])
        if with_cnt:
            cnt_v = rest[outs + 3 + 3 * NSLOT]
            cacc_s = rest[outs + 4 + 3 * NSLOT]
            csem = list(rest[outs + 5 + 3 * NSLOT:outs + 5 + 4 * NSLOT])
        cid = lax.axis_index("c")
        sid = lax.axis_index("s")
        w = cid * NS + sid
        sb = pl.multiple_of(w * CH, CH)
        db = pl.multiple_of(sid * CH, CH)

        pltpu.sync_copy(zrows_h, rows[0])
        if with_cnt:
            pltpu.sync_copy(zcnt_h, cnt_v)
        for kk in range(RPT // CHUNK):
            r0 = sid * RPT + kk * CHUNK
            pltpu.sync_copy(rows[0], acc_s.at[pl.ds(r0, CHUNK)])
            if with_cnt:
                pltpu.sync_copy(cnt_v, cacc_s.at[pl.ds(r0, CHUNK)])
        if with_cnt:
            pltpu.sync_copy(ocnt_h, cnt_v)

        def gather(lc, j):
            pltpu.async_copy(tab_h.at[srcall_v.at[lc]], rows[j], gsem[j])

        def wait_gather(lc, j):
            pltpu.make_async_copy(
                tab_h.at[srcall_v.at[lc]], rows[j], gsem[j]).wait()

        def drain_refill(g, lc0, j):
            pltpu.make_async_copy(
                rows[j], acc_s.at[dstall_v.at[lc0 + j]], ssem[j]).wait()
            if with_cnt:
                pltpu.make_async_copy(
                    cnt_v, cacc_s.at[dstall_v.at[lc0 + j]], csem[j]).wait()

            @pl.when(g < NG - 1)
            def _():
                gather(lc0 + j + NSLOT, j)

        plsc.subcore_barrier()

        @pl.loop(0, NSG)
        def supergroup(sg):
            pltpu.sync_copy(src_h.at[pl.ds(sb + sg * SGC, SGC)], srcall_v)
            pltpu.sync_copy(dst_h.at[pl.ds(db + sg * SGC, SGC)], dstall_v)
            for j in range(NSLOT):
                gather(j, j)

            @pl.loop(0, NG)
            def group(g):
                lc0 = g * NSLOT
                for j in range(NSLOT):
                    lc = lc0 + j
                    wait_gather(lc, j)
                    pltpu.async_copy(
                        rows[j], acc_s.at[dstall_v.at[lc]], ssem[j],
                        add=True)
                    if with_cnt:
                        pltpu.async_copy(
                            cnt_v, cacc_s.at[dstall_v.at[lc]], csem[j],
                            add=True)
                    if j >= HALF:
                        drain_refill(g, lc0, j - HALF)
                for j in range(HALF, NSLOT):
                    drain_refill(g, lc0, j)

        plsc.subcore_barrier()

        obase = cid * NPAD + sid * RPT
        for kk in range(RPT // CHUNK):
            r0 = sid * RPT + kk * CHUNK
            q0 = pl.multiple_of(obase + kk * CHUNK, CHUNK)
            pltpu.sync_copy(acc_s.at[pl.ds(r0, CHUNK)], rows[0])
            pltpu.sync_copy(rows[0], ssum_out.at[pl.ds(q0, CHUNK)])
            if with_cnt:
                pltpu.sync_copy(cacc_s.at[pl.ds(r0, CHUNK)], cnt_v)
                pltpu.sync_copy(cnt_v, cnt_out.at[pl.ds(q0, CHUNK)])

    return k(tablr, src3, dst3, zrows, zcnt, ocnt)


def _tc_layer(ssum, cnt, h, WlT, WrT, b, relu, emit_split=False):
    R = 400

    def body(ssum_ref, cnt_ref, h_ref, wl_ref, wr_ref, b_ref, *outs):
        s = jnp.concatenate([ssum_ref[0], ssum_ref[1]], axis=1)
        c = cnt_ref[0, :, 0:1]
        m = s / jnp.maximum(c, 1.0)
        o = jnp.dot(m, wl_ref[...], preferred_element_type=jnp.float32)
        o = o + jnp.dot(h_ref[...], wr_ref[...],
                        preferred_element_type=jnp.float32)
        o = o + b_ref[...]
        if relu:
            o = jnp.maximum(o, 0.0)
        outs[0][...] = o
        if emit_split:
            outs[1][0] = o[:, :DH]
            outs[1][1] = o[:, DH:]

    out_shape = [jax.ShapeDtypeStruct((N, D), jnp.float32)]
    out_specs = [pl.BlockSpec((R, D), lambda i: (i, 0))]
    if emit_split:
        out_shape.append(jax.ShapeDtypeStruct((NC, N, DH), jnp.float32))
        out_specs.append(pl.BlockSpec((NC, R, DH), lambda i: (0, i, 0)))

    return pl.pallas_call(
        body,
        grid=(N // R,),
        in_specs=[
            pl.BlockSpec((NC, R, DH), lambda i: (0, i, 0)),
            pl.BlockSpec((1, R, CNTW), lambda i: (0, i, 0)),
            pl.BlockSpec((R, D), lambda i: (i, 0)),
            pl.BlockSpec((D, D), lambda i: (0, 0)),
            pl.BlockSpec((D, D), lambda i: (0, 0)),
            pl.BlockSpec((1, D), lambda i: (0, 0)),
        ],
        out_specs=out_specs if emit_split else out_specs[0],
        out_shape=out_shape if emit_split else out_shape[0],
    )(ssum, cnt, h, WlT, WrT, b.reshape(1, D))


def kernel(x, edge_index, Wl1, bl1, Wr1, Wl2, bl2, Wr2):
    src = edge_index[0]
    dst = edge_index[1]
    pad = EPAD - E
    srcp = jnp.concatenate([src, jnp.zeros((pad,), jnp.int32)])
    dstp = jnp.concatenate([dst, jnp.full((pad,), N, jnp.int32)])
    src3 = jnp.concatenate([srcp, srcp + N]).reshape(NC * NS * CH, CHUNK)
    dst3 = dstp.reshape(NS * CH, CHUNK)
    zrows = jnp.zeros((CHUNK, DH), jnp.float32)
    zcnt = jnp.zeros((CHUNK, CNTW), jnp.float32)
    ocnt = jnp.ones((CHUNK, CNTW), jnp.float32)

    xlr = jnp.concatenate([x[:, :DH], x[:, DH:]], axis=0)
    ssum1, cnt = _sc_segsum(xlr, src3, dst3, zrows, zcnt,
                            ocnt, with_cnt=True)
    ssum1 = ssum1.reshape(NC, NPAD, DH)
    cnt = cnt.reshape(NC, NPAD, CNTW)
    h, hsplit = _tc_layer(ssum1, cnt, x, Wl1.T, Wr1.T, bl1, relu=True,
                          emit_split=True)
    ssum2 = _sc_segsum(hsplit.reshape(NC * N, DH), src3, dst3, zrows, zcnt,
                       ocnt, with_cnt=False)
    ssum2 = ssum2.reshape(NC, NPAD, DH)
    return _tc_layer(ssum2, cnt, h, Wl2.T, Wr2.T, bl2, relu=False)

# --- scband reference (transcript-rebuilt; emitter-appended) ---
"""Pipeline reference for scband-gnnwrapper-10368051052683 (READ-ONLY COPY).

The authoritative reference and input builder live on the scoring server;
editing this copy changes nothing except your own understanding.
"""

import jax, jax.numpy as jnp
import numpy as np

N = 10000
E = 320000
D = 128


def setup_inputs(seed: int = 0) -> dict:
    key = jax.random.key(seed)
    ks = jax.random.split(key, 8)
    x = jax.random.normal(ks[0], (N, D), dtype=jnp.float32)
    edge_index = jax.random.randint(ks[1], (2, E), 0, N, dtype=jnp.int32)
    s = 1.0 / np.sqrt(D)
    Wl1 = jax.random.uniform(ks[2], (D, D), jnp.float32, -s, s)
    bl1 = jnp.zeros((D,), jnp.float32)
    Wr1 = jax.random.uniform(ks[3], (D, D), jnp.float32, -s, s)
    Wl2 = jax.random.uniform(ks[4], (D, D), jnp.float32, -s, s)
    bl2 = jnp.zeros((D,), jnp.float32)
    Wr2 = jax.random.uniform(ks[5], (D, D), jnp.float32, -s, s)
    return {"x": x, "edge_index": edge_index, "Wl1": Wl1, "bl1": bl1, "Wr1": Wr1,
            "Wl2": Wl2, "bl2": bl2, "Wr2": Wr2}


def _sage_conv(h, src, dst, Wl, bl, Wr):
    # PyG SAGEConv (mean aggregation): out = lin_l(mean_{j in N(i)} x_j) + lin_r(x_i)
    msgs = h[src]                                   # gather source node features
    ssum = jax.ops.segment_sum(msgs, dst, num_segments=N)
    cnt = jax.ops.segment_sum(jnp.ones((E,), h.dtype), dst, num_segments=N)
    mean = ssum / jnp.clip(cnt, 1.0)[:, None]
    return mean @ Wl.T + bl + h @ Wr.T


def reference(x, edge_index, Wl1, bl1, Wr1, Wl2, bl2, Wr2):
    src = edge_index[0]
    dst = edge_index[1]
    h = _sage_conv(x, src, dst, Wl1, bl1, Wr1)
    h = jax.nn.relu(h)
    out = _sage_conv(h, src, dst, Wl2, bl2, Wr2)
    return out

if __name__ == "__main__":
    import jax
    _d = setup_inputs()
    print(jax.jit(kernel)(*tuple(_d.values())))

</pallas_src>

<mosaic_0001>
#map = affine_map<(d0, d1) -> (0, 0)>
module attributes {stable_mosaic.version = 14 : i64} {
  func.func @k(%arg0: i32, %arg1: i32, %arg2: memref<20000x64xf32, #tpu.memory_space<hbm>>, %arg3: memref<5120x128xi32, #tpu.memory_space<hbm>>, %arg4: memref<2560x128xi32, #tpu.memory_space<hbm>>, %arg5: memref<128x64xf32, #tpu.memory_space<hbm>>, %arg6: memref<128x16xf32, #tpu.memory_space<hbm>>, %arg7: memref<128x16xf32, #tpu.memory_space<hbm>>, %arg8: memref<20480x64xf32, #tpu.memory_space<hbm>>, %arg9: memref<20480x16xf32, #tpu.memory_space<hbm>>, %arg10: memref<40x128xi32, #tpu.memory_space<vmem>>, %arg11: memref<40x128xi32, #tpu.memory_space<vmem>>, %arg12: memref<128x64xf32, #tpu.memory_space<vmem>>, %arg13: memref<128x64xf32, #tpu.memory_space<vmem>>, %arg14: memref<128x64xf32, #tpu.memory_space<vmem>>, %arg15: memref<128x64xf32, #tpu.memory_space<vmem>>, %arg16: memref<128x64xf32, #tpu.memory_space<vmem>>, %arg17: memref<128x64xf32, #tpu.memory_space<vmem>>, %arg18: memref<128x64xf32, #tpu.memory_space<vmem>>, %arg19: memref<128x64xf32, #tpu.memory_space<vmem>>, %arg20: memref<10240x64xf32, #tpu.memory_space<vmem_shared>>, %arg21: memref<!tpu.dma_semaphore, #tpu.memory_space<semaphore_mem>>, %arg22: memref<!tpu.dma_semaphore, #tpu.memory_space<semaphore_mem>>, %arg23: memref<!tpu.dma_semaphore, #tpu.memory_space<semaphore_mem>>, %arg24: memref<!tpu.dma_semaphore, #tpu.memory_space<semaphore_mem>>, %arg25: memref<!tpu.dma_semaphore, #tpu.memory_space<semaphore_mem>>, %arg26: memref<!tpu.dma_semaphore, #tpu.memory_space<semaphore_mem>>, %arg27: memref<!tpu.dma_semaphore, #tpu.memory_space<semaphore_mem>>, %arg28: memref<!tpu.dma_semaphore, #tpu.memory_space<semaphore_mem>>, %arg29: memref<!tpu.dma_semaphore, #tpu.memory_space<semaphore_mem>>, %arg30: memref<!tpu.dma_semaphore, #tpu.memory_space<semaphore_mem>>, %arg31: memref<!tpu.dma_semaphore, #tpu.memory_space<semaphore_mem>>, %arg32: memref<!tpu.dma_semaphore, #tpu.memory_space<semaphore_mem>>, %arg33: memref<!tpu.dma_semaphore, #tpu.memory_space<semaphore_mem>>, %arg34: memref<!tpu.dma_semaphore, #tpu.memory_space<semaphore_mem>>, %arg35: memref<!tpu.dma_semaphore, #tpu.memory_space<semaphore_mem>>, %arg36: memref<!tpu.dma_semaphore, #tpu.memory_space<semaphore_mem>>, %arg37: memref<128x16xf32, #tpu.memory_space<vmem>>, %arg38: memref<10240x16xf32, #tpu.memory_space<vmem_shared>>, %arg39: memref<!tpu.dma_semaphore, #tpu.memory_space<semaphore_mem>>, %arg40: memref<!tpu.dma_semaphore, #tpu.memory_space<semaphore_mem>>, %arg41: memref<!tpu.dma_semaphore, #tpu.memory_space<semaphore_mem>>, %arg42: memref<!tpu.dma_semaphore, #tpu.memory_space<semaphore_mem>>, %arg43: memref<!tpu.dma_semaphore, #tpu.memory_space<semaphore_mem>>, %arg44: memref<!tpu.dma_semaphore, #tpu.memory_space<semaphore_mem>>, %arg45: memref<!tpu.dma_semaphore, #tpu.memory_space<semaphore_mem>>, %arg46: memref<!tpu.dma_semaphore, #tpu.memory_space<semaphore_mem>>) attributes {dimension_semantics = [#tpu.dimension_semantics<core_parallel>, #tpu.dimension_semantics<subcore_parallel>], iteration_bounds = array<i64: 2, 16>, scalar_prefetch = 0 : i64, scratch_operands = 37 : i64, tpu.core_type = #tpu.core_type<sc_vector_subcore>, window_params = [{transform_indices = #map}, {transform_indices = #map}, {transform_indices = #map}, {transform_indices = #map}, {transform_indices = #map}, {transform_indices = #map}, {transform_indices = #map}, {transform_indices = #map}]} {
    %mul3A = arith.constant 16 : i32
    %mul3A_0 = arith.muli %arg0, %mul3A : i32
    %add3A = arith.addi %mul3A_0, %arg1 : i32
    %mul3A_1 = arith.constant 160 : i32
    %mul3A_2 = arith.muli %add3A, %mul3A_1 : i32
    %multiple_of3A = tpu.assume_multiple %mul3A_2, 160 : i32
    %mul3A_3 = arith.constant 160 : i32
    %mul3A_4 = arith.muli %arg1, %mul3A_3 : i32
    %multiple_of3A_5 = tpu.assume_multiple %mul3A_4, 160 : i32
    "tpu.region"() ({
      %run_scoped3A = tpu.sem_alloc : memref<!tpu.dma_semaphore, #tpu.memory_space<semaphore_mem>>
      tpu.enqueue_dma source(%arg5 : memref<128x64xf32, #tpu.memory_space<hbm>>) target(%arg12 : memref<128x64xf32, #tpu.memory_space<vmem>>) target_semaphore(%run_scoped3A : memref<!tpu.dma_semaphore, #tpu.memory_space<semaphore_mem>>)
      tpu.wait_dma2 semaphore(%run_scoped3A : memref<!tpu.dma_semaphore, #tpu.memory_space<semaphore_mem>>) src(%arg5 : memref<128x64xf32, #tpu.memory_space<hbm>>) dst(%arg12 : memref<128x64xf32, #tpu.memory_space<vmem>>)
      tpu.yield
    }) : () -> ()
    "tpu.region"() ({
      %run_scoped3A = tpu.sem_alloc : memref<!tpu.dma_semaphore, #tpu.memory_space<semaphore_mem>>
      tpu.enqueue_dma source(%arg6 : memref<128x16xf32, #tpu.memory_space<hbm>>) target(%arg37 : memref<128x16xf32, #tpu.memory_space<vmem>>) target_semaphore(%run_scoped3A : memref<!tpu.dma_semaphore, #tpu.memory_space<semaphore_mem>>)
      tpu.wait_dma2 semaphore(%run_scoped3A : memref<!tpu.dma_semaphore, #tpu.memory_space<semaphore_mem>>) src(%arg6 : memref<128x16xf32, #tpu.memory_space<hbm>>) dst(%arg37 : memref<128x16xf32, #tpu.memory_space<vmem>>)
      tpu.yield
    }) : () -> ()
    %mul3A_6 = arith.constant 640 : i32
    %mul3A_7 = arith.muli %arg1, %mul3A_6 : i32
    %add3A_8 = arith.constant 0 : i32
    %add3A_9 = arith.addi %mul3A_7, %add3A_8 : i32
    "tpu.region"() ({
      %run_scoped3A = tpu.sem_alloc : memref<!tpu.dma_semaphore, #tpu.memory_space<semaphore_mem>>
      %dma_start3A = arith.constant 0 : i32
      %dma_start3A_71 = tpu.memref_slice %arg20[%add3A_9, %dma_start3A] : memref<10240x64xf32, #tpu.memory_space<vmem_shared>> -> memref<128x64xf32, #tpu.memory_space<vmem_shared>>
      %dma_start3A_72 = arith.constant 0 : i32
      %dma_start3A_73 = tpu.memref_slice %arg20[%add3A_9, %dma_start3A_72] : memref<10240x64xf32, #tpu.memory_space<vmem_shared>> -> memref<128x64xf32, #tpu.memory_space<vmem_shared>>
      tpu.enqueue_dma source(%arg12 : memref<128x64xf32, #tpu.memory_space<vmem>>) target(%dma_start3A_73 : memref<128x64xf32, #tpu.memory_space<vmem_shared>>) target_semaphore(%run_scoped3A : memref<!tpu.dma_semaphore, #tpu.memory_space<semaphore_mem>>)
      %dma_wait3A = arith.constant 0 : i32
      %dma_wait3A_74 = tpu.memref_slice %arg20[%add3A_9, %dma_wait3A] : memref<10240x64xf32, #tpu.memory_space<vmem_shared>> -> memref<128x64xf32, #tpu.memory_space<vmem_shared>>
      %dma_wait3A_75 = arith.constant 0 : i32
      %dma_wait3A_76 = tpu.memref_slice %arg20[%add3A_9, %dma_wait3A_75] : memref<10240x64xf32, #tpu.memory_space<vmem_shared>> -> memref<128x64xf32, #tpu.memory_space<vmem_shared>>
      tpu.wait_dma2 semaphore(%run_scoped3A : memref<!tpu.dma_semaphore, #tpu.memory_space<semaphore_mem>>) src(%arg12 : memref<128x64xf32, #tpu.memory_space<vmem>>) dst(%dma_wait3A_76 : memref<128x64xf32, #tpu.memory_space<vmem_shared>>)
      tpu.yield
    }) : () -> ()
    "tpu.region"() ({
      %run_scoped3A = tpu.sem_alloc : memref<!tpu.dma_semaphore, #tpu.memory_space<semaphore_mem>>
      %dma_start3A = arith.constant 0 : i32
      %dma_start3A_71 = tpu.memref_slice %arg38[%add3A_9, %dma_start3A] : memref<10240x16xf32, #tpu.memory_space<vmem_shared>> -> memref<128x16xf32, #tpu.memory_space<vmem_shared>>
      %dma_start3A_72 = arith.constant 0 : i32
      %dma_start3A_73 = tpu.memref_slice %arg38[%add3A_9, %dma_start3A_72] : memref<10240x16xf32, #tpu.memory_space<vmem_shared>> -> memref<128x16xf32, #tpu.memory_space<vmem_shared>>
      tpu.enqueue_dma source(%arg37 : memref<128x16xf32, #tpu.memory_space<vmem>>) target(%dma_start3A_73 : memref<128x16xf32, #tpu.memory_space<vmem_shared>>) target_semaphore(%run_scoped3A : memref<!tpu.dma_semaphore, #tpu.memory_space<semaphore_mem>>)
      %dma_wait3A = arith.constant 0 : i32
      %dma_wait3A_74 = tpu.memref_slice %arg38[%add3A_9, %dma_wait3A] : memref<10240x16xf32, #tpu.memory_space<vmem_shared>> -> memref<128x16xf32, #tpu.memory_space<vmem_shared>>
      %dma_wait3A_75 = arith.constant 0 : i32
      %dma_wait3A_76 = tpu.memref_slice %arg38[%add3A_9, %dma_wait3A_75] : memref<10240x16xf32, #tpu.memory_space<vmem_shared>> -> memref<128x16xf32, #tpu.memory_space<vmem_shared>>
      tpu.wait_dma2 semaphore(%run_scoped3A : memref<!tpu.dma_semaphore, #tpu.memory_space<semaphore_mem>>) src(%arg37 : memref<128x16xf32, #tpu.memory_space<vmem>>) dst(%dma_wait3A_76 : memref<128x16xf32, #tpu.memory_space<vmem_shared>>)
      tpu.yield
    }) : () -> ()
    %mul3A_10 = arith.constant 640 : i32
    %mul3A_11 = arith.muli %arg1, %mul3A_10 : i32
    %add3A_12 = arith.constant 128 : i32
    %add3A_13 = arith.addi %mul3A_11, %add3A_12 : i32
    "tpu.region"() ({
      %run_scoped3A = tpu.sem_alloc : memref<!tpu.dma_semaphore, #tpu.memory_space<semaphore_mem>>
      %dma_start3A = arith.constant 0 : i32
      %dma_start3A_71 = tpu.memref_slice %arg20[%add3A_13, %dma_start3A] : memref<10240x64xf32, #tpu.memory_space<vmem_shared>> -> memref<128x64xf32, #tpu.memory_space<vmem_shared>>
      %dma_start3A_72 = arith.constant 0 : i32
      %dma_start3A_73 = tpu.memref_slice %arg20[%add3A_13, %dma_start3A_72] : memref<10240x64xf32, #tpu.memory_space<vmem_shared>> -> memref<128x64xf32, #tpu.memory_space<vmem_shared>>
      tpu.enqueue_dma source(%arg12 : memref<128x64xf32, #tpu.memory_space<vmem>>) target(%dma_start3A_73 : memref<128x64xf32, #tpu.memory_space<vmem_shared>>) target_semaphore(%run_scoped3A : memref<!tpu.dma_semaphore, #tpu.memory_space<semaphore_mem>>)
      %dma_wait3A = arith.constant 0 : i32
      %dma_wait3A_74 = tpu.memref_slice %arg20[%add3A_13, %dma_wait3A] : memref<10240x64xf32, #tpu.memory_space<vmem_shared>> -> memref<128x64xf32, #tpu.memory_space<vmem_shared>>
      %dma_wait3A_75 = arith.constant 0 : i32
      %dma_wait3A_76 = tpu.memref_slice %arg20[%add3A_13, %dma_wait3A_75] : memref<10240x64xf32, #tpu.memory_space<vmem_shared>> -> memref<128x64xf32, #tpu.memory_space<vmem_shared>>
      tpu.wait_dma2 semaphore(%run_scoped3A : memref<!tpu.dma_semaphore, #tpu.memory_space<semaphore_mem>>) src(%arg12 : memref<128x64xf32, #tpu.memory_space<vmem>>) dst(%dma_wait3A_76 : memref<128x64xf32, #tpu.memory_space<vmem_shared>>)
      tpu.yield
    }) : () -> ()
    "tpu.region"() ({
      %run_scoped3A = tpu.sem_alloc : memref<!tpu.dma_semaphore, #tpu.memory_space<semaphore_mem>>
      %dma_start3A = arith.constant 0 : i32
      %dma_start3A_71 = tpu.memref_slice %arg38[%add3A_13, %dma_start3A] : memref<10240x16xf32, #tpu.memory_space<vmem_shared>> -> memref<128x16xf32, #tpu.memory_space<vmem_shared>>
      %dma_start3A_72 = arith.constant 0 : i32
      %dma_start3A_73 = tpu.memref_slice %arg38[%add3A_13, %dma_start3A_72] : memref<10240x16xf32, #tpu.memory_space<vmem_shared>> -> memref<128x16xf32, #tpu.memory_space<vmem_shared>>
      tpu.enqueue_dma source(%arg37 : memref<128x16xf32, #tpu.memory_space<vmem>>) target(%dma_start3A_73 : memref<128x16xf32, #tpu.memory_space<vmem_shared>>) target_semaphore(%run_scoped3A : memref<!tpu.dma_semaphore, #tpu.memory_space<semaphore_mem>>)
      %dma_wait3A = arith.constant 0 : i32
      %dma_wait3A_74 = tpu.memref_slice %arg38[%add3A_13, %dma_wait3A] : memref<10240x16xf32, #tpu.memory_space<vmem_shared>> -> memref<128x16xf32, #tpu.memory_space<vmem_shared>>
      %dma_wait3A_75 = arith.constant 0 : i32
      %dma_wait3A_76 = tpu.memref_slice %arg38[%add3A_13, %dma_wait3A_75] : memref<10240x16xf32, #tpu.memory_space<vmem_shared>> -> memref<128x16xf32, #tpu.memory_space<vmem_shared>>
      tpu.wait_dma2 semaphore(%run_scoped3A : memref<!tpu.dma_semaphore, #tpu.memory_space<semaphore_mem>>) src(%arg37 : memref<128x16xf32, #tpu.memory_space<vmem>>) dst(%dma_wait3A_76 : memref<128x16xf32, #tpu.memory_space<vmem_shared>>)
      tpu.yield
    }) : () -> ()
    %mul3A_14 = arith.constant 640 : i32
    %mul3A_15 = arith.muli %arg1, %mul3A_14 : i32
    %add3A_16 = arith.constant 256 : i32
    %add3A_17 = arith.addi %mul3A_15, %add3A_16 : i32
    "tpu.region"() ({
      %run_scoped3A = tpu.sem_alloc : memref<!tpu.dma_semaphore, #tpu.memory_space<semaphore_mem>>
      %dma_start3A = arith.constant 0 : i32
      %dma_start3A_71 = tpu.memref_slice %arg20[%add3A_17, %dma_start3A] : memref<10240x64xf32, #tpu.memory_space<vmem_shared>> -> memref<128x64xf32, #tpu.memory_space<vmem_shared>>
      %dma_start3A_72 = arith.constant 0 : i32
      %dma_start3A_73 = tpu.memref_slice %arg20[%add3A_17, %dma_start3A_72] : memref<10240x64xf32, #tpu.memory_space<vmem_shared>> -> memref<128x64xf32, #tpu.memory_space<vmem_shared>>
      tpu.enqueue_dma source(%arg12 : memref<128x64xf32, #tpu.memory_space<vmem>>) target(%dma_start3A_73 : memref<128x64xf32, #tpu.memory_space<vmem_shared>>) target_semaphore(%run_scoped3A : memref<!tpu.dma_semaphore, #tpu.memory_space<semaphore_mem>>)
      %dma_wait3A = arith.constant 0 : i32
      %dma_wait3A_74 = tpu.memref_slice %arg20[%add3A_17, %dma_wait3A] : memref<10240x64xf32, #tpu.memory_space<vmem_shared>> -> memref<128x64xf32, #tpu.memory_space<vmem_shared>>
      %dma_wait3A_75 = arith.constant 0 : i32
      %dma_wait3A_76 = tpu.memref_slice %arg20[%add3A_17, %dma_wait3A_75] : memref<10240x64xf32, #tpu.memory_space<vmem_shared>> -> memref<128x64xf32, #tpu.memory_space<vmem_shared>>
      tpu.wait_dma2 semaphore(%run_scoped3A : memref<!tpu.dma_semaphore, #tpu.memory_space<semaphore_mem>>) src(%arg12 : memref<128x64xf32, #tpu.memory_space<vmem>>) dst(%dma_wait3A_76 : memref<128x64xf32, #tpu.memory_space<vmem_shared>>)
      tpu.yield
    }) : () -> ()
    "tpu.region"() ({
      %run_scoped3A = tpu.sem_alloc : memref<!tpu.dma_semaphore, #tpu.memory_space<semaphore_mem>>
      %dma_start3A = arith.constant 0 : i32
      %dma_start3A_71 = tpu.memref_slice %arg38[%add3A_17, %dma_start3A] : memref<10240x16xf32, #tpu.memory_space<vmem_shared>> -> memref<128x16xf32, #tpu.memory_space<vmem_shared>>
      %dma_start3A_72 = arith.constant 0 : i32
      %dma_start3A_73 = tpu.memref_slice %arg38[%add3A_17, %dma_start3A_72] : memref<10240x16xf32, #tpu.memory_space<vmem_shared>> -> memref<128x16xf32, #tpu.memory_space<vmem_shared>>
      tpu.enqueue_dma source(%arg37 : memref<128x16xf32, #tpu.memory_space<vmem>>) target(%dma_start3A_73 : memref<128x16xf32, #tpu.memory_space<vmem_shared>>) target_semaphore(%run_scoped3A : memref<!tpu.dma_semaphore, #tpu.memory_space<semaphore_mem>>)
      %dma_wait3A = arith.constant 0 : i32
      %dma_wait3A_74 = tpu.memref_slice %arg38[%add3A_17, %dma_wait3A] : memref<10240x16xf32, #tpu.memory_space<vmem_shared>> -> memref<128x16xf32, #tpu.memory_space<vmem_shared>>
      %dma_wait3A_75 = arith.constant 0 : i32
      %dma_wait3A_76 = tpu.memref_slice %arg38[%add3A_17, %dma_wait3A_75] : memref<10240x16xf32, #tpu.memory_space<vmem_shared>> -> memref<128x16xf32, #tpu.memory_space<vmem_shared>>
      tpu.wait_dma2 semaphore(%run_scoped3A : memref<!tpu.dma_semaphore, #tpu.memory_space<semaphore_mem>>) src(%arg37 : memref<128x16xf32, #tpu.memory_space<vmem>>) dst(%dma_wait3A_76 : memref<128x16xf32, #tpu.memory_space<vmem_shared>>)
      tpu.yield
    }) : () -> ()
    %mul3A_18 = arith.constant 640 : i32
    %mul3A_19 = arith.muli %arg1, %mul3A_18 : i32
    %add3A_20 = arith.constant 384 : i32
    %add3A_21 = arith.addi %mul3A_19, %add3A_20 : i32
    "tpu.region"() ({
      %run_scoped3A = tpu.sem_alloc : memref<!tpu.dma_semaphore, #tpu.memory_space<semaphore_mem>>
      %dma_start3A = arith.constant 0 : i32
      %dma_start3A_71 = tpu.memref_slice %arg20[%add3A_21, %dma_start3A] : memref<10240x64xf32, #tpu.memory_space<vmem_shared>> -> memref<128x64xf32, #tpu.memory_space<vmem_shared>>
      %dma_start3A_72 = arith.constant 0 : i32
      %dma_start3A_73 = tpu.memref_slice %arg20[%add3A_21, %dma_start3A_72] : memref<10240x64xf32, #tpu.memory_space<vmem_shared>> -> memref<128x64xf32, #tpu.memory_space<vmem_shared>>
      tpu.enqueue_dma source(%arg12 : memref<128x64xf32, #tpu.memory_space<vmem>>) target(%dma_start3A_73 : memref<128x64xf32, #tpu.memory_space<vmem_shared>>) target_semaphore(%run_scoped3A : memref<!tpu.dma_semaphore, #tpu.memory_space<semaphore_mem>>)
      %dma_wait3A = arith.constant 0 : i32
      %dma_wait3A_74 = tpu.memref_slice %arg20[%add3A_21, %dma_wait3A] : memref<10240x64xf32, #tpu.memory_space<vmem_shared>> -> memref<128x64xf32, #tpu.memory_space<vmem_shared>>
      %dma_wait3A_75 = arith.constant 0 : i32
      %dma_wait3A_76 = tpu.memref_slice %arg20[%add3A_21, %dma_wait3A_75] : memref<10240x64xf32, #tpu.memory_space<vmem_shared>> -> memref<128x64xf32, #tpu.memory_space<vmem_shared>>
      tpu.wait_dma2 semaphore(%run_scoped3A : memref<!tpu.dma_semaphore, #tpu.memory_space<semaphore_mem>>) src(%arg12 : memref<128x64xf32, #tpu.memory_space<vmem>>) dst(%dma_wait3A_76 : memref<128x64xf32, #tpu.memory_space<vmem_shared>>)
      tpu.yield
    }) : () -> ()
    "tpu.region"() ({
      %run_scoped3A = tpu.sem_alloc : memref<!tpu.dma_semaphore, #tpu.memory_space<semaphore_mem>>
      %dma_start3A = arith.constant 0 : i32
      %dma_start3A_71 = tpu.memref_slice %arg38[%add3A_21, %dma_start3A] : memref<10240x16xf32, #tpu.memory_space<vmem_shared>> -> memref<128x16xf32, #tpu.memory_space<vmem_shared>>
      %dma_start3A_72 = arith.constant 0 : i32
      %dma_start3A_73 = tpu.memref_slice %arg38[%add3A_21, %dma_start3A_72] : memref<10240x16xf32, #tpu.memory_space<vmem_shared>> -> memref<128x16xf32, #tpu.memory_space<vmem_shared>>
      tpu.enqueue_dma source(%arg37 : memref<128x16xf32, #tpu.memory_space<vmem>>) target(%dma_start3A_73 : memref<128x16xf32, #tpu.memory_space<vmem_shared>>) target_semaphore(%run_scoped3A : memref<!tpu.dma_semaphore, #tpu.memory_space<semaphore_mem>>)
      %dma_wait3A = arith.constant 0 : i32
      %dma_wait3A_74 = tpu.memref_slice %arg38[%add3A_21, %dma_wait3A] : memref<10240x16xf32, #tpu.memory_space<vmem_shared>> -> memref<128x16xf32, #tpu.memory_space<vmem_shared>>
      %dma_wait3A_75 = arith.constant 0 : i32
      %dma_wait3A_76 = tpu.memref_slice %arg38[%add3A_21, %dma_wait3A_75] : memref<10240x16xf32, #tpu.memory_space<vmem_shared>> -> memref<128x16xf32, #tpu.memory_space<vmem_shared>>
      tpu.wait_dma2 semaphore(%run_scoped3A : memref<!tpu.dma_semaphore, #tpu.memory_space<semaphore_mem>>) src(%arg37 : memref<128x16xf32, #tpu.memory_space<vmem>>) dst(%dma_wait3A_76 : memref<128x16xf32, #tpu.memory_space<vmem_shared>>)
      tpu.yield
    }) : () -> ()
    %mul3A_22 = arith.constant 640 : i32
    %mul3A_23 = arith.muli %arg1, %mul3A_22 : i32
    %add3A_24 = arith.constant 512 : i32
    %add3A_25 = arith.addi %mul3A_23, %add3A_24 : i32
    "tpu.region"() ({
      %run_scoped3A = tpu.sem_alloc : memref<!tpu.dma_semaphore, #tpu.memory_space<semaphore_mem>>
      %dma_start3A = arith.constant 0 : i32
      %dma_start3A_71 = tpu.memref_slice %arg20[%add3A_25, %dma_start3A] : memref<10240x64xf32, #tpu.memory_space<vmem_shared>> -> memref<128x64xf32, #tpu.memory_space<vmem_shared>>
      %dma_start3A_72 = arith.constant 0 : i32
      %dma_start3A_73 = tpu.memref_slice %arg20[%add3A_25, %dma_start3A_72] : memref<10240x64xf32, #tpu.memory_space<vmem_shared>> -> memref<128x64xf32, #tpu.memory_space<vmem_shared>>
      tpu.enqueue_dma source(%arg12 : memref<128x64xf32, #tpu.memory_space<vmem>>) target(%dma_start3A_73 : memref<128x64xf32, #tpu.memory_space<vmem_shared>>) target_semaphore(%run_scoped3A : memref<!tpu.dma_semaphore, #tpu.memory_space<semaphore_mem>>)
      %dma_wait3A = arith.constant 0 : i32
      %dma_wait3A_74 = tpu.memref_slice %arg20[%add3A_25, %dma_wait3A] : memref<10240x64xf32, #tpu.memory_space<vmem_shared>> -> memref<128x64xf32, #tpu.memory_space<vmem_shared>>
      %dma_wait3A_75 = arith.constant 0 : i32
      %dma_wait3A_76 = tpu.memref_slice %arg20[%add3A_25, %dma_wait3A_75] : memref<10240x64xf32, #tpu.memory_space<vmem_shared>> -> memref<128x64xf32, #tpu.memory_space<vmem_shared>>
      tpu.wait_dma2 semaphore(%run_scoped3A : memref<!tpu.dma_semaphore, #tpu.memory_space<semaphore_mem>>) src(%arg12 : memref<128x64xf32, #tpu.memory_space<vmem>>) dst(%dma_wait3A_76 : memref<128x64xf32, #tpu.memory_space<vmem_shared>>)
      tpu.yield
    }) : () -> ()
    "tpu.region"() ({
      %run_scoped3A = tpu.sem_alloc : memref<!tpu.dma_semaphore, #tpu.memory_space<semaphore_mem>>
      %dma_start3A = arith.constant 0 : i32
      %dma_start3A_71 = tpu.memref_slice %arg38[%add3A_25, %dma_start3A] : memref<10240x16xf32, #tpu.memory_space<vmem_shared>> -> memref<128x16xf32, #tpu.memory_space<vmem_shared>>
      %dma_start3A_72 = arith.constant 0 : i32
      %dma_start3A_73 = tpu.memref_slice %arg38[%add3A_25, %dma_start3A_72] : memref<10240x16xf32, #tpu.memory_space<vmem_shared>> -> memref<128x16xf32, #tpu.memory_space<vmem_shared>>
      tpu.enqueue_dma source(%arg37 : memref<128x16xf32, #tpu.memory_space<vmem>>) target(%dma_start3A_73 : memref<128x16xf32, #tpu.memory_space<vmem_shared>>) target_semaphore(%run_scoped3A : memref<!tpu.dma_semaphore, #tpu.memory_space<semaphore_mem>>)
      %dma_wait3A = arith.constant 0 : i32
      %dma_wait3A_74 = tpu.memref_slice %arg38[%add3A_25, %dma_wait3A] : memref<10240x16xf32, #tpu.memory_space<vmem_shared>> -> memref<128x16xf32, #tpu.memory_space<vmem_shared>>
      %dma_wait3A_75 = arith.constant 0 : i32
      %dma_wait3A_76 = tpu.memref_slice %arg38[%add3A_25, %dma_wait3A_75] : memref<10240x16xf32, #tpu.memory_space<vmem_shared>> -> memref<128x16xf32, #tpu.memory_space<vmem_shared>>
      tpu.wait_dma2 semaphore(%run_scoped3A : memref<!tpu.dma_semaphore, #tpu.memory_space<semaphore_mem>>) src(%arg37 : memref<128x16xf32, #tpu.memory_space<vmem>>) dst(%dma_wait3A_76 : memref<128x16xf32, #tpu.memory_space<vmem_shared>>)
      tpu.yield
    }) : () -> ()
    "tpu.region"() ({
      %run_scoped3A = tpu.sem_alloc : memref<!tpu.dma_semaphore, #tpu.memory_space<semaphore_mem>>
      tpu.enqueue_dma source(%arg7 : memref<128x16xf32, #tpu.memory_space<hbm>>) target(%arg37 : memref<128x16xf32, #tpu.memory_space<vmem>>) target_semaphore(%run_scoped3A : memref<!tpu.dma_semaphore, #tpu.memory_space<semaphore_mem>>)
      tpu.wait_dma2 semaphore(%run_scoped3A : memref<!tpu.dma_semaphore, #tpu.memory_space<semaphore_mem>>) src(%arg7 : memref<128x16xf32, #tpu.memory_space<hbm>>) dst(%arg37 : memref<128x16xf32, #tpu.memory_space<vmem>>)
      tpu.yield
    }) : () -> ()
    %barrier3A = arith.constant 0 : index
    tpu.barrier barrier_id(%barrier3A)
    %scan3A = arith.constant 0 : i32
    %scan3A_26 = arith.constant 4 : i32
    %scan3A_27 = arith.addi %scan3A, %scan3A_26 : i32
    %scan3A_28 = arith.constant 1 : i32
    scf.for %scan3A_71 = %scan3A to %scan3A_27 step %scan3A_28  : i32 {
      %mul3A_72 = arith.constant 1 : i32
      %mul3A_73 = arith.muli %scan3A_71, %mul3A_72 : i32
      %add3A_74 = arith.constant 0 : i32
      %add3A_75 = arith.addi %add3A_74, %mul3A_73 : i32
      %mul3A_76 = arith.constant 40 : i32
      %mul3A_77 = arith.muli %add3A_75, %mul3A_76 : i32
      %add3A_78 = arith.addi %multiple_of3A, %mul3A_77 : i32
      "tpu.region"() ({
        %run_scoped3A = tpu.sem_alloc : memref<!tpu.dma_semaphore, #tpu.memory_space<semaphore_mem>>
        %dma_start3A_142 = arith.constant 0 : i32
        %dma_start3A_143 = tpu.memref_slice %arg3[%add3A_78, %dma_start3A_142] : memref<5120x128xi32, #tpu.memory_space<hbm>> -> memref<40x128xi32, #tpu.memory_space<hbm>>
        %dma_start3A_144 = arith.constant 0 : i32
        %dma_start3A_145 = tpu.memref_slice %arg3[%add3A_78, %dma_start3A_144] : memref<5120x128xi32, #tpu.memory_space<hbm>> -> memref<40x128xi32, #tpu.memory_space<hbm>>
        tpu.enqueue_dma source(%dma_start3A_145 : memref<40x128xi32, #tpu.memory_space<hbm>>) target(%arg10 : memref<40x128xi32, #tpu.memory_space<vmem>>) target_semaphore(%run_scoped3A : memref<!tpu.dma_semaphore, #tpu.memory_space<semaphore_mem>>)
        %dma_wait3A = arith.constant 0 : i32
        %dma_wait3A_146 = tpu.memref_slice %arg3[%add3A_78, %dma_wait3A] : memref<5120x128xi32, #tpu.memory_space<hbm>> -> memref<40x128xi32, #tpu.memory_space<hbm>>
        %dma_wait3A_147 = arith.constant 0 : i32
        %dma_wait3A_148 = tpu.memref_slice %arg3[%add3A_78, %dma_wait3A_147] : memref<5120x128xi32, #tpu.memory_space<hbm>> -> memref<40x128xi32, #tpu.memory_space<hbm>>
        tpu.wait_dma2 semaphore(%run_scoped3A : memref<!tpu.dma_semaphore, #tpu.memory_space<semaphore_mem>>) src(%dma_wait3A_148 : memref<40x128xi32, #tpu.memory_space<hbm>>) dst(%arg10 : memref<40x128xi32, #tpu.memory_space<vmem>>)
        tpu.yield
      }) : () -> ()
      %mul3A_79 = arith.constant 40 : i32
      %mul3A_80 = arith.muli %add3A_75, %mul3A_79 : i32
      %add3A_81 = arith.addi %multiple_of3A_5, %mul3A_80 : i32
      "tpu.region"() ({
        %run_scoped3A = tpu.sem_alloc : memref<!tpu.dma_semaphore, #tpu.memory_space<semaphore_mem>>
        %dma_start3A_142 = arith.constant 0 : i32
        %dma_start3A_143 = tpu.memref_slice %arg4[%add3A_81, %dma_start3A_142] : memref<2560x128xi32, #tpu.memory_space<hbm>> -> memref<40x128xi32, #tpu.memory_space<hbm>>
        %dma_start3A_144 = arith.constant 0 : i32
        %dma_start3A_145 = tpu.memref_slice %arg4[%add3A_81, %dma_start3A_144] : memref<2560x128xi32, #tpu.memory_space<hbm>> -> memref<40x128xi32, #tpu.memory_space<hbm>>
        tpu.enqueue_dma source(%dma_start3A_145 : memref<40x128xi32, #tpu.memory_space<hbm>>) target(%arg11 : memref<40x128xi32, #tpu.memory_space<vmem>>) target_semaphore(%run_scoped3A : memref<!tpu.dma_semaphore, #tpu.memory_space<semaphore_mem>>)
        %dma_wait3A = arith.constant 0 : i32
        %dma_wait3A_146 = tpu.memref_slice %arg4[%add3A_81, %dma_wait3A] : memref<2560x128xi32, #tpu.memory_space<hbm>> -> memref<40x128xi32, #tpu.memory_space<hbm>>
        %dma_wait3A_147 = arith.constant 0 : i32
        %dma_wait3A_148 = tpu.memref_slice %arg4[%add3A_81, %dma_wait3A_147] : memref<2560x128xi32, #tpu.memory_space<hbm>> -> memref<40x128xi32, #tpu.memory_space<hbm>>
        tpu.wait_dma2 semaphore(%run_scoped3A : memref<!tpu.dma_semaphore, #tpu.memory_space<semaphore_mem>>) src(%dma_wait3A_148 : memref<40x128xi32, #tpu.memory_space<hbm>>) dst(%arg11 : memref<40x128xi32, #tpu.memory_space<vmem>>)
        tpu.yield
      }) : () -> ()
      %dma_start3A = arith.constant 0 : i32
      %dma_start3A_82 = arith.constant 0 : i32
      %dma_start3A_83 = tpu.memref_slice %arg10[%dma_start3A, %dma_start3A_82] : memref<40x128xi32, #tpu.memory_space<vmem>> -> memref<1x128xi32, #tpu.memory_space<vmem>>
      %dma_start3A_84 = tpu.memref_squeeze %dma_start3A_83 : memref<1x128xi32, #tpu.memory_space<vmem>> -> memref<128xi32, #tpu.memory_space<vmem>>
      %dma_start3A_85 = arith.constant 0 : i32
      %dma_start3A_86 = arith.constant 0 : i32
      %dma_start3A_87 = tpu.memref_slice %arg2[%dma_start3A_85, %dma_start3A_86] : memref<20000x64xf32, #tpu.memory_space<hbm>> -> memref<20000x64xf32, #tpu.memory_space<hbm>>
      tpu.enqueue_indirect_dma source(%dma_start3A_87 : memref<20000x64xf32, #tpu.memory_space<hbm>>) target(%arg12 : memref<128x64xf32, #tpu.memory_space<vmem>>) offsets(%dma_start3A_84 : memref<128xi32, #tpu.memory_space<vmem>>) semaphore(%arg21 : memref<!tpu.dma_semaphore, #tpu.memory_space<semaphore_mem>>)
      %dma_start3A_88 = arith.constant 1 : i32
      %dma_start3A_89 = arith.constant 0 : i32
      %dma_start3A_90 = tpu.memref_slice %arg10[%dma_start3A_88, %dma_start3A_89] : memref<40x128xi32, #tpu.memory_space<vmem>> -> memref<1x128xi32, #tpu.memory_space<vmem>>
      %dma_start3A_91 = tpu.memref_squeeze %dma_start3A_90 : memref<1x128xi32, #tpu.memory_space<vmem>> -> memref<128xi32, #tpu.memory_space<vmem>>
      %dma_start3A_92 = arith.constant 0 : i32
      %dma_start3A_93 = arith.constant 0 : i32
      %dma_start3A_94 = tpu.memref_slice %arg2[%dma_start3A_92, %dma_start3A_93] : memref<20000x64xf32, #tpu.memory_space<hbm>> -> memref<20000x64xf32, #tpu.memory_space<hbm>>
      tpu.enqueue_indirect_dma source(%dma_start3A_94 : memref<20000x64xf32, #tpu.memory_space<hbm>>) target(%arg13 : memref<128x64xf32, #tpu.memory_space<vmem>>) offsets(%dma_start3A_91 : memref<128xi32, #tpu.memory_space<vmem>>) semaphore(%arg22 : memref<!tpu.dma_semaphore, #tpu.memory_space<semaphore_mem>>)
      %dma_start3A_95 = arith.constant 2 : i32
      %dma_start3A_96 = arith.constant 0 : i32
      %dma_start3A_97 = tpu.memref_slice %arg10[%dma_start3A_95, %dma_start3A_96] : memref<40x128xi32, #tpu.memory_space<vmem>> -> memref<1x128xi32, #tpu.memory_space<vmem>>
      %dma_start3A_98 = tpu.memref_squeeze %dma_start3A_97 : memref<1x128xi32, #tpu.memory_space<vmem>> -> memref<128xi32, #tpu.memory_space<vmem>>
      %dma_start3A_99 = arith.constant 0 : i32
      %dma_start3A_100 = arith.constant 0 : i32
      %dma_start3A_101 = tpu.memref_slice %arg2[%dma_start3A_99, %dma_start3A_100] : memref<20000x64xf32, #tpu.memory_space<hbm>> -> memref<20000x64xf32, #tpu.memory_space<hbm>>
      tpu.enqueue_indirect_dma source(%dma_start3A_101 : memref<20000x64xf32, #tpu.memory_space<hbm>>) target(%arg14 : memref<128x64xf32, #tpu.memory_space<vmem>>) offsets(%dma_start3A_98 : memref<128xi32, #tpu.memory_space<vmem>>) semaphore(%arg23 : memref<!tpu.dma_semaphore, #tpu.memory_space<semaphore_mem>>)
      %dma_start3A_102 = arith.constant 3 : i32
      %dma_start3A_103 = arith.constant 0 : i32
      %dma_start3A_104 = tpu.memref_slice %arg10[%dma_start3A_102, %dma_start3A_103] : memref<40x128xi32, #tpu.memory_space<vmem>> -> memref<1x128xi32, #tpu.memory_space<vmem>>
      %dma_start3A_105 = tpu.memref_squeeze %dma_start3A_104 : memref<1x128xi32, #tpu.memory_space<vmem>> -> memref<128xi32, #tpu.memory_space<vmem>>
      %dma_start3A_106 = arith.constant 0 : i32
      %dma_start3A_107 = arith.constant 0 : i32
      %dma_start3A_108 = tpu.memref_slice %arg2[%dma_start3A_106, %dma_start3A_107] : memref<20000x64xf32, #tpu.memory_space<hbm>> -> memref<20000x64xf32, #tpu.memory_space<hbm>>
      tpu.enqueue_indirect_dma source(%dma_start3A_108 : memref<20000x64xf32, #tpu.memory_space<hbm>>) target(%arg15 : memref<128x64xf32, #tpu.memory_space<vmem>>) offsets(%dma_start3A_105 : memref<128xi32, #tpu.memory_space<vmem>>) semaphore(%arg24 : memref<!tpu.dma_semaphore, #tpu.memory_space<semaphore_mem>>)
      %dma_start3A_109 = arith.constant 4 : i32
      %dma_start3A_110 = arith.constant 0 : i32
      %dma_start3A_111 = tpu.memref_slice %arg10[%dma_start3A_109, %dma_start3A_110] : memref<40x128xi32, #tpu.memory_space<vmem>> -> memref<1x128xi32, #tpu.memory_space<vmem>>
      %dma_start3A_112 = tpu.memref_squeeze %dma_start3A_111 : memref<1x128xi32, #tpu.memory_space<vmem>> -> memref<128xi32, #tpu.memory_space<vmem>>
      %dma_start3A_113 = arith.constant 0 : i32
      %dma_start3A_114 = arith.constant 0 : i32
      %dma_start3A_115 = tpu.memref_slice %arg2[%dma_start3A_113, %dma_start3A_114] : memref<20000x64xf32, #tpu.memory_space<hbm>> -> memref<20000x64xf32, #tpu.memory_space<hbm>>
      tpu.enqueue_indirect_dma source(%dma_start3A_115 : memref<20000x64xf32, #tpu.memory_space<hbm>>) target(%arg16 : memref<128x64xf32, #tpu.memory_space<vmem>>) offsets(%dma_start3A_112 : memref<128xi32, #tpu.memory_space<vmem>>) semaphore(%arg25 : memref<!tpu.dma_semaphore, #tpu.memory_space<semaphore_mem>>)
      %dma_start3A_116 = arith.constant 5 : i32
      %dma_start3A_117 = arith.constant 0 : i32
      %dma_start3A_118 = tpu.memref_slice %arg10[%dma_start3A_116, %dma_start3A_117] : memref<40x128xi32, #tpu.memory_space<vmem>> -> memref<1x128xi32, #tpu.memory_space<vmem>>
      %dma_start3A_119 = tpu.memref_squeeze %dma_start3A_118 : memref<1x128xi32, #tpu.memory_space<vmem>> -> memref<128xi32, #tpu.memory_space<vmem>>
      %dma_start3A_120 = arith.constant 0 : i32
      %dma_start3A_121 = arith.constant 0 : i32
      %dma_start3A_122 = tpu.memref_slice %arg2[%dma_start3A_120, %dma_start3A_121] : memref<20000x64xf32, #tpu.memory_space<hbm>> -> memref<20000x64xf32, #tpu.memory_space<hbm>>
      tpu.enqueue_indirect_dma source(%dma_start3A_122 : memref<20000x64xf32, #tpu.memory_space<hbm>>) target(%arg17 : memref<128x64xf32, #tpu.memory_space<vmem>>) offsets(%dma_start3A_119 : memref<128xi32, #tpu.memory_space<vmem>>) semaphore(%arg26 : memref<!tpu.dma_semaphore, #tpu.memory_space<semaphore_mem>>)
      %dma_start3A_123 = arith.constant 6 : i32
      %dma_start3A_124 = arith.constant 0 : i32
      %dma_start3A_125 = tpu.memref_slice %arg10[%dma_start3A_123, %dma_start3A_124] : memref<40x128xi32, #tpu.memory_space<vmem>> -> memref<1x128xi32, #tpu.memory_space<vmem>>
      %dma_start3A_126 = tpu.memref_squeeze %dma_start3A_125 : memref<1x128xi32, #tpu.memory_space<vmem>> -> memref<128xi32, #tpu.memory_space<vmem>>
      %dma_start3A_127 = arith.constant 0 : i32
      %dma_start3A_128 = arith.constant 0 : i32
      %dma_start3A_129 = tpu.memref_slice %arg2[%dma_start3A_127, %dma_start3A_128] : memref<20000x64xf32, #tpu.memory_space<hbm>> -> memref<20000x64xf32, #tpu.memory_space<hbm>>
      tpu.enqueue_indirect_dma source(%dma_start3A_129 : memref<20000x64xf32, #tpu.memory_space<hbm>>) target(%arg18 : memref<128x64xf32, #tpu.memory_space<vmem>>) offsets(%dma_start3A_126 : memref<128xi32, #tpu.memory_space<vmem>>) semaphore(%arg27 : memref<!tpu.dma_semaphore, #tpu.memory_space<semaphore_mem>>)
      %dma_start3A_130 = arith.constant 7 : i32
      %dma_start3A_131 = arith.constant 0 : i32
      %dma_start3A_132 = tpu.memref_slice %arg10[%dma_start3A_130, %dma_start3A_131] : memref<40x128xi32, #tpu.memory_space<vmem>> -> memref<1x128xi32, #tpu.memory_space<vmem>>
      %dma_start3A_133 = tpu.memref_squeeze %dma_start3A_132 : memref<1x128xi32, #tpu.memory_space<vmem>> -> memref<128xi32, #tpu.memory_space<vmem>>
      %dma_start3A_134 = arith.constant 0 : i32
      %dma_start3A_135 = arith.constant 0 : i32
      %dma_start3A_136 = tpu.memref_slice %arg2[%dma_start3A_134, %dma_start3A_135] : memref<20000x64xf32, #tpu.memory_space<hbm>> -> memref<20000x64xf32, #tpu.memory_space<hbm>>
      tpu.enqueue_indirect_dma source(%dma_start3A_136 : memref<20000x64xf32, #tpu.memory_space<hbm>>) target(%arg19 : memref<128x64xf32, #tpu.memory_space<vmem>>) offsets(%dma_start3A_133 : memref<128xi32, #tpu.memory_space<vmem>>) semaphore(%arg28 : memref<!tpu.dma_semaphore, #tpu.memory_space<semaphore_mem>>)
      %scan3A_137 = arith.constant 0 : i32
      %scan3A_138 = arith.constant 5 : i32
      %scan3A_139 = arith.addi %scan3A_137, %scan3A_138 : i32
      %scan3A_140 = arith.constant 1 : i32
      scf.for %scan3A_142 = %scan3A_137 to %scan3A_139 step %scan3A_140  : i32 {
        %mul3A_143 = arith.constant 1 : i32
        %mul3A_144 = arith.muli %scan3A_142, %mul3A_143 : i32
        %add3A_145 = arith.constant 0 : i32
        %add3A_146 = arith.addi %add3A_145, %mul3A_144 : i32
        %mul3A_147 = arith.constant 8 : i32
        %mul3A_148 = arith.muli %add3A_146, %mul3A_147 : i32
        %add3A_149 = arith.constant 0 : i32
        %add3A_150 = arith.addi %mul3A_148, %add3A_149 : i32
        %dma_wait3A = arith.constant 0 : i32
        %dma_wait3A_151 = tpu.memref_slice %arg10[%add3A_150, %dma_wait3A] : memref<40x128xi32, #tpu.memory_space<vmem>> -> memref<1x128xi32, #tpu.memory_space<vmem>>
        %dma_wait3A_152 = tpu.memref_squeeze %dma_wait3A_151 : memref<1x128xi32, #tpu.memory_space<vmem>> -> memref<128xi32, #tpu.memory_space<vmem>>
        %dma_wait3A_153 = arith.constant 0 : i32
        %dma_wait3A_154 = arith.constant 0 : i32
        %dma_wait3A_155 = tpu.memref_slice %arg2[%dma_wait3A_153, %dma_wait3A_154] : memref<20000x64xf32, #tpu.memory_space<hbm>> -> memref<20000x64xf32, #tpu.memory_space<hbm>>
        tpu.wait_indirect_dma semaphore(%arg21 : memref<!tpu.dma_semaphore, #tpu.memory_space<semaphore_mem>>) src(%dma_wait3A_155 : memref<20000x64xf32, #tpu.memory_space<hbm>>) dst(%arg12 : memref<128x64xf32, #tpu.memory_space<vmem>>)
        %dma_start3A_156 = arith.constant 0 : i32
        %dma_start3A_157 = tpu.memref_slice %arg11[%add3A_150, %dma_start3A_156] : memref<40x128xi32, #tpu.memory_space<vmem>> -> memref<1x128xi32, #tpu.memory_space<vmem>>
        %dma_start3A_158 = tpu.memref_squeeze %dma_start3A_157 : memref<1x128xi32, #tpu.memory_space<vmem>> -> memref<128xi32, #tpu.memory_space<vmem>>
        %dma_start3A_159 = arith.constant 0 : i32
        %dma_start3A_160 = arith.constant 0 : i32
        %dma_start3A_161 = tpu.memref_slice %arg20[%dma_start3A_159, %dma_start3A_160] : memref<10240x64xf32, #tpu.memory_space<vmem_shared>> -> memref<10240x64xf32, #tpu.memory_space<vmem_shared>>
        tpu.enqueue_indirect_dma source(%arg12 : memref<128x64xf32, #tpu.memory_space<vmem>>) target(%dma_start3A_161 : memref<10240x64xf32, #tpu.memory_space<vmem_shared>>) offsets(%dma_start3A_158 : memref<128xi32, #tpu.memory_space<vmem>>) semaphore(%arg29 : memref<!tpu.dma_semaphore, #tpu.memory_space<semaphore_mem>>) {add = true}
        %dma_start3A_162 = arith.constant 0 : i32
        %dma_start3A_163 = tpu.memref_slice %arg11[%add3A_150, %dma_start3A_162] : memref<40x128xi32, #tpu.memory_space<vmem>> -> memref<1x128xi32, #tpu.memory_space<vmem>>
        %dma_start3A_164 = tpu.memref_squeeze %dma_start3A_163 : memref<1x128xi32, #tpu.memory_space<vmem>> -> memref<128xi32, #tpu.memory_space<vmem>>
        %dma_start3A_165 = arith.constant 0 : i32
        %dma_start3A_166 = arith.constant 0 : i32
        %dma_start3A_167 = tpu.memref_slice %arg38[%dma_start3A_165, %dma_start3A_166] : memref<10240x16xf32, #tpu.memory_space<vmem_shared>> -> memref<10240x16xf32, #tpu.memory_space<vmem_shared>>
        tpu.enqueue_indirect_dma source(%arg37 : memref<128x16xf32, #tpu.memory_space<vmem>>) target(%dma_start3A_167 : memref<10240x16xf32, #tpu.memory_space<vmem_shared>>) offsets(%dma_start3A_164 : memref<128xi32, #tpu.memory_space<vmem>>) semaphore(%arg39 : memref<!tpu.dma_semaphore, #tpu.memory_space<semaphore_mem>>) {add = true}
        %add3A_168 = arith.constant 1 : i32
        %add3A_169 = arith.addi %mul3A_148, %add3A_168 : i32
        %dma_wait3A_170 = arith.constant 0 : i32
        %dma_wait3A_171 = tpu.memref_slice %arg10[%add3A_169, %dma_wait3A_170] : memref<40x128xi32, #tpu.memory_space<vmem>> -> memref<1x128xi32, #tpu.memory_space<vmem>>
        %dma_wait3A_172 = tpu.memref_squeeze %dma_wait3A_171 : memref<1x128xi32, #tpu.memory_space<vmem>> -> memref<128xi32, #tpu.memory_space<vmem>>
        %dma_wait3A_173 = arith.constant 0 : i32
        %dma_wait3A_174 = arith.constant 0 : i32
        %dma_wait3A_175 = tpu.memref_slice %arg2[%dma_wait3A_173, %dma_wait3A_174] : memref<20000x64xf32, #tpu.memory_space<hbm>> -> memref<20000x64xf32, #tpu.memory_space<hbm>>
        tpu.wait_indirect_dma semaphore(%arg22 : memref<!tpu.dma_semaphore, #tpu.memory_space<semaphore_mem>>) src(%dma_wait3A_175 : memref<20000x64xf32, #tpu.memory_space<hbm>>) dst(%arg13 : memref<128x64xf32, #tpu.memory_space<vmem>>)
        %dma_start3A_176 = arith.constant 0 : i32
        %dma_start3A_177 = tpu.memref_slice %arg11[%add3A_169, %dma_start3A_176] : memref<40x128xi32, #tpu.memory_space<vmem>> -> memref<1x128xi32, #tpu.memory_space<vmem>>
        %dma_start3A_178 = tpu.memref_squeeze %dma_start3A_177 : memref<1x128xi32, #tpu.memory_space<vmem>> -> memref<128xi32, #tpu.memory_space<vmem>>
        %dma_start3A_179 = arith.constant 0 : i32
        %dma_start3A_180 = arith.constant 0 : i32
        %dma_start3A_181 = tpu.memref_slice %arg20[%dma_start3A_179, %dma_start3A_180] : memref<10240x64xf32, #tpu.memory_space<vmem_shared>> -> memref<10240x64xf32, #tpu.memory_space<vmem_shared>>
        tpu.enqueue_indirect_dma source(%arg13 : memref<128x64xf32, #tpu.memory_space<vmem>>) target(%dma_start3A_181 : memref<10240x64xf32, #tpu.memory_space<vmem_shared>>) offsets(%dma_start3A_178 : memref<128xi32, #tpu.memory_space<vmem>>) semaphore(%arg30 : memref<!tpu.dma_semaphore, #tpu.memory_space<semaphore_mem>>) {add = true}
        %dma_start3A_182 = arith.constant 0 : i32
        %dma_start3A_183 = tpu.memref_slice %arg11[%add3A_169, %dma_start3A_182] : memref<40x128xi32, #tpu.memory_space<vmem>> -> memref<1x128xi32, #tpu.memory_space<vmem>>
        %dma_start3A_184 = tpu.memref_squeeze %dma_start3A_183 : memref<1x128xi32, #tpu.memory_space<vmem>> -> memref<128xi32, #tpu.memory_space<vmem>>
        %dma_start3A_185 = arith.constant 0 : i32
        %dma_start3A_186 = arith.constant 0 : i32
        %dma_start3A_187 = tpu.memref_slice %arg38[%dma_start3A_185, %dma_start3A_186] : memref<10240x16xf32, #tpu.memory_space<vmem_shared>> -> memref<10240x16xf32, #tpu.memory_space<vmem_shared>>
        tpu.enqueue_indirect_dma source(%arg37 : memref<128x16xf32, #tpu.memory_space<vmem>>) target(%dma_start3A_187 : memref<10240x16xf32, #tpu.memory_space<vmem_shared>>) offsets(%dma_start3A_184 : memref<128xi32, #tpu.memory_space<vmem>>) semaphore(%arg40 : memref<!tpu.dma_semaphore, #tpu.memory_space<semaphore_mem>>) {add = true}
        %add3A_188 = arith.constant 2 : i32
        %add3A_189 = arith.addi %mul3A_148, %add3A_188 : i32
        %dma_wait3A_190 = arith.constant 0 : i32
        %dma_wait3A_191 = tpu.memref_slice %arg10[%add3A_189, %dma_wait3A_190] : memref<40x128xi32, #tpu.memory_space<vmem>> -> memref<1x128xi32, #tpu.memory_space<vmem>>
        %dma_wait3A_192 = tpu.memref_squeeze %dma_wait3A_191 : memref<1x128xi32, #tpu.memory_space<vmem>> -> memref<128xi32, #tpu.memory_space<vmem>>
        %dma_wait3A_193 = arith.constant 0 : i32
        %dma_wait3A_194 = arith.constant 0 : i32
        %dma_wait3A_195 = tpu.memref_slice %arg2[%dma_wait3A_193, %dma_wait3A_194] : memref<20000x64xf32, #tpu.memory_space<hbm>> -> memref<20000x64xf32, #tpu.memory_space<hbm>>
        tpu.wait_indirect_dma semaphore(%arg23 : memref<!tpu.dma_semaphore, #tpu.memory_space<semaphore_mem>>) src(%dma_wait3A_195 : memref<20000x64xf32, #tpu.memory_space<hbm>>) dst(%arg14 : memref<128x64xf32, #tpu.memory_space<vmem>>)
        %dma_start3A_196 = arith.constant 0 : i32
        %dma_start3A_197 = tpu.memref_slice %arg11[%add3A_189, %dma_start3A_196] : memref<40x128xi32, #tpu.memory_space<vmem>> -> memref<1x128xi32, #tpu.memory_space<vmem>>
        %dma_start3A_198 = tpu.memref_squeeze %dma_start3A_197 : memref<1x128xi32, #tpu.memory_space<vmem>> -> memref<128xi32, #tpu.memory_space<vmem>>
        %dma_start3A_199 = arith.constant 0 : i32
        %dma_start3A_200 = arith.constant 0 : i32
        %dma_start3A_201 = tpu.memref_slice %arg20[%dma_start3A_199, %dma_start3A_200] : memref<10240x64xf32, #tpu.memory_space<vmem_shared>> -> memref<10240x64xf32, #tpu.memory_space<vmem_shared>>
        tpu.enqueue_indirect_dma source(%arg14 : memref<128x64xf32, #tpu.memory_space<vmem>>) target(%dma_start3A_201 : memref<10240x64xf32, #tpu.memory_space<vmem_shared>>) offsets(%dma_start3A_198 : memref<128xi32, #tpu.memory_space<vmem>>) semaphore(%arg31 : memref<!tpu.dma_semaphore, #tpu.memory_space<semaphore_mem>>) {add = true}
        %dma_start3A_202 = arith.constant 0 : i32
        %dma_start3A_203 = tpu.memref_slice %arg11[%add3A_189, %dma_start3A_202] : memref<40x128xi32, #tpu.memory_space<vmem>> -> memref<1x128xi32, #tpu.memory_space<vmem>>
        %dma_start3A_204 = tpu.memref_squeeze %dma_start3A_203 : memref<1x128xi32, #tpu.memory_space<vmem>> -> memref<128xi32, #tpu.memory_space<vmem>>
        %dma_start3A_205 = arith.constant 0 : i32
        %dma_start3A_206 = arith.constant 0 : i32
        %dma_start3A_207 = tpu.memref_slice %arg38[%dma_start3A_205, %dma_start3A_206] : memref<10240x16xf32, #tpu.memory_space<vmem_shared>> -> memref<10240x16xf32, #tpu.memory_space<vmem_shared>>
        tpu.enqueue_indirect_dma source(%arg37 : memref<128x16xf32, #tpu.memory_space<vmem>>) target(%dma_start3A_207 : memref<10240x16xf32, #tpu.memory_space<vmem_shared>>) offsets(%dma_start3A_204 : memref<128xi32, #tpu.memory_space<vmem>>) semaphore(%arg41 : memref<!tpu.dma_semaphore, #tpu.memory_space<semaphore_mem>>) {add = true}
        %add3A_208 = arith.constant 3 : i32
        %add3A_209 = arith.addi %mul3A_148, %add3A_208 : i32
        %dma_wait3A_210 = arith.constant 0 : i32
        %dma_wait3A_211 = tpu.memref_slice %arg10[%add3A_209, %dma_wait3A_210] : memref<40x128xi32, #tpu.memory_space<vmem>> -> memref<1x128xi32, #tpu.memory_space<vmem>>
        %dma_wait3A_212 = tpu.memref_squeeze %dma_wait3A_211 : memref<1x128xi32, #tpu.memory_space<vmem>> -> memref<128xi32, #tpu.memory_space<vmem>>
        %dma_wait3A_213 = arith.constant 0 : i32
        %dma_wait3A_214 = arith.constant 0 : i32
        %dma_wait3A_215 = tpu.memref_slice %arg2[%dma_wait3A_213, %dma_wait3A_214] : memref<20000x64xf32, #tpu.memory_space<hbm>> -> memref<20000x64xf32, #tpu.memory_space<hbm>>
        tpu.wait_indirect_dma semaphore(%arg24 : memref<!tpu.dma_semaphore, #tpu.memory_space<semaphore_mem>>) src(%dma_wait3A_215 : memref<20000x64xf32, #tpu.memory_space<hbm>>) dst(%arg15 : memref<128x64xf32, #tpu.memory_space<vmem>>)
        %dma_start3A_216 = arith.constant 0 : i32
        %dma_start3A_217 = tpu.memref_slice %arg11[%add3A_209, %dma_start3A_216] : memref<40x128xi32, #tpu.memory_space<vmem>> -> memref<1x128xi32, #tpu.memory_space<vmem>>
        %dma_start3A_218 = tpu.memref_squeeze %dma_start3A_217 : memref<1x128xi32, #tpu.memory_space<vmem>> -> memref<128xi32, #tpu.memory_space<vmem>>
        %dma_start3A_219 = arith.constant 0 : i32
        %dma_start3A_220 = arith.constant 0 : i32
        %dma_start3A_221 = tpu.memref_slice %arg20[%dma_start3A_219, %dma_start3A_220] : memref<10240x64xf32, #tpu.memory_space<vmem_shared>> -> memref<10240x64xf32, #tpu.memory_space<vmem_shared>>
        tpu.enqueue_indirect_dma source(%arg15 : memref<128x64xf32, #tpu.memory_space<vmem>>) target(%dma_start3A_221 : memref<10240x64xf32, #tpu.memory_space<vmem_shared>>) offsets(%dma_start3A_218 : memref<128xi32, #tpu.memory_space<vmem>>) semaphore(%arg32 : memref<!tpu.dma_semaphore, #tpu.memory_space<semaphore_mem>>) {add = true}
        %dma_start3A_222 = arith.constant 0 : i32
        %dma_start3A_223 = tpu.memref_slice %arg11[%add3A_209, %dma_start3A_222] : memref<40x128xi32, #tpu.memory_space<vmem>> -> memref<1x128xi32, #tpu.memory_space<vmem>>
        %dma_start3A_224 = tpu.memref_squeeze %dma_start3A_223 : memref<1x128xi32, #tpu.memory_space<vmem>> -> memref<128xi32, #tpu.memory_space<vmem>>
        %dma_start3A_225 = arith.constant 0 : i32
        %dma_start3A_226 = arith.constant 0 : i32
        %dma_start3A_227 = tpu.memref_slice %arg38[%dma_start3A_225, %dma_start3A_226] : memref<10240x16xf32, #tpu.memory_space<vmem_shared>> -> memref<10240x16xf32, #tpu.memory_space<vmem_shared>>
        tpu.enqueue_indirect_dma source(%arg37 : memref<128x16xf32, #tpu.memory_space<vmem>>) target(%dma_start3A_227 : memref<10240x16xf32, #tpu.memory_space<vmem_shared>>) offsets(%dma_start3A_224 : memref<128xi32, #tpu.memory_space<vmem>>) semaphore(%arg42 : memref<!tpu.dma_semaphore, #tpu.memory_space<semaphore_mem>>) {add = true}
        %add3A_228 = arith.constant 4 : i32
        %add3A_229 = arith.addi %mul3A_148, %add3A_228 : i32
        %dma_wait3A_230 = arith.constant 0 : i32
        %dma_wait3A_231 = tpu.memref_slice %arg10[%add3A_229, %dma_wait3A_230] : memref<40x128xi32, #tpu.memory_space<vmem>> -> memref<1x128xi32, #tpu.memory_space<vmem>>
        %dma_wait3A_232 = tpu.memref_squeeze %dma_wait3A_231 : memref<1x128xi32, #tpu.memory_space<vmem>> -> memref<128xi32, #tpu.memory_space<vmem>>
        %dma_wait3A_233 = arith.constant 0 : i32
        %dma_wait3A_234 = arith.constant 0 : i32
        %dma_wait3A_235 = tpu.memref_slice %arg2[%dma_wait3A_233, %dma_wait3A_234] : memref<20000x64xf32, #tpu.memory_space<hbm>> -> memref<20000x64xf32, #tpu.memory_space<hbm>>
        tpu.wait_indirect_dma semaphore(%arg25 : memref<!tpu.dma_semaphore, #tpu.memory_space<semaphore_mem>>) src(%dma_wait3A_235 : memref<20000x64xf32, #tpu.memory_space<hbm>>) dst(%arg16 : memref<128x64xf32, #tpu.memory_space<vmem>>)
        %dma_start3A_236 = arith.constant 0 : i32
        %dma_start3A_237 = tpu.memref_slice %arg11[%add3A_229, %dma_start3A_236] : memref<40x128xi32, #tpu.memory_space<vmem>> -> memref<1x128xi32, #tpu.memory_space<vmem>>
        %dma_start3A_238 = tpu.memref_squeeze %dma_start3A_237 : memref<1x128xi32, #tpu.memory_space<vmem>> -> memref<128xi32, #tpu.memory_space<vmem>>
        %dma_start3A_239 = arith.constant 0 : i32
        %dma_start3A_240 = arith.constant 0 : i32
        %dma_start3A_241 = tpu.memref_slice %arg20[%dma_start3A_239, %dma_start3A_240] : memref<10240x64xf32, #tpu.memory_space<vmem_shared>> -> memref<10240x64xf32, #tpu.memory_space<vmem_shared>>
        tpu.enqueue_indirect_dma source(%arg16 : memref<128x64xf32, #tpu.memory_space<vmem>>) target(%dma_start3A_241 : memref<10240x64xf32, #tpu.memory_space<vmem_shared>>) offsets(%dma_start3A_238 : memref<128xi32, #tpu.memory_space<vmem>>) semaphore(%arg33 : memref<!tpu.dma_semaphore, #tpu.memory_space<semaphore_mem>>) {add = true}
        %dma_start3A_242 = arith.constant 0 : i32
        %dma_start3A_243 = tpu.memref_slice %arg11[%add3A_229, %dma_start3A_242] : memref<40x128xi32, #tpu.memory_space<vmem>> -> memref<1x128xi32, #tpu.memory_space<vmem>>
        %dma_start3A_244 = tpu.memref_squeeze %dma_start3A_243 : memref<1x128xi32, #tpu.memory_space<vmem>> -> memref<128xi32, #tpu.memory_space<vmem>>
        %dma_start3A_245 = arith.constant 0 : i32
        %dma_start3A_246 = arith.constant 0 : i32
        %dma_start3A_247 = tpu.memref_slice %arg38[%dma_start3A_245, %dma_start3A_246] : memref<10240x16xf32, #tpu.memory_space<vmem_shared>> -> memref<10240x16xf32, #tpu.memory_space<vmem_shared>>
        tpu.enqueue_indirect_dma source(%arg37 : memref<128x16xf32, #tpu.memory_space<vmem>>) target(%dma_start3A_247 : memref<10240x16xf32, #tpu.memory_space<vmem_shared>>) offsets(%dma_start3A_244 : memref<128xi32, #tpu.memory_space<vmem>>) semaphore(%arg43 : memref<!tpu.dma_semaphore, #tpu.memory_space<semaphore_mem>>) {add = true}
        %add3A_248 = arith.constant 0 : i32
        %add3A_249 = arith.addi %mul3A_148, %add3A_248 : i32
        %dma_wait3A_250 = arith.constant 0 : i32
        %dma_wait3A_251 = tpu.memref_slice %arg11[%add3A_249, %dma_wait3A_250] : memref<40x128xi32, #tpu.memory_space<vmem>> -> memref<1x128xi32, #tpu.memory_space<vmem>>
        %dma_wait3A_252 = tpu.memref_squeeze %dma_wait3A_251 : memref<1x128xi32, #tpu.memory_space<vmem>> -> memref<128xi32, #tpu.memory_space<vmem>>
        %dma_wait3A_253 = arith.constant 0 : i32
        %dma_wait3A_254 = arith.constant 0 : i32
        %dma_wait3A_255 = tpu.memref_slice %arg20[%dma_wait3A_253, %dma_wait3A_254] : memref<10240x64xf32, #tpu.memory_space<vmem_shared>> -> memref<10240x64xf32, #tpu.memory_space<vmem_shared>>
        tpu.wait_indirect_dma semaphore(%arg29 : memref<!tpu.dma_semaphore, #tpu.memory_space<semaphore_mem>>) src(%arg12 : memref<128x64xf32, #tpu.memory_space<vmem>>) dst(%dma_wait3A_255 : memref<10240x64xf32, #tpu.memory_space<vmem_shared>>)
        %add3A_256 = arith.constant 0 : i32
        %add3A_257 = arith.addi %mul3A_148, %add3A_256 : i32
        %dma_wait3A_258 = arith.constant 0 : i32
        %dma_wait3A_259 = tpu.memref_slice %arg11[%add3A_257, %dma_wait3A_258] : memref<40x128xi32, #tpu.memory_space<vmem>> -> memref<1x128xi32, #tpu.memory_space<vmem>>
        %dma_wait3A_260 = tpu.memref_squeeze %dma_wait3A_259 : memref<1x128xi32, #tpu.memory_space<vmem>> -> memref<128xi32, #tpu.memory_space<vmem>>
        %dma_wait3A_261 = arith.constant 0 : i32
        %dma_wait3A_262 = arith.constant 0 : i32
        %dma_wait3A_263 = tpu.memref_slice %arg38[%dma_wait3A_261, %dma_wait3A_262] : memref<10240x16xf32, #tpu.memory_space<vmem_shared>> -> memref<10240x16xf32, #tpu.memory_space<vmem_shared>>
        tpu.wait_indirect_dma semaphore(%arg39 : memref<!tpu.dma_semaphore, #tpu.memory_space<semaphore_mem>>) src(%arg37 : memref<128x16xf32, #tpu.memory_space<vmem>>) dst(%dma_wait3A_263 : memref<10240x16xf32, #tpu.memory_space<vmem_shared>>)
        %lt3A = arith.constant 4 : i32
        %lt3A_264 = arith.cmpi slt, %add3A_146, %lt3A : i32
        %convert_element_type3A = arith.extui %lt3A_264 : i1 to i32
        %cond3A = arith.constant 0 : i32
        %cond3A_265 = arith.cmpi ne, %convert_element_type3A, %cond3A : i32
        scf.if %cond3A_265 {
          %add3A_473 = arith.constant 0 : i32
          %add3A_474 = arith.addi %mul3A_148, %add3A_473 : i32
          %add3A_475 = arith.constant 8 : i32
          %add3A_476 = arith.addi %add3A_474, %add3A_475 : i32
          %dma_start3A_477 = arith.constant 0 : i32
          %dma_start3A_478 = tpu.memref_slice %arg10[%add3A_476, %dma_start3A_477] : memref<40x128xi32, #tpu.memory_space<vmem>> -> memref<1x128xi32, #tpu.memory_space<vmem>>
          %dma_start3A_479 = tpu.memref_squeeze %dma_start3A_478 : memref<1x128xi32, #tpu.memory_space<vmem>> -> memref<128xi32, #tpu.memory_space<vmem>>
          %dma_start3A_480 = arith.constant 0 : i32
          %dma_start3A_481 = arith.constant 0 : i32
          %dma_start3A_482 = tpu.memref_slice %arg2[%dma_start3A_480, %dma_start3A_481] : memref<20000x64xf32, #tpu.memory_space<hbm>> -> memref<20000x64xf32, #tpu.memory_space<hbm>>
          tpu.enqueue_indirect_dma source(%dma_start3A_482 : memref<20000x64xf32, #tpu.memory_space<hbm>>) target(%arg12 : memref<128x64xf32, #tpu.memory_space<vmem>>) offsets(%dma_start3A_479 : memref<128xi32, #tpu.memory_space<vmem>>) semaphore(%arg21 : memref<!tpu.dma_semaphore, #tpu.memory_space<semaphore_mem>>)
        } else {
        }
        %add3A_266 = arith.constant 5 : i32
        %add3A_267 = arith.addi %mul3A_148, %add3A_266 : i32
        %dma_wait3A_268 = arith.constant 0 : i32
        %dma_wait3A_269 = tpu.memref_slice %arg10[%add3A_267, %dma_wait3A_268] : memref<40x128xi32, #tpu.memory_space<vmem>> -> memref<1x128xi32, #tpu.memory_space<vmem>>
        %dma_wait3A_270 = tpu.memref_squeeze %dma_wait3A_269 : memref<1x128xi32, #tpu.memory_space<vmem>> -> memref<128xi32, #tpu.memory_space<vmem>>
        %dma_wait3A_271 = arith.constant 0 : i32
        %dma_wait3A_272 = arith.constant 0 : i32
        %dma_wait3A_273 = tpu.memref_slice %arg2[%dma_wait3A_271, %dma_wait3A_272] : memref<20000x64xf32, #tpu.memory_space<hbm>> -> memref<20000x64xf32, #tpu.memory_space<hbm>>
        tpu.wait_indirect_dma semaphore(%arg26 : memref<!tpu.dma_semaphore, #tpu.memory_space<semaphore_mem>>) src(%dma_wait3A_273 : memref<20000x64xf32, #tpu.memory_space<hbm>>) dst(%arg17 : memref<128x64xf32, #tpu.memory_space<vmem>>)
        %dma_start3A_274 = arith.constant 0 : i32
        %dma_start3A_275 = tpu.memref_slice %arg11[%add3A_267, %dma_start3A_274] : memref<40x128xi32, #tpu.memory_space<vmem>> -> memref<1x128xi32, #tpu.memory_space<vmem>>
        %dma_start3A_276 = tpu.memref_squeeze %dma_start3A_275 : memref<1x128xi32, #tpu.memory_space<vmem>> -> memref<128xi32, #tpu.memory_space<vmem>>
        %dma_start3A_277 = arith.constant 0 : i32
        %dma_start3A_278 = arith.constant 0 : i32
        %dma_start3A_279 = tpu.memref_slice %arg20[%dma_start3A_277, %dma_start3A_278] : memref<10240x64xf32, #tpu.memory_space<vmem_shared>> -> memref<10240x64xf32, #tpu.memory_space<vmem_shared>>
        tpu.enqueue_indirect_dma source(%arg17 : memref<128x64xf32, #tpu.memory_space<vmem>>) target(%dma_start3A_279 : memref<10240x64xf32, #tpu.memory_space<vmem_shared>>) offsets(%dma_start3A_276 : memref<128xi32, #tpu.memory_space<vmem>>) semaphore(%arg34 : memref<!tpu.dma_semaphore, #tpu.memory_space<semaphore_mem>>) {add = true}
        %dma_start3A_280 = arith.constant 0 : i32
        %dma_start3A_281 = tpu.memref_slice %arg11[%add3A_267, %dma_start3A_280] : memref<40x128xi32, #tpu.memory_space<vmem>> -> memref<1x128xi32, #tpu.memory_space<vmem>>
        %dma_start3A_282 = tpu.memref_squeeze %dma_start3A_281 : memref<1x128xi32, #tpu.memory_space<vmem>> -> memref<128xi32, #tpu.memory_space<vmem>>
        %dma_start3A_283 = arith.constant 0 : i32
        %dma_start3A_284 = arith.constant 0 : i32
        %dma_start3A_285 = tpu.memref_slice %arg38[%dma_start3A_283, %dma_start3A_284] : memref<10240x16xf32, #tpu.memory_space<vmem_shared>> -> memref<10240x16xf32, #tpu.memory_space<vmem_shared>>
        tpu.enqueue_indirect_dma source(%arg37 : memref<128x16xf32, #tpu.memory_space<vmem>>) target(%dma_start3A_285 : memref<10240x16xf32, #tpu.memory_space<vmem_shared>>) offsets(%dma_start3A_282 : memref<128xi32, #tpu.memory_space<vmem>>) semaphore(%arg44 : memref<!tpu.dma_semaphore, #tpu.memory_space<semaphore_mem>>) {add = true}
        %add3A_286 = arith.constant 1 : i32
        %add3A_287 = arith.addi %mul3A_148, %add3A_286 : i32
        %dma_wait3A_288 = arith.constant 0 : i32
        %dma_wait3A_289 = tpu.memref_slice %arg11[%add3A_287, %dma_wait3A_288] : memref<40x128xi32, #tpu.memory_space<vmem>> -> memref<1x128xi32, #tpu.memory_space<vmem>>
        %dma_wait3A_290 = tpu.memref_squeeze %dma_wait3A_289 : memref<1x128xi32, #tpu.memory_space<vmem>> -> memref<128xi32, #tpu.memory_space<vmem>>
        %dma_wait3A_291 = arith.constant 0 : i32
        %dma_wait3A_292 = arith.constant 0 : i32
        %dma_wait3A_293 = tpu.memref_slice %arg20[%dma_wait3A_291, %dma_wait3A_292] : memref<10240x64xf32, #tpu.memory_space<vmem_shared>> -> memref<10240x64xf32, #tpu.memory_space<vmem_shared>>
        tpu.wait_indirect_dma semaphore(%arg30 : memref<!tpu.dma_semaphore, #tpu.memory_space<semaphore_mem>>) src(%arg13 : memref<128x64xf32, #tpu.memory_space<vmem>>) dst(%dma_wait3A_293 : memref<10240x64xf32, #tpu.memory_space<vmem_shared>>)
        %add3A_294 = arith.constant 1 : i32
        %add3A_295 = arith.addi %mul3A_148, %add3A_294 : i32
        %dma_wait3A_296 = arith.constant 0 : i32
        %dma_wait3A_297 = tpu.memref_slice %arg11[%add3A_295, %dma_wait3A_296] : memref<40x128xi32, #tpu.memory_space<vmem>> -> memref<1x128xi32, #tpu.memory_space<vmem>>
        %dma_wait3A_298 = tpu.memref_squeeze %dma_wait3A_297 : memref<1x128xi32, #tpu.memory_space<vmem>> -> memref<128xi32, #tpu.memory_space<vmem>>
        %dma_wait3A_299 = arith.constant 0 : i32
        %dma_wait3A_300 = arith.constant 0 : i32
        %dma_wait3A_301 = tpu.memref_slice %arg38[%dma_wait3A_299, %dma_wait3A_300] : memref<10240x16xf32, #tpu.memory_space<vmem_shared>> -> memref<10240x16xf32, #tpu.memory_space<vmem_shared>>
        tpu.wait_indirect_dma semaphore(%arg40 : memref<!tpu.dma_semaphore, #tpu.memory_space<semaphore_mem>>) src(%arg37 : memref<128x16xf32, #tpu.memory_space<vmem>>) dst(%dma_wait3A_301 : memref<10240x16xf32, #tpu.memory_space<vmem_shared>>)
        %lt3A_302 = arith.constant 4 : i32
        %lt3A_303 = arith.cmpi slt, %add3A_146, %lt3A_302 : i32
        %convert_element_type3A_304 = arith.extui %lt3A_303 : i1 to i32
        %cond3A_305 = arith.constant 0 : i32
        %cond3A_306 = arith.cmpi ne, %convert_element_type3A_304, %cond3A_305 : i32
        scf.if %cond3A_306 {
          %add3A_473 = arith.constant 1 : i32
          %add3A_474 = arith.addi %mul3A_148, %add3A_473 : i32
          %add3A_475 = arith.constant 8 : i32
          %add3A_476 = arith.addi %add3A_474, %add3A_475 : i32
          %dma_start3A_477 = arith.constant 0 : i32
          %dma_start3A_478 = tpu.memref_slice %arg10[%add3A_476, %dma_start3A_477] : memref<40x128xi32, #tpu.memory_space<vmem>> -> memref<1x128xi32, #tpu.memory_space<vmem>>
          %dma_start3A_479 = tpu.memref_squeeze %dma_start3A_478 : memref<1x128xi32, #tpu.memory_space<vmem>> -> memref<128xi32, #tpu.memory_space<vmem>>
          %dma_start3A_480 = arith.constant 0 : i32
          %dma_start3A_481 = arith.constant 0 : i32
          %dma_start3A_482 = tpu.memref_slice %arg2[%dma_start3A_480, %dma_start3A_481] : memref<20000x64xf32, #tpu.memory_space<hbm>> -> memref<20000x64xf32, #tpu.memory_space<hbm>>
          tpu.enqueue_indirect_dma source(%dma_start3A_482 : memref<20000x64xf32, #tpu.memory_space<hbm>>) target(%arg13 : memref<128x64xf32, #tpu.memory_space<vmem>>) offsets(%dma_start3A_479 : memref<128xi32, #tpu.memory_space<vmem>>) semaphore(%arg22 : memref<!tpu.dma_semaphore, #tpu.memory_space<semaphore_mem>>)
        } else {
        }
        %add3A_307 = arith.constant 6 : i32
        %add3A_308 = arith.addi %mul3A_148, %add3A_307 : i32
        %dma_wait3A_309 = arith.constant 0 : i32
        %dma_wait3A_310 = tpu.memref_slice %arg10[%add3A_308, %dma_wait3A_309] : memref<40x128xi32, #tpu.memory_space<vmem>> -> memref<1x128xi32, #tpu.memory_space<vmem>>
        %dma_wait3A_311 = tpu.memref_squeeze %dma_wait3A_310 : memref<1x128xi32, #tpu.memory_space<vmem>> -> memref<128xi32, #tpu.memory_space<vmem>>
        %dma_wait3A_312 = arith.constant 0 : i32
        %dma_wait3A_313 = arith.constant 0 : i32
        %dma_wait3A_314 = tpu.memref_slice %arg2[%dma_wait3A_312, %dma_wait3A_313] : memref<20000x64xf32, #tpu.memory_space<hbm>> -> memref<20000x64xf32, #tpu.memory_space<hbm>>
        tpu.wait_indirect_dma semaphore(%arg27 : memref<!tpu.dma_semaphore, #tpu.memory_space<semaphore_mem>>) src(%dma_wait3A_314 : memref<20000x64xf32, #tpu.memory_space<hbm>>) dst(%arg18 : memref<128x64xf32, #tpu.memory_space<vmem>>)
        %dma_start3A_315 = arith.constant 0 : i32
        %dma_start3A_316 = tpu.memref_slice %arg11[%add3A_308, %dma_start3A_315] : memref<40x128xi32, #tpu.memory_space<vmem>> -> memref<1x128xi32, #tpu.memory_space<vmem>>
        %dma_start3A_317 = tpu.memref_squeeze %dma_start3A_316 : memref<1x128xi32, #tpu.memory_space<vmem>> -> memref<128xi32, #tpu.memory_space<vmem>>
        %dma_start3A_318 = arith.constant 0 : i32
        %dma_start3A_319 = arith.constant 0 : i32
        %dma_start3A_320 = tpu.memref_slice %arg20[%dma_start3A_318, %dma_start3A_319] : memref<10240x64xf32, #tpu.memory_space<vmem_shared>> -> memref<10240x64xf32, #tpu.memory_space<vmem_shared>>
        tpu.enqueue_indirect_dma source(%arg18 : memref<128x64xf32, #tpu.memory_space<vmem>>) target(%dma_start3A_320 : memref<10240x64xf32, #tpu.memory_space<vmem_shared>>) offsets(%dma_start3A_317 : memref<128xi32, #tpu.memory_space<vmem>>) semaphore(%arg35 : memref<!tpu.dma_semaphore, #tpu.memory_space<semaphore_mem>>) {add = true}
        %dma_start3A_321 = arith.constant 0 : i32
        %dma_start3A_322 = tpu.memref_slice %arg11[%add3A_308, %dma_start3A_321] : memref<40x128xi32, #tpu.memory_space<vmem>> -> memref<1x128xi32, #tpu.memory_space<vmem>>
        %dma_start3A_323 = tpu.memref_squeeze %dma_start3A_322 : memref<1x128xi32, #tpu.memory_space<vmem>> -> memref<128xi32, #tpu.memory_space<vmem>>
        %dma_start3A_324 = arith.constant 0 : i32
        %dma_start3A_325 = arith.constant 0 : i32
        %dma_start3A_326 = tpu.memref_slice %arg38[%dma_start3A_324, %dma_start3A_325] : memref<10240x16xf32, #tpu.memory_space<vmem_shared>> -> memref<10240x16xf32, #tpu.memory_space<vmem_shared>>
        tpu.enqueue_indirect_dma source(%arg37 : memref<128x16xf32, #tpu.memory_space<vmem>>) target(%dma_start3A_326 : memref<10240x16xf32, #tpu.memory_space<vmem_shared>>) offsets(%dma_start3A_323 : memref<128xi32, #tpu.memory_space<vmem>>) semaphore(%arg45 : memref<!tpu.dma_semaphore, #tpu.memory_space<semaphore_mem>>) {add = true}
        %add3A_327 = arith.constant 2 : i32
        %add3A_328 = arith.addi %mul3A_148, %add3A_327 : i32
        %dma_wait3A_329 = arith.constant 0 : i32
        %dma_wait3A_330 = tpu.memref_slice %arg11[%add3A_328, %dma_wait3A_329] : memref<40x128xi32, #tpu.memory_space<vmem>> -> memref<1x128xi32, #tpu.memory_space<vmem>>
        %dma_wait3A_331 = tpu.memref_squeeze %dma_wait3A_330 : memref<1x128xi32, #tpu.memory_space<vmem>> -> memref<128xi32, #tpu.memory_space<vmem>>
        %dma_wait3A_332 = arith.constant 0 : i32
        %dma_wait3A_333 = arith.constant 0 : i32
        %dma_wait3A_334 = tpu.memref_slice %arg20[%dma_wait3A_332, %dma_wait3A_333] : memref<10240x64xf32, #tpu.memory_space<vmem_shared>> -> memref<10240x64xf32, #tpu.memory_space<vmem_shared>>
        tpu.wait_indirect_dma semaphore(%arg31 : memref<!tpu.dma_semaphore, #tpu.memory_space<semaphore_mem>>) src(%arg14 : memref<128x64xf32, #tpu.memory_space<vmem>>) dst(%dma_wait3A_334 : memref<10240x64xf32, #tpu.memory_space<vmem_shared>>)
        %add3A_335 = arith.constant 2 : i32
        %add3A_336 = arith.addi %mul3A_148, %add3A_335 : i32
        %dma_wait3A_337 = arith.constant 0 : i32
        %dma_wait3A_338 = tpu.memref_slice %arg11[%add3A_336, %dma_wait3A_337] : memref<40x128xi32, #tpu.memory_space<vmem>> -> memref<1x128xi32, #tpu.memory_space<vmem>>
        %dma_wait3A_339 = tpu.memref_squeeze %dma_wait3A_338 : memref<1x128xi32, #tpu.memory_space<vmem>> -> memref<128xi32, #tpu.memory_space<vmem>>
        %dma_wait3A_340 = arith.constant 0 : i32
        %dma_wait3A_341 = arith.constant 0 : i32
        %dma_wait3A_342 = tpu.memref_slice %arg38[%dma_wait3A_340, %dma_wait3A_341] : memref<10240x16xf32, #tpu.memory_space<vmem_shared>> -> memref<10240x16xf32, #tpu.memory_space<vmem_shared>>
        tpu.wait_indirect_dma semaphore(%arg41 : memref<!tpu.dma_semaphore, #tpu.memory_space<semaphore_mem>>) src(%arg37 : memref<128x16xf32, #tpu.memory_space<vmem>>) dst(%dma_wait3A_342 : memref<10240x16xf32, #tpu.memory_space<vmem_shared>>)
        %lt3A_343 = arith.constant 4 : i32
        %lt3A_344 = arith.cmpi slt, %add3A_146, %lt3A_343 : i32
        %convert_element_type3A_345 = arith.extui %lt3A_344 : i1 to i32
        %cond3A_346 = arith.constant 0 : i32
        %cond3A_347 = arith.cmpi ne, %convert_element_type3A_345, %cond3A_346 : i32
        scf.if %cond3A_347 {
          %add3A_473 = arith.constant 2 : i32
          %add3A_474 = arith.addi %mul3A_148, %add3A_473 : i32
          %add3A_475 = arith.constant 8 : i32
          %add3A_476 = arith.addi %add3A_474, %add3A_475 : i32
          %dma_start3A_477 = arith.constant 0 : i32
          %dma_start3A_478 = tpu.memref_slice %arg10[%add3A_476, %dma_start3A_477] : memref<40x128xi32, #tpu.memory_space<vmem>> -> memref<1x128xi32, #tpu.memory_space<vmem>>
          %dma_start3A_479 = tpu.memref_squeeze %dma_start3A_478 : memref<1x128xi32, #tpu.memory_space<vmem>> -> memref<128xi32, #tpu.memory_space<vmem>>
          %dma_start3A_480 = arith.constant 0 : i32
          %dma_start3A_481 = arith.constant 0 : i32
          %dma_start3A_482 = tpu.memref_slice %arg2[%dma_start3A_480, %dma_start3A_481] : memref<20000x64xf32, #tpu.memory_space<hbm>> -> memref<20000x64xf32, #tpu.memory_space<hbm>>
          tpu.enqueue_indirect_dma source(%dma_start3A_482 : memref<20000x64xf32, #tpu.memory_space<hbm>>) target(%arg14 : memref<128x64xf32, #tpu.memory_space<vmem>>) offsets(%dma_start3A_479 : memref<128xi32, #tpu.memory_space<vmem>>) semaphore(%arg23 : memref<!tpu.dma_semaphore, #tpu.memory_space<semaphore_mem>>)
        } else {
        }
        %add3A_348 = arith.constant 7 : i32
        %add3A_349 = arith.addi %mul3A_148, %add3A_348 : i32
        %dma_wait3A_350 = arith.constant 0 : i32
        %dma_wait3A_351 = tpu.memref_slice %arg10[%add3A_349, %dma_wait3A_350] : memref<40x128xi32, #tpu.memory_space<vmem>> -> memref<1x128xi32, #tpu.memory_space<vmem>>
        %dma_wait3A_352 = tpu.memref_squeeze %dma_wait3A_351 : memref<1x128xi32, #tpu.memory_space<vmem>> -> memref<128xi32, #tpu.memory_space<vmem>>
        %dma_wait3A_353 = arith.constant 0 : i32
        %dma_wait3A_354 = arith.constant 0 : i32
        %dma_wait3A_355 = tpu.memref_slice %arg2[%dma_wait3A_353, %dma_wait3A_354] : memref<20000x64xf32, #tpu.memory_space<hbm>> -> memref<20000x64xf32, #tpu.memory_space<hbm>>
        tpu.wait_indirect_dma semaphore(%arg28 : memref<!tpu.dma_semaphore, #tpu.memory_space<semaphore_mem>>) src(%dma_wait3A_355 : memref<20000x64xf32, #tpu.memory_space<hbm>>) dst(%arg19 : memref<128x64xf32, #tpu.memory_space<vmem>>)
        %dma_start3A_356 = arith.constant 0 : i32
        %dma_start3A_357 = tpu.memref_slice %arg11[%add3A_349, %dma_start3A_356] : memref<40x128xi32, #tpu.memory_space<vmem>> -> memref<1x128xi32, #tpu.memory_space<vmem>>
        %dma_start3A_358 = tpu.memref_squeeze %dma_start3A_357 : memref<1x128xi32, #tpu.memory_space<vmem>> -> memref<128xi32, #tpu.memory_space<vmem>>
        %dma_start3A_359 = arith.constant 0 : i32
        %dma_start3A_360 = arith.constant 0 : i32
        %dma_start3A_361 = tpu.memref_slice %arg20[%dma_start3A_359, %dma_start3A_360] : memref<10240x64xf32, #tpu.memory_space<vmem_shared>> -> memref<10240x64xf32, #tpu.memory_space<vmem_shared>>
        tpu.enqueue_indirect_dma source(%arg19 : memref<128x64xf32, #tpu.memory_space<vmem>>) target(%dma_start3A_361 : memref<10240x64xf32, #tpu.memory_space<vmem_shared>>) offsets(%dma_start3A_358 : memref<128xi32, #tpu.memory_space<vmem>>) semaphore(%arg36 : memref<!tpu.dma_semaphore, #tpu.memory_space<semaphore_mem>>) {add = true}
        %dma_start3A_362 = arith.constant 0 : i32
        %dma_start3A_363 = tpu.memref_slice %arg11[%add3A_349, %dma_start3A_362] : memref<40x128xi32, #tpu.memory_space<vmem>> -> memref<1x128xi32, #tpu.memory_space<vmem>>
        %dma_start3A_364 = tpu.memref_squeeze %dma_start3A_363 : memref<1x128xi32, #tpu.memory_space<vmem>> -> memref<128xi32, #tpu.memory_space<vmem>>
        %dma_start3A_365 = arith.constant 0 : i32
        %dma_start3A_366 = arith.constant 0 : i32
        %dma_start3A_367 = tpu.memref_slice %arg38[%dma_start3A_365, %dma_start3A_366] : memref<10240x16xf32, #tpu.memory_space<vmem_shared>> -> memref<10240x16xf32, #tpu.memory_space<vmem_shared>>
        tpu.enqueue_indirect_dma source(%arg37 : memref<128x16xf32, #tpu.memory_space<vmem>>) target(%dma_start3A_367 : memref<10240x16xf32, #tpu.memory_space<vmem_shared>>) offsets(%dma_start3A_364 : memref<128xi32, #tpu.memory_space<vmem>>) semaphore(%arg46 : memref<!tpu.dma_semaphore, #tpu.memory_space<semaphore_mem>>) {add = true}
        %add3A_368 = arith.constant 3 : i32
        %add3A_369 = arith.addi %mul3A_148, %add3A_368 : i32
        %dma_wait3A_370 = arith.constant 0 : i32
        %dma_wait3A_371 = tpu.memref_slice %arg11[%add3A_369, %dma_wait3A_370] : memref<40x128xi32, #tpu.memory_space<vmem>> -> memref<1x128xi32, #tpu.memory_space<vmem>>
        %dma_wait3A_372 = tpu.memref_squeeze %dma_wait3A_371 : memref<1x128xi32, #tpu.memory_space<vmem>> -> memref<128xi32, #tpu.memory_space<vmem>>
        %dma_wait3A_373 = arith.constant 0 : i32
        %dma_wait3A_374 = arith.constant 0 : i32
        %dma_wait3A_375 = tpu.memref_slice %arg20[%dma_wait3A_373, %dma_wait3A_374] : memref<10240x64xf32, #tpu.memory_space<vmem_shared>> -> memref<10240x64xf32, #tpu.memory_space<vmem_shared>>
        tpu.wait_indirect_dma semaphore(%arg32 : memref<!tpu.dma_semaphore, #tpu.memory_space<semaphore_mem>>) src(%arg15 : memref<128x64xf32, #tpu.memory_space<vmem>>) dst(%dma_wait3A_375 : memref<10240x64xf32, #tpu.memory_space<vmem_shared>>)
        %add3A_376 = arith.constant 3 : i32
        %add3A_377 = arith.addi %mul3A_148, %add3A_376 : i32
        %dma_wait3A_378 = arith.constant 0 : i32
        %dma_wait3A_379 = tpu.memref_slice %arg11[%add3A_377, %dma_wait3A_378] : memref<40x128xi32, #tpu.memory_space<vmem>> -> memref<1x128xi32, #tpu.memory_space<vmem>>
        %dma_wait3A_380 = tpu.memref_squeeze %dma_wait3A_379 : memref<1x128xi32, #tpu.memory_space<vmem>> -> memref<128xi32, #tpu.memory_space<vmem>>
        %dma_wait3A_381 = arith.constant 0 : i32
        %dma_wait3A_382 = arith.constant 0 : i32
        %dma_wait3A_383 = tpu.memref_slice %arg38[%dma_wait3A_381, %dma_wait3A_382] : memref<10240x16xf32, #tpu.memory_space<vmem_shared>> -> memref<10240x16xf32, #tpu.memory_space<vmem_shared>>
        tpu.wait_indirect_dma semaphore(%arg42 : memref<!tpu.dma_semaphore, #tpu.memory_space<semaphore_mem>>) src(%arg37 : memref<128x16xf32, #tpu.memory_space<vmem>>) dst(%dma_wait3A_383 : memref<10240x16xf32, #tpu.memory_space<vmem_shared>>)
        %lt3A_384 = arith.constant 4 : i32
        %lt3A_385 = arith.cmpi slt, %add3A_146, %lt3A_384 : i32
        %convert_element_type3A_386 = arith.extui %lt3A_385 : i1 to i32
        %cond3A_387 = arith.constant 0 : i32
        %cond3A_388 = arith.cmpi ne, %convert_element_type3A_386, %cond3A_387 : i32
        scf.if %cond3A_388 {
          %add3A_473 = arith.constant 3 : i32
          %add3A_474 = arith.addi %mul3A_148, %add3A_473 : i32
          %add3A_475 = arith.constant 8 : i32
          %add3A_476 = arith.addi %add3A_474, %add3A_475 : i32
          %dma_start3A_477 = arith.constant 0 : i32
          %dma_start3A_478 = tpu.memref_slice %arg10[%add3A_476, %dma_start3A_477] : memref<40x128xi32, #tpu.memory_space<vmem>> -> memref<1x128xi32, #tpu.memory_space<vmem>>
          %dma_start3A_479 = tpu.memref_squeeze %dma_start3A_478 : memref<1x128xi32, #tpu.memory_space<vmem>> -> memref<128xi32, #tpu.memory_space<vmem>>
          %dma_start3A_480 = arith.constant 0 : i32
          %dma_start3A_481 = arith.constant 0 : i32
          %dma_start3A_482 = tpu.memref_slice %arg2[%dma_start3A_480, %dma_start3A_481] : memref<20000x64xf32, #tpu.memory_space<hbm>> -> memref<20000x64xf32, #tpu.memory_space<hbm>>
          tpu.enqueue_indirect_dma source(%dma_start3A_482 : memref<20000x64xf32, #tpu.memory_space<hbm>>) target(%arg15 : memref<128x64xf32, #tpu.memory_space<vmem>>) offsets(%dma_start3A_479 : memref<128xi32, #tpu.memory_space<vmem>>) semaphore(%arg24 : memref<!tpu.dma_semaphore, #tpu.memory_space<semaphore_mem>>)
        } else {
        }
        %add3A_389 = arith.constant 4 : i32
        %add3A_390 = arith.addi %mul3A_148, %add3A_389 : i32
        %dma_wait3A_391 = arith.constant 0 : i32
        %dma_wait3A_392 = tpu.memref_slice %arg11[%add3A_390, %dma_wait3A_391] : memref<40x128xi32, #tpu.memory_space<vmem>> -> memref<1x128xi32, #tpu.memory_space<vmem>>
        %dma_wait3A_393 = tpu.memref_squeeze %dma_wait3A_392 : memref<1x128xi32, #tpu.memory_space<vmem>> -> memref<128xi32, #tpu.memory_space<vmem>>
        %dma_wait3A_394 = arith.constant 0 : i32
        %dma_wait3A_395 = arith.constant 0 : i32
        %dma_wait3A_396 = tpu.memref_slice %arg20[%dma_wait3A_394, %dma_wait3A_395] : memref<10240x64xf32, #tpu.memory_space<vmem_shared>> -> memref<10240x64xf32, #tpu.memory_space<vmem_shared>>
        tpu.wait_indirect_dma semaphore(%arg33 : memref<!tpu.dma_semaphore, #tpu.memory_space<semaphore_mem>>) src(%arg16 : memref<128x64xf32, #tpu.memory_space<vmem>>) dst(%dma_wait3A_396 : memref<10240x64xf32, #tpu.memory_space<vmem_shared>>)
        %add3A_397 = arith.constant 4 : i32
        %add3A_398 = arith.addi %mul3A_148, %add3A_397 : i32
        %dma_wait3A_399 = arith.constant 0 : i32
        %dma_wait3A_400 = tpu.memref_slice %arg11[%add3A_398, %dma_wait3A_399] : memref<40x128xi32, #tpu.memory_space<vmem>> -> memref<1x128xi32, #tpu.memory_space<vmem>>
        %dma_wait3A_401 = tpu.memref_squeeze %dma_wait3A_400 : memref<1x128xi32, #tpu.memory_space<vmem>> -> memref<128xi32, #tpu.memory_space<vmem>>
        %dma_wait3A_402 = arith.constant 0 : i32
        %dma_wait3A_403 = arith.constant 0 : i32
        %dma_wait3A_404 = tpu.memref_slice %arg38[%dma_wait3A_402, %dma_wait3A_403] : memref<10240x16xf32, #tpu.memory_space<vmem_shared>> -> memref<10240x16xf32, #tpu.memory_space<vmem_shared>>
        tpu.wait_indirect_dma semaphore(%arg43 : memref<!tpu.dma_semaphore, #tpu.memory_space<semaphore_mem>>) src(%arg37 : memref<128x16xf32, #tpu.memory_space<vmem>>) dst(%dma_wait3A_404 : memref<10240x16xf32, #tpu.memory_space<vmem_shared>>)
        %lt3A_405 = arith.constant 4 : i32
        %lt3A_406 = arith.cmpi slt, %add3A_146, %lt3A_405 : i32
        %convert_element_type3A_407 = arith.extui %lt3A_406 : i1 to i32
        %cond3A_408 = arith.constant 0 : i32
        %cond3A_409 = arith.cmpi ne, %convert_element_type3A_407, %cond3A_408 : i32
        scf.if %cond3A_409 {
          %add3A_473 = arith.constant 4 : i32
          %add3A_474 = arith.addi %mul3A_148, %add3A_473 : i32
          %add3A_475 = arith.constant 8 : i32
          %add3A_476 = arith.addi %add3A_474, %add3A_475 : i32
          %dma_start3A_477 = arith.constant 0 : i32
          %dma_start3A_478 = tpu.memref_slice %arg10[%add3A_476, %dma_start3A_477] : memref<40x128xi32, #tpu.memory_space<vmem>> -> memref<1x128xi32, #tpu.memory_space<vmem>>
          %dma_start3A_479 = tpu.memref_squeeze %dma_start3A_478 : memref<1x128xi32, #tpu.memory_space<vmem>> -> memref<128xi32, #tpu.memory_space<vmem>>
          %dma_start3A_480 = arith.constant 0 : i32
          %dma_start3A_481 = arith.constant 0 : i32
          %dma_start3A_482 = tpu.memref_slice %arg2[%dma_start3A_480, %dma_start3A_481] : memref<20000x64xf32, #tpu.memory_space<hbm>> -> memref<20000x64xf32, #tpu.memory_space<hbm>>
          tpu.enqueue_indirect_dma source(%dma_start3A_482 : memref<20000x64xf32, #tpu.memory_space<hbm>>) target(%arg16 : memref<128x64xf32, #tpu.memory_space<vmem>>) offsets(%dma_start3A_479 : memref<128xi32, #tpu.memory_space<vmem>>) semaphore(%arg25 : memref<!tpu.dma_semaphore, #tpu.memory_space<semaphore_mem>>)
        } else {
        }
        %add3A_410 = arith.constant 5 : i32
        %add3A_411 = arith.addi %mul3A_148, %add3A_410 : i32
        %dma_wait3A_412 = arith.constant 0 : i32
        %dma_wait3A_413 = tpu.memref_slice %arg11[%add3A_411, %dma_wait3A_412] : memref<40x128xi32, #tpu.memory_space<vmem>> -> memref<1x128xi32, #tpu.memory_space<vmem>>
        %dma_wait3A_414 = tpu.memref_squeeze %dma_wait3A_413 : memref<1x128xi32, #tpu.memory_space<vmem>> -> memref<128xi32, #tpu.memory_space<vmem>>
        %dma_wait3A_415 = arith.constant 0 : i32
        %dma_wait3A_416 = arith.constant 0 : i32
        %dma_wait3A_417 = tpu.memref_slice %arg20[%dma_wait3A_415, %dma_wait3A_416] : memref<10240x64xf32, #tpu.memory_space<vmem_shared>> -> memref<10240x64xf32, #tpu.memory_space<vmem_shared>>
        tpu.wait_indirect_dma semaphore(%arg34 : memref<!tpu.dma_semaphore, #tpu.memory_space<semaphore_mem>>) src(%arg17 : memref<128x64xf32, #tpu.memory_space<vmem>>) dst(%dma_wait3A_417 : memref<10240x64xf32, #tpu.memory_space<vmem_shared>>)
        %add3A_418 = arith.constant 5 : i32
        %add3A_419 = arith.addi %mul3A_148, %add3A_418 : i32
        %dma_wait3A_420 = arith.constant 0 : i32
        %dma_wait3A_421 = tpu.memref_slice %arg11[%add3A_419, %dma_wait3A_420] : memref<40x128xi32, #tpu.memory_space<vmem>> -> memref<1x128xi32, #tpu.memory_space<vmem>>
        %dma_wait3A_422 = tpu.memref_squeeze %dma_wait3A_421 : memref<1x128xi32, #tpu.memory_space<vmem>> -> memref<128xi32, #tpu.memory_space<vmem>>
        %dma_wait3A_423 = arith.constant 0 : i32
        %dma_wait3A_424 = arith.constant 0 : i32
        %dma_wait3A_425 = tpu.memref_slice %arg38[%dma_wait3A_423, %dma_wait3A_424] : memref<10240x16xf32, #tpu.memory_space<vmem_shared>> -> memref<10240x16xf32, #tpu.memory_space<vmem_shared>>
        tpu.wait_indirect_dma semaphore(%arg44 : memref<!tpu.dma_semaphore, #tpu.memory_space<semaphore_mem>>) src(%arg37 : memref<128x16xf32, #tpu.memory_space<vmem>>) dst(%dma_wait3A_425 : memref<10240x16xf32, #tpu.memory_space<vmem_shared>>)
        %lt3A_426 = arith.constant 4 : i32
        %lt3A_427 = arith.cmpi slt, %add3A_146, %lt3A_426 : i32
        %convert_element_type3A_428 = arith.extui %lt3A_427 : i1 to i32
        %cond3A_429 = arith.constant 0 : i32
        %cond3A_430 = arith.cmpi ne, %convert_element_type3A_428, %cond3A_429 : i32
        scf.if %cond3A_430 {
          %add3A_473 = arith.constant 5 : i32
          %add3A_474 = arith.addi %mul3A_148, %add3A_473 : i32
          %add3A_475 = arith.constant 8 : i32
          %add3A_476 = arith.addi %add3A_474, %add3A_475 : i32
          %dma_start3A_477 = arith.constant 0 : i32
          %dma_start3A_478 = tpu.memref_slice %arg10[%add3A_476, %dma_start3A_477] : memref<40x128xi32, #tpu.memory_space<vmem>> -> memref<1x128xi32, #tpu.memory_space<vmem>>
          %dma_start3A_479 = tpu.memref_squeeze %dma_start3A_478 : memref<1x128xi32, #tpu.memory_space<vmem>> -> memref<128xi32, #tpu.memory_space<vmem>>
          %dma_start3A_480 = arith.constant 0 : i32
          %dma_start3A_481 = arith.constant 0 : i32
          %dma_start3A_482 = tpu.memref_slice %arg2[%dma_start3A_480, %dma_start3A_481] : memref<20000x64xf32, #tpu.memory_space<hbm>> -> memref<20000x64xf32, #tpu.memory_space<hbm>>
          tpu.enqueue_indirect_dma source(%dma_start3A_482 : memref<20000x64xf32, #tpu.memory_space<hbm>>) target(%arg17 : memref<128x64xf32, #tpu.memory_space<vmem>>) offsets(%dma_start3A_479 : memref<128xi32, #tpu.memory_space<vmem>>) semaphore(%arg26 : memref<!tpu.dma_semaphore, #tpu.memory_space<semaphore_mem>>)
        } else {
        }
        %add3A_431 = arith.constant 6 : i32
        %add3A_432 = arith.addi %mul3A_148, %add3A_431 : i32
        %dma_wait3A_433 = arith.constant 0 : i32
        %dma_wait3A_434 = tpu.memref_slice %arg11[%add3A_432, %dma_wait3A_433] : memref<40x128xi32, #tpu.memory_space<vmem>> -> memref<1x128xi32, #tpu.memory_space<vmem>>
        %dma_wait3A_435 = tpu.memref_squeeze %dma_wait3A_434 : memref<1x128xi32, #tpu.memory_space<vmem>> -> memref<128xi32, #tpu.memory_space<vmem>>
        %dma_wait3A_436 = arith.constant 0 : i32
        %dma_wait3A_437 = arith.constant 0 : i32
        %dma_wait3A_438 = tpu.memref_slice %arg20[%dma_wait3A_436, %dma_wait3A_437] : memref<10240x64xf32, #tpu.memory_space<vmem_shared>> -> memref<10240x64xf32, #tpu.memory_space<vmem_shared>>
        tpu.wait_indirect_dma semaphore(%arg35 : memref<!tpu.dma_semaphore, #tpu.memory_space<semaphore_mem>>) src(%arg18 : memref<128x64xf32, #tpu.memory_space<vmem>>) dst(%dma_wait3A_438 : memref<10240x64xf32, #tpu.memory_space<vmem_shared>>)
        %add3A_439 = arith.constant 6 : i32
        %add3A_440 = arith.addi %mul3A_148, %add3A_439 : i32
        %dma_wait3A_441 = arith.constant 0 : i32
        %dma_wait3A_442 = tpu.memref_slice %arg11[%add3A_440, %dma_wait3A_441] : memref<40x128xi32, #tpu.memory_space<vmem>> -> memref<1x128xi32, #tpu.memory_space<vmem>>
        %dma_wait3A_443 = tpu.memref_squeeze %dma_wait3A_442 : memref<1x128xi32, #tpu.memory_space<vmem>> -> memref<128xi32, #tpu.memory_space<vmem>>
        %dma_wait3A_444 = arith.constant 0 : i32
        %dma_wait3A_445 = arith.constant 0 : i32
        %dma_wait3A_446 = tpu.memref_slice %arg38[%dma_wait3A_444, %dma_wait3A_445] : memref<10240x16xf32, #tpu.memory_space<vmem_shared>> -> memref<10240x16xf32, #tpu.memory_space<vmem_shared>>
        tpu.wait_indirect_dma semaphore(%arg45 : memref<!tpu.dma_semaphore, #tpu.memory_space<semaphore_mem>>) src(%arg37 : memref<128x16xf32, #tpu.memory_space<vmem>>) dst(%dma_wait3A_446 : memref<10240x16xf32, #tpu.memory_space<vmem_shared>>)
        %lt3A_447 = arith.constant 4 : i32
        %lt3A_448 = arith.cmpi slt, %add3A_146, %lt3A_447 : i32
        %convert_element_type3A_449 = arith.extui %lt3A_448 : i1 to i32
        %cond3A_450 = arith.constant 0 : i32
        %cond3A_451 = arith.cmpi ne, %convert_element_type3A_449, %cond3A_450 : i32
        scf.if %cond3A_451 {
          %add3A_473 = arith.constant 6 : i32
          %add3A_474 = arith.addi %mul3A_148, %add3A_473 : i32
          %add3A_475 = arith.constant 8 : i32
          %add3A_476 = arith.addi %add3A_474, %add3A_475 : i32
          %dma_start3A_477 = arith.constant 0 : i32
          %dma_start3A_478 = tpu.memref_slice %arg10[%add3A_476, %dma_start3A_477] : memref<40x128xi32, #tpu.memory_space<vmem>> -> memref<1x128xi32, #tpu.memory_space<vmem>>
          %dma_start3A_479 = tpu.memref_squeeze %dma_start3A_478 : memref<1x128xi32, #tpu.memory_space<vmem>> -> memref<128xi32, #tpu.memory_space<vmem>>
          %dma_start3A_480 = arith.constant 0 : i32
          %dma_start3A_481 = arith.constant 0 : i32
          %dma_start3A_482 = tpu.memref_slice %arg2[%dma_start3A_480, %dma_start3A_481] : memref<20000x64xf32, #tpu.memory_space<hbm>> -> memref<20000x64xf32, #tpu.memory_space<hbm>>
          tpu.enqueue_indirect_dma source(%dma_start3A_482 : memref<20000x64xf32, #tpu.memory_space<hbm>>) target(%arg18 : memref<128x64xf32, #tpu.memory_space<vmem>>) offsets(%dma_start3A_479 : memref<128xi32, #tpu.memory_space<vmem>>) semaphore(%arg27 : memref<!tpu.dma_semaphore, #tpu.memory_space<semaphore_mem>>)
        } else {
        }
        %add3A_452 = arith.constant 7 : i32
        %add3A_453 = arith.addi %mul3A_148, %add3A_452 : i32
        %dma_wait3A_454 = arith.constant 0 : i32
        %dma_wait3A_455 = tpu.memref_slice %arg11[%add3A_453, %dma_wait3A_454] : memref<40x128xi32, #tpu.memory_space<vmem>> -> memref<1x128xi32, #tpu.memory_space<vmem>>
        %dma_wait3A_456 = tpu.memref_squeeze %dma_wait3A_455 : memref<1x128xi32, #tpu.memory_space<vmem>> -> memref<128xi32, #tpu.memory_space<vmem>>
        %dma_wait3A_457 = arith.constant 0 : i32
        %dma_wait3A_458 = arith.constant 0 : i32
        %dma_wait3A_459 = tpu.memref_slice %arg20[%dma_wait3A_457, %dma_wait3A_458] : memref<10240x64xf32, #tpu.memory_space<vmem_shared>> -> memref<10240x64xf32, #tpu.memory_space<vmem_shared>>
        tpu.wait_indirect_dma semaphore(%arg36 : memref<!tpu.dma_semaphore, #tpu.memory_space<semaphore_mem>>) src(%arg19 : memref<128x64xf32, #tpu.memory_space<vmem>>) dst(%dma_wait3A_459 : memref<10240x64xf32, #tpu.memory_space<vmem_shared>>)
        %add3A_460 = arith.constant 7 : i32
        %add3A_461 = arith.addi %mul3A_148, %add3A_460 : i32
        %dma_wait3A_462 = arith.constant 0 : i32
        %dma_wait3A_463 = tpu.memref_slice %arg11[%add3A_461, %dma_wait3A_462] : memref<40x128xi32, #tpu.memory_space<vmem>> -> memref<1x128xi32, #tpu.memory_space<vmem>>
        %dma_wait3A_464 = tpu.memref_squeeze %dma_wait3A_463 : memref<1x128xi32, #tpu.memory_space<vmem>> -> memref<128xi32, #tpu.memory_space<vmem>>
        %dma_wait3A_465 = arith.constant 0 : i32
        %dma_wait3A_466 = arith.constant 0 : i32
        %dma_wait3A_467 = tpu.memref_slice %arg38[%dma_wait3A_465, %dma_wait3A_466] : memref<10240x16xf32, #tpu.memory_space<vmem_shared>> -> memref<10240x16xf32, #tpu.memory_space<vmem_shared>>
        tpu.wait_indirect_dma semaphore(%arg46 : memref<!tpu.dma_semaphore, #tpu.memory_space<semaphore_mem>>) src(%arg37 : memref<128x16xf32, #tpu.memory_space<vmem>>) dst(%dma_wait3A_467 : memref<10240x16xf32, #tpu.memory_space<vmem_shared>>)
        %lt3A_468 = arith.constant 4 : i32
        %lt3A_469 = arith.cmpi slt, %add3A_146, %lt3A_468 : i32
        %convert_element_type3A_470 = arith.extui %lt3A_469 : i1 to i32
        %cond3A_471 = arith.constant 0 : i32
        %cond3A_472 = arith.cmpi ne, %convert_element_type3A_470, %cond3A_471 : i32
        scf.if %cond3A_472 {
          %add3A_473 = arith.constant 7 : i32
          %add3A_474 = arith.addi %mul3A_148, %add3A_473 : i32
          %add3A_475 = arith.constant 8 : i32
          %add3A_476 = arith.addi %add3A_474, %add3A_475 : i32
          %dma_start3A_477 = arith.constant 0 : i32
          %dma_start3A_478 = tpu.memref_slice %arg10[%add3A_476, %dma_start3A_477] : memref<40x128xi32, #tpu.memory_space<vmem>> -> memref<1x128xi32, #tpu.memory_space<vmem>>
          %dma_start3A_479 = tpu.memref_squeeze %dma_start3A_478 : memref<1x128xi32, #tpu.memory_space<vmem>> -> memref<128xi32, #tpu.memory_space<vmem>>
          %dma_start3A_480 = arith.constant 0 : i32
          %dma_start3A_481 = arith.constant 0 : i32
          %dma_start3A_482 = tpu.memref_slice %arg2[%dma_start3A_480, %dma_start3A_481] : memref<20000x64xf32, #tpu.memory_space<hbm>> -> memref<20000x64xf32, #tpu.memory_space<hbm>>
          tpu.enqueue_indirect_dma source(%dma_start3A_482 : memref<20000x64xf32, #tpu.memory_space<hbm>>) target(%arg19 : memref<128x64xf32, #tpu.memory_space<vmem>>) offsets(%dma_start3A_479 : memref<128xi32, #tpu.memory_space<vmem>>) semaphore(%arg28 : memref<!tpu.dma_semaphore, #tpu.memory_space<semaphore_mem>>)
        } else {
        }
      }
      %scan3A_141 = arith.constant 5 : i32
    }
    %scan3A_29 = arith.constant 4 : i32
    %barrier3A_30 = arith.constant 0 : index
    tpu.barrier barrier_id(%barrier3A_30)
    %mul3A_31 = arith.constant 10240 : i32
    %mul3A_32 = arith.muli %arg0, %mul3A_31 : i32
    %mul3A_33 = arith.constant 640 : i32
    %mul3A_34 = arith.muli %arg1, %mul3A_33 : i32
    %add3A_35 = arith.addi %mul3A_32, %mul3A_34 : i32
    %mul3A_36 = arith.constant 640 : i32
    %mul3A_37 = arith.muli %arg1, %mul3A_36 : i32
    %add3A_38 = arith.constant 0 : i32
    %add3A_39 = arith.addi %mul3A_37, %add3A_38 : i32
    %add3A_40 = arith.constant 0 : i32
    %add3A_41 = arith.addi %add3A_35, %add3A_40 : i32
    %multiple_of3A_42 = tpu.assume_multiple %add3A_41, 128 : i32
    "tpu.region"() ({
      %run_scoped3A = tpu.sem_alloc : memref<!tpu.dma_semaphore, #tpu.memory_space<semaphore_mem>>
      %dma_start3A = arith.constant 0 : i32
      %dma_start3A_71 = tpu.memref_slice %arg20[%add3A_39, %dma_start3A] : memref<10240x64xf32, #tpu.memory_space<vmem_shared>> -> memref<128x64xf32, #tpu.memory_space<vmem_shared>>
      %dma_start3A_72 = arith.constant 0 : i32
      %dma_start3A_73 = tpu.memref_slice %arg20[%add3A_39, %dma_start3A_72] : memref<10240x64xf32, #tpu.memory_space<vmem_shared>> -> memref<128x64xf32, #tpu.memory_space<vmem_shared>>
      tpu.enqueue_dma source(%dma_start3A_73 : memref<128x64xf32, #tpu.memory_space<vmem_shared>>) target(%arg12 : memref<128x64xf32, #tpu.memory_space<vmem>>) target_semaphore(%run_scoped3A : memref<!tpu.dma_semaphore, #tpu.memory_space<semaphore_mem>>)
      %dma_wait3A = arith.constant 0 : i32
      %dma_wait3A_74 = tpu.memref_slice %arg20[%add3A_39, %dma_wait3A] : memref<10240x64xf32, #tpu.memory_space<vmem_shared>> -> memref<128x64xf32, #tpu.memory_space<vmem_shared>>
      %dma_wait3A_75 = arith.constant 0 : i32
      %dma_wait3A_76 = tpu.memref_slice %arg20[%add3A_39, %dma_wait3A_75] : memref<10240x64xf32, #tpu.memory_space<vmem_shared>> -> memref<128x64xf32, #tpu.memory_space<vmem_shared>>
      tpu.wait_dma2 semaphore(%run_scoped3A : memref<!tpu.dma_semaphore, #tpu.memory_space<semaphore_mem>>) src(%dma_wait3A_76 : memref<128x64xf32, #tpu.memory_space<vmem_shared>>) dst(%arg12 : memref<128x64xf32, #tpu.memory_space<vmem>>)
      tpu.yield
    }) : () -> ()
    "tpu.region"() ({
      %run_scoped3A = tpu.sem_alloc : memref<!tpu.dma_semaphore, #tpu.memory_space<semaphore_mem>>
      %dma_start3A = arith.constant 0 : i32
      %dma_start3A_71 = tpu.memref_slice %arg8[%multiple_of3A_42, %dma_start3A] : memref<20480x64xf32, #tpu.memory_space<hbm>> -> memref<128x64xf32, #tpu.memory_space<hbm>>
      %dma_start3A_72 = arith.constant 0 : i32
      %dma_start3A_73 = tpu.memref_slice %arg8[%multiple_of3A_42, %dma_start3A_72] : memref<20480x64xf32, #tpu.memory_space<hbm>> -> memref<128x64xf32, #tpu.memory_space<hbm>>
      tpu.enqueue_dma source(%arg12 : memref<128x64xf32, #tpu.memory_space<vmem>>) target(%dma_start3A_73 : memref<128x64xf32, #tpu.memory_space<hbm>>) target_semaphore(%run_scoped3A : memref<!tpu.dma_semaphore, #tpu.memory_space<semaphore_mem>>)
      %dma_wait3A = arith.constant 0 : i32
      %dma_wait3A_74 = tpu.memref_slice %arg8[%multiple_of3A_42, %dma_wait3A] : memref<20480x64xf32, #tpu.memory_space<hbm>> -> memref<128x64xf32, #tpu.memory_space<hbm>>
      %dma_wait3A_75 = arith.constant 0 : i32
      %dma_wait3A_76 = tpu.memref_slice %arg8[%multiple_of3A_42, %dma_wait3A_75] : memref<20480x64xf32, #tpu.memory_space<hbm>> -> memref<128x64xf32, #tpu.memory_space<hbm>>
      tpu.wait_dma2 semaphore(%run_scoped3A : memref<!tpu.dma_semaphore, #tpu.memory_space<semaphore_mem>>) src(%arg12 : memref<128x64xf32, #tpu.memory_space<vmem>>) dst(%dma_wait3A_76 : memref<128x64xf32, #tpu.memory_space<hbm>>)
      tpu.yield
    }) : () -> ()
    "tpu.region"() ({
      %run_scoped3A = tpu.sem_alloc : memref<!tpu.dma_semaphore, #tpu.memory_space<semaphore_mem>>
      %dma_start3A = arith.constant 0 : i32
      %dma_start3A_71 = tpu.memref_slice %arg38[%add3A_39, %dma_start3A] : memref<10240x16xf32, #tpu.memory_space<vmem_shared>> -> memref<128x16xf32, #tpu.memory_space<vmem_shared>>
      %dma_start3A_72 = arith.constant 0 : i32
      %dma_start3A_73 = tpu.memref_slice %arg38[%add3A_39, %dma_start3A_72] : memref<10240x16xf32, #tpu.memory_space<vmem_shared>> -> memref<128x16xf32, #tpu.memory_space<vmem_shared>>
      tpu.enqueue_dma source(%dma_start3A_73 : memref<128x16xf32, #tpu.memory_space<vmem_shared>>) target(%arg37 : memref<128x16xf32, #tpu.memory_space<vmem>>) target_semaphore(%run_scoped3A : memref<!tpu.dma_semaphore, #tpu.memory_space<semaphore_mem>>)
      %dma_wait3A = arith.constant 0 : i32
      %dma_wait3A_74 = tpu.memref_slice %arg38[%add3A_39, %dma_wait3A] : memref<10240x16xf32, #tpu.memory_space<vmem_shared>> -> memref<128x16xf32, #tpu.memory_space<vmem_shared>>
      %dma_wait3A_75 = arith.constant 0 : i32
      %dma_wait3A_76 = tpu.memref_slice %arg38[%add3A_39, %dma_wait3A_75] : memref<10240x16xf32, #tpu.memory_space<vmem_shared>> -> memref<128x16xf32, #tpu.memory_space<vmem_shared>>
      tpu.wait_dma2 semaphore(%run_scoped3A : memref<!tpu.dma_semaphore, #tpu.memory_space<semaphore_mem>>) src(%dma_wait3A_76 : memref<128x16xf32, #tpu.memory_space<vmem_shared>>) dst(%arg37 : memref<128x16xf32, #tpu.memory_space<vmem>>)
      tpu.yield
    }) : () -> ()
    "tpu.region"() ({
      %run_scoped3A = tpu.sem_alloc : memref<!tpu.dma_semaphore, #tpu.memory_space<semaphore_mem>>
      %dma_start3A = arith.constant 0 : i32
      %dma_start3A_71 = tpu.memref_slice %arg9[%multiple_of3A_42, %dma_start3A] : memref<20480x16xf32, #tpu.memory_space<hbm>> -> memref<128x16xf32, #tpu.memory_space<hbm>>
      %dma_start3A_72 = arith.constant 0 : i32
      %dma_start3A_73 = tpu.memref_slice %arg9[%multiple_of3A_42, %dma_start3A_72] : memref<20480x16xf32, #tpu.memory_space<hbm>> -> memref<128x16xf32, #tpu.memory_space<hbm>>
      tpu.enqueue_dma source(%arg37 : memref<128x16xf32, #tpu.memory_space<vmem>>) target(%dma_start3A_73 : memref<128x16xf32, #tpu.memory_space<hbm>>) target_semaphore(%run_scoped3A : memref<!tpu.dma_semaphore, #tpu.memory_space<semaphore_mem>>)
      %dma_wait3A = arith.constant 0 : i32
      %dma_wait3A_74 = tpu.memref_slice %arg9[%multiple_of3A_42, %dma_wait3A] : memref<20480x16xf32, #tpu.memory_space<hbm>> -> memref<128x16xf32, #tpu.memory_space<hbm>>
      %dma_wait3A_75 = arith.constant 0 : i32
      %dma_wait3A_76 = tpu.memref_slice %arg9[%multiple_of3A_42, %dma_wait3A_75] : memref<20480x16xf32, #tpu.memory_space<hbm>> -> memref<128x16xf32, #tpu.memory_space<hbm>>
      tpu.wait_dma2 semaphore(%run_scoped3A : memref<!tpu.dma_semaphore, #tpu.memory_space<semaphore_mem>>) src(%arg37 : memref<128x16xf32, #tpu.memory_space<vmem>>) dst(%dma_wait3A_76 : memref<128x16xf32, #tpu.memory_space<hbm>>)
      tpu.yield
    }) : () -> ()
    %mul3A_43 = arith.constant 640 : i32
    %mul3A_44 = arith.muli %arg1, %mul3A_43 : i32
    %add3A_45 = arith.constant 128 : i32
    %add3A_46 = arith.addi %mul3A_44, %add3A_45 : i32
    %add3A_47 = arith.constant 128 : i32
    %add3A_48 = arith.addi %add3A_35, %add3A_47 : i32
    %multiple_of3A_49 = tpu.assume_multiple %add3A_48, 128 : i32
    "tpu.region"() ({
      %run_scoped3A = tpu.sem_alloc : memref<!tpu.dma_semaphore, #tpu.memory_space<semaphore_mem>>
      %dma_start3A = arith.constant 0 : i32
      %dma_start3A_71 = tpu.memref_slice %arg20[%add3A_46, %dma_start3A] : memref<10240x64xf32, #tpu.memory_space<vmem_shared>> -> memref<128x64xf32, #tpu.memory_space<vmem_shared>>
      %dma_start3A_72 = arith.constant 0 : i32
      %dma_start3A_73 = tpu.memref_slice %arg20[%add3A_46, %dma_start3A_72] : memref<10240x64xf32, #tpu.memory_space<vmem_shared>> -> memref<128x64xf32, #tpu.memory_space<vmem_shared>>
      tpu.enqueue_dma source(%dma_start3A_73 : memref<128x64xf32, #tpu.memory_space<vmem_shared>>) target(%arg12 : memref<128x64xf32, #tpu.memory_space<vmem>>) target_semaphore(%run_scoped3A : memref<!tpu.dma_semaphore, #tpu.memory_space<semaphore_mem>>)
      %dma_wait3A = arith.constant 0 : i32
      %dma_wait3A_74 = tpu.memref_slice %arg20[%add3A_46, %dma_wait3A] : memref<10240x64xf32, #tpu.memory_space<vmem_shared>> -> memref<128x64xf32, #tpu.memory_space<vmem_shared>>
      %dma_wait3A_75 = arith.constant 0 : i32
      %dma_wait3A_76 = tpu.memref_slice %arg20[%add3A_46, %dma_wait3A_75] : memref<10240x64xf32, #tpu.memory_space<vmem_shared>> -> memref<128x64xf32, #tpu.memory_space<vmem_shared>>
      tpu.wait_dma2 semaphore(%run_scoped3A : memref<!tpu.dma_semaphore, #tpu.memory_space<semaphore_mem>>) src(%dma_wait3A_76 : memref<128x64xf32, #tpu.memory_space<vmem_shared>>) dst(%arg12 : memref<128x64xf32, #tpu.memory_space<vmem>>)
      tpu.yield
    }) : () -> ()
    "tpu.region"() ({
      %run_scoped3A = tpu.sem_alloc : memref<!tpu.dma_semaphore, #tpu.memory_space<semaphore_mem>>
      %dma_start3A = arith.constant 0 : i32
      %dma_start3A_71 = tpu.memref_slice %arg8[%multiple_of3A_49, %dma_start3A] : memref<20480x64xf32, #tpu.memory_space<hbm>> -> memref<128x64xf32, #tpu.memory_space<hbm>>
      %dma_start3A_72 = arith.constant 0 : i32
      %dma_start3A_73 = tpu.memref_slice %arg8[%multiple_of3A_49, %dma_start3A_72] : memref<20480x64xf32, #tpu.memory_space<hbm>> -> memref<128x64xf32, #tpu.memory_space<hbm>>
      tpu.enqueue_dma source(%arg12 : memref<128x64xf32, #tpu.memory_space<vmem>>) target(%dma_start3A_73 : memref<128x64xf32, #tpu.memory_space<hbm>>) target_semaphore(%run_scoped3A : memref<!tpu.dma_semaphore, #tpu.memory_space<semaphore_mem>>)
      %dma_wait3A = arith.constant 0 : i32
      %dma_wait3A_74 = tpu.memref_slice %arg8[%multiple_of3A_49, %dma_wait3A] : memref<20480x64xf32, #tpu.memory_space<hbm>> -> memref<128x64xf32, #tpu.memory_space<hbm>>
      %dma_wait3A_75 = arith.constant 0 : i32
      %dma_wait3A_76 = tpu.memref_slice %arg8[%multiple_of3A_49, %dma_wait3A_75] : memref<20480x64xf32, #tpu.memory_space<hbm>> -> memref<128x64xf32, #tpu.memory_space<hbm>>
      tpu.wait_dma2 semaphore(%run_scoped3A : memref<!tpu.dma_semaphore, #tpu.memory_space<semaphore_mem>>) src(%arg12 : memref<128x64xf32, #tpu.memory_space<vmem>>) dst(%dma_wait3A_76 : memref<128x64xf32, #tpu.memory_space<hbm>>)
      tpu.yield
    }) : () -> ()
    "tpu.region"() ({
      %run_scoped3A = tpu.sem_alloc : memref<!tpu.dma_semaphore, #tpu.memory_space<semaphore_mem>>
      %dma_start3A = arith.constant 0 : i32
      %dma_start3A_71 = tpu.memref_slice %arg38[%add3A_46, %dma_start3A] : memref<10240x16xf32, #tpu.memory_space<vmem_shared>> -> memref<128x16xf32, #tpu.memory_space<vmem_shared>>
      %dma_start3A_72 = arith.constant 0 : i32
      %dma_start3A_73 = tpu.memref_slice %arg38[%add3A_46, %dma_start3A_72] : memref<10240x16xf32, #tpu.memory_space<vmem_shared>> -> memref<128x16xf32, #tpu.memory_space<vmem_shared>>
      tpu.enqueue_dma source(%dma_start3A_73 : memref<128x16xf32, #tpu.memory_space<vmem_shared>>) target(%arg37 : memref<128x16xf32, #tpu.memory_space<vmem>>) target_semaphore(%run_scoped3A : memref<!tpu.dma_semaphore, #tpu.memory_space<semaphore_mem>>)
      %dma_wait3A = arith.constant 0 : i32
      %dma_wait3A_74 = tpu.memref_slice %arg38[%add3A_46, %dma_wait3A] : memref<10240x16xf32, #tpu.memory_space<vmem_shared>> -> memref<128x16xf32, #tpu.memory_space<vmem_shared>>
      %dma_wait3A_75 = arith.constant 0 : i32
      %dma_wait3A_76 = tpu.memref_slice %arg38[%add3A_46, %dma_wait3A_75] : memref<10240x16xf32, #tpu.memory_space<vmem_shared>> -> memref<128x16xf32, #tpu.memory_space<vmem_shared>>
      tpu.wait_dma2 semaphore(%run_scoped3A : memref<!tpu.dma_semaphore, #tpu.memory_space<semaphore_mem>>) src(%dma_wait3A_76 : memref<128x16xf32, #tpu.memory_space<vmem_shared>>) dst(%arg37 : memref<128x16xf32, #tpu.memory_space<vmem>>)
      tpu.yield
    }) : () -> ()
    "tpu.region"() ({
      %run_scoped3A = tpu.sem_alloc : memref<!tpu.dma_semaphore, #tpu.memory_space<semaphore_mem>>
      %dma_start3A = arith.constant 0 : i32
      %dma_start3A_71 = tpu.memref_slice %arg9[%multiple_of3A_49, %dma_start3A] : memref<20480x16xf32, #tpu.memory_space<hbm>> -> memref<128x16xf32, #tpu.memory_space<hbm>>
      %dma_start3A_72 = arith.constant 0 : i32
      %dma_start3A_73 = tpu.memref_slice %arg9[%multiple_of3A_49, %dma_start3A_72] : memref<20480x16xf32, #tpu.memory_space<hbm>> -> memref<128x16xf32, #tpu.memory_space<hbm>>
      tpu.enqueue_dma source(%arg37 : memref<128x16xf32, #tpu.memory_space<vmem>>) target(%dma_start3A_73 : memref<128x16xf32, #tpu.memory_space<hbm>>) target_semaphore(%run_scoped3A : memref<!tpu.dma_semaphore, #tpu.memory_space<semaphore_mem>>)
      %dma_wait3A = arith.constant 0 : i32
      %dma_wait3A_74 = tpu.memref_slice %arg9[%multiple_of3A_49, %dma_wait3A] : memref<20480x16xf32, #tpu.memory_space<hbm>> -> memref<128x16xf32, #tpu.memory_space<hbm>>
      %dma_wait3A_75 = arith.constant 0 : i32
      %dma_wait3A_76 = tpu.memref_slice %arg9[%multiple_of3A_49, %dma_wait3A_75] : memref<20480x16xf32, #tpu.memory_space<hbm>> -> memref<128x16xf32, #tpu.memory_space<hbm>>
      tpu.wait_dma2 semaphore(%run_scoped3A : memref<!tpu.dma_semaphore, #tpu.memory_space<semaphore_mem>>) src(%arg37 : memref<128x16xf32, #tpu.memory_space<vmem>>) dst(%dma_wait3A_76 : memref<128x16xf32, #tpu.memory_space<hbm>>)
      tpu.yield
    }) : () -> ()
    %mul3A_50 = arith.constant 640 : i32
    %mul3A_51 = arith.muli %arg1, %mul3A_50 : i32
    %add3A_52 = arith.constant 256 : i32
    %add3A_53 = arith.addi %mul3A_51, %add3A_52 : i32
    %add3A_54 = arith.constant 256 : i32
    %add3A_55 = arith.addi %add3A_35, %add3A_54 : i32
    %multiple_of3A_56 = tpu.assume_multiple %add3A_55, 128 : i32
    "tpu.region"() ({
      %run_scoped3A = tpu.sem_alloc : memref<!tpu.dma_semaphore, #tpu.memory_space<semaphore_mem>>
      %dma_start3A = arith.constant 0 : i32
      %dma_start3A_71 = tpu.memref_slice %arg20[%add3A_53, %dma_start3A] : memref<10240x64xf32, #tpu.memory_space<vmem_shared>> -> memref<128x64xf32, #tpu.memory_space<vmem_shared>>
      %dma_start3A_72 = arith.constant 0 : i32
      %dma_start3A_73 = tpu.memref_slice %arg20[%add3A_53, %dma_start3A_72] : memref<10240x64xf32, #tpu.memory_space<vmem_shared>> -> memref<128x64xf32, #tpu.memory_space<vmem_shared>>
      tpu.enqueue_dma source(%dma_start3A_73 : memref<128x64xf32, #tpu.memory_space<vmem_shared>>) target(%arg12 : memref<128x64xf32, #tpu.memory_space<vmem>>) target_semaphore(%run_scoped3A : memref<!tpu.dma_semaphore, #tpu.memory_space<semaphore_mem>>)
      %dma_wait3A = arith.constant 0 : i32
      %dma_wait3A_74 = tpu.memref_slice %arg20[%add3A_53, %dma_wait3A] : memref<10240x64xf32, #tpu.memory_space<vmem_shared>> -> memref<128x64xf32, #tpu.memory_space<vmem_shared>>
      %dma_wait3A_75 = arith.constant 0 : i32
      %dma_wait3A_76 = tpu.memref_slice %arg20[%add3A_53, %dma_wait3A_75] : memref<10240x64xf32, #tpu.memory_space<vmem_shared>> -> memref<128x64xf32, #tpu.memory_space<vmem_shared>>
      tpu.wait_dma2 semaphore(%run_scoped3A : memref<!tpu.dma_semaphore, #tpu.memory_space<semaphore_mem>>) src(%dma_wait3A_76 : memref<128x64xf32, #tpu.memory_space<vmem_shared>>) dst(%arg12 : memref<128x64xf32, #tpu.memory_space<vmem>>)
      tpu.yield
    }) : () -> ()
    "tpu.region"() ({
      %run_scoped3A = tpu.sem_alloc : memref<!tpu.dma_semaphore, #tpu.memory_space<semaphore_mem>>
      %dma_start3A = arith.constant 0 : i32
      %dma_start3A_71 = tpu.memref_slice %arg8[%multiple_of3A_56, %dma_start3A] : memref<20480x64xf32, #tpu.memory_space<hbm>> -> memref<128x64xf32, #tpu.memory_space<hbm>>
      %dma_start3A_72 = arith.constant 0 : i32
      %dma_start3A_73 = tpu.memref_slice %arg8[%multiple_of3A_56, %dma_start3A_72] : memref<20480x64xf32, #tpu.memory_space<hbm>> -> memref<128x64xf32, #tpu.memory_space<hbm>>
      tpu.enqueue_dma source(%arg12 : memref<128x64xf32, #tpu.memory_space<vmem>>) target(%dma_start3A_73 : memref<128x64xf32, #tpu.memory_space<hbm>>) target_semaphore(%run_scoped3A : memref<!tpu.dma_semaphore, #tpu.memory_space<semaphore_mem>>)
      %dma_wait3A = arith.constant 0 : i32
      %dma_wait3A_74 = tpu.memref_slice %arg8[%multiple_of3A_56, %dma_wait3A] : memref<20480x64xf32, #tpu.memory_space<hbm>> -> memref<128x64xf32, #tpu.memory_space<hbm>>
      %dma_wait3A_75 = arith.constant 0 : i32
      %dma_wait3A_76 = tpu.memref_slice %arg8[%multiple_of3A_56, %dma_wait3A_75] : memref<20480x64xf32, #tpu.memory_space<hbm>> -> memref<128x64xf32, #tpu.memory_space<hbm>>
      tpu.wait_dma2 semaphore(%run_scoped3A : memref<!tpu.dma_semaphore, #tpu.memory_space<semaphore_mem>>) src(%arg12 : memref<128x64xf32, #tpu.memory_space<vmem>>) dst(%dma_wait3A_76 : memref<128x64xf32, #tpu.memory_space<hbm>>)
      tpu.yield
    }) : () -> ()
    "tpu.region"() ({
      %run_scoped3A = tpu.sem_alloc : memref<!tpu.dma_semaphore, #tpu.memory_space<semaphore_mem>>
      %dma_start3A = arith.constant 0 : i32
      %dma_start3A_71 = tpu.memref_slice %arg38[%add3A_53, %dma_start3A] : memref<10240x16xf32, #tpu.memory_space<vmem_shared>> -> memref<128x16xf32, #tpu.memory_space<vmem_shared>>
      %dma_start3A_72 = arith.constant 0 : i32
      %dma_start3A_73 = tpu.memref_slice %arg38[%add3A_53, %dma_start3A_72] : memref<10240x16xf32, #tpu.memory_space<vmem_shared>> -> memref<128x16xf32, #tpu.memory_space<vmem_shared>>
      tpu.enqueue_dma source(%dma_start3A_73 : memref<128x16xf32, #tpu.memory_space<vmem_shared>>) target(%arg37 : memref<128x16xf32, #tpu.memory_space<vmem>>) target_semaphore(%run_scoped3A : memref<!tpu.dma_semaphore, #tpu.memory_space<semaphore_mem>>)
      %dma_wait3A = arith.constant 0 : i32
      %dma_wait3A_74 = tpu.memref_slice %arg38[%add3A_53, %dma_wait3A] : memref<10240x16xf32, #tpu.memory_space<vmem_shared>> -> memref<128x16xf32, #tpu.memory_space<vmem_shared>>
      %dma_wait3A_75 = arith.constant 0 : i32
      %dma_wait3A_76 = tpu.memref_slice %arg38[%add3A_53, %dma_wait3A_75] : memref<10240x16xf32, #tpu.memory_space<vmem_shared>> -> memref<128x16xf32, #tpu.memory_space<vmem_shared>>
      tpu.wait_dma2 semaphore(%run_scoped3A : memref<!tpu.dma_semaphore, #tpu.memory_space<semaphore_mem>>) src(%dma_wait3A_76 : memref<128x16xf32, #tpu.memory_space<vmem_shared>>) dst(%arg37 : memref<128x16xf32, #tpu.memory_space<vmem>>)
      tpu.yield
    }) : () -> ()
    "tpu.region"() ({
      %run_scoped3A = tpu.sem_alloc : memref<!tpu.dma_semaphore, #tpu.memory_space<semaphore_mem>>
      %dma_start3A = arith.constant 0 : i32
      %dma_start3A_71 = tpu.memref_slice %arg9[%multiple_of3A_56, %dma_start3A] : memref<20480x16xf32, #tpu.memory_space<hbm>> -> memref<128x16xf32, #tpu.memory_space<hbm>>
      %dma_start3A_72 = arith.constant 0 : i32
      %dma_start3A_73 = tpu.memref_slice %arg9[%multiple_of3A_56, %dma_start3A_72] : memref<20480x16xf32, #tpu.memory_space<hbm>> -> memref<128x16xf32, #tpu.memory_space<hbm>>
      tpu.enqueue_dma source(%arg37 : memref<128x16xf32, #tpu.memory_space<vmem>>) target(%dma_start3A_73 : memref<128x16xf32, #tpu.memory_space<hbm>>) target_semaphore(%run_scoped3A : memref<!tpu.dma_semaphore, #tpu.memory_space<semaphore_mem>>)
      %dma_wait3A = arith.constant 0 : i32
      %dma_wait3A_74 = tpu.memref_slice %arg9[%multiple_of3A_56, %dma_wait3A] : memref<20480x16xf32, #tpu.memory_space<hbm>> -> memref<128x16xf32, #tpu.memory_space<hbm>>
      %dma_wait3A_75 = arith.constant 0 : i32
      %dma_wait3A_76 = tpu.memref_slice %arg9[%multiple_of3A_56, %dma_wait3A_75] : memref<20480x16xf32, #tpu.memory_space<hbm>> -> memref<128x16xf32, #tpu.memory_space<hbm>>
      tpu.wait_dma2 semaphore(%run_scoped3A : memref<!tpu.dma_semaphore, #tpu.memory_space<semaphore_mem>>) src(%arg37 : memref<128x16xf32, #tpu.memory_space<vmem>>) dst(%dma_wait3A_76 : memref<128x16xf32, #tpu.memory_space<hbm>>)
      tpu.yield
    }) : () -> ()
    %mul3A_57 = arith.constant 640 : i32
    %mul3A_58 = arith.muli %arg1, %mul3A_57 : i32
    %add3A_59 = arith.constant 384 : i32
    %add3A_60 = arith.addi %mul3A_58, %add3A_59 : i32
    %add3A_61 = arith.constant 384 : i32
    %add3A_62 = arith.addi %add3A_35, %add3A_61 : i32
    %multiple_of3A_63 = tpu.assume_multiple %add3A_62, 128 : i32
    "tpu.region"() ({
      %run_scoped3A = tpu.sem_alloc : memref<!tpu.dma_semaphore, #tpu.memory_space<semaphore_mem>>
      %dma_start3A = arith.constant 0 : i32
      %dma_start3A_71 = tpu.memref_slice %arg20[%add3A_60, %dma_start3A] : memref<10240x64xf32, #tpu.memory_space<vmem_shared>> -> memref<128x64xf32, #tpu.memory_space<vmem_shared>>
      %dma_start3A_72 = arith.constant 0 : i32
      %dma_start3A_73 = tpu.memref_slice %arg20[%add3A_60, %dma_start3A_72] : memref<10240x64xf32, #tpu.memory_space<vmem_shared>> -> memref<128x64xf32, #tpu.memory_space<vmem_shared>>
      tpu.enqueue_dma source(%dma_start3A_73 : memref<128x64xf32, #tpu.memory_space<vmem_shared>>) target(%arg12 : memref<128x64xf32, #tpu.memory_space<vmem>>) target_semaphore(%run_scoped3A : memref<!tpu.dma_semaphore, #tpu.memory_space<semaphore_mem>>)
      %dma_wait3A = arith.constant 0 : i32
      %dma_wait3A_74 = tpu.memref_slice %arg20[%add3A_60, %dma_wait3A] : memref<10240x64xf32, #tpu.memory_space<vmem_shared>> -> memref<128x64xf32, #tpu.memory_space<vmem_shared>>
      %dma_wait3A_75 = arith.constant 0 : i32
      %dma_wait3A_76 = tpu.memref_slice %arg20[%add3A_60, %dma_wait3A_75] : memref<10240x64xf32, #tpu.memory_space<vmem_shared>> -> memref<128x64xf32, #tpu.memory_space<vmem_shared>>
      tpu.wait_dma2 semaphore(%run_scoped3A : memref<!tpu.dma_semaphore, #tpu.memory_space<semaphore_mem>>) src(%dma_wait3A_76 : memref<128x64xf32, #tpu.memory_space<vmem_shared>>) dst(%arg12 : memref<128x64xf32, #tpu.memory_space<vmem>>)
      tpu.yield
    }) : () -> ()
    "tpu.region"() ({
      %run_scoped3A = tpu.sem_alloc : memref<!tpu.dma_semaphore, #tpu.memory_space<semaphore_mem>>
      %dma_start3A = arith.constant 0 : i32
      %dma_start3A_71 = tpu.memref_slice %arg8[%multiple_of3A_63, %dma_start3A] : memref<20480x64xf32, #tpu.memory_space<hbm>> -> memref<128x64xf32, #tpu.memory_space<hbm>>
      %dma_start3A_72 = arith.constant 0 : i32
      %dma_start3A_73 = tpu.memref_slice %arg8[%multiple_of3A_63, %dma_start3A_72] : memref<20480x64xf32, #tpu.memory_space<hbm>> -> memref<128x64xf32, #tpu.memory_space<hbm>>
      tpu.enqueue_dma source(%arg12 : memref<128x64xf32, #tpu.memory_space<vmem>>) target(%dma_start3A_73 : memref<128x64xf32, #tpu.memory_space<hbm>>) target_semaphore(%run_scoped3A : memref<!tpu.dma_semaphore, #tpu.memory_space<semaphore_mem>>)
      %dma_wait3A = arith.constant 0 : i32
      %dma_wait3A_74 = tpu.memref_slice %arg8[%multiple_of3A_63, %dma_wait3A] : memref<20480x64xf32, #tpu.memory_space<hbm>> -> memref<128x64xf32, #tpu.memory_space<hbm>>
      %dma_wait3A_75 = arith.constant 0 : i32
      %dma_wait3A_76 = tpu.memref_slice %arg8[%multiple_of3A_63, %dma_wait3A_75] : memref<20480x64xf32, #tpu.memory_space<hbm>> -> memref<128x64xf32, #tpu.memory_space<hbm>>
      tpu.wait_dma2 semaphore(%run_scoped3A : memref<!tpu.dma_semaphore, #tpu.memory_space<semaphore_mem>>) src(%arg12 : memref<128x64xf32, #tpu.memory_space<vmem>>) dst(%dma_wait3A_76 : memref<128x64xf32, #tpu.memory_space<hbm>>)
      tpu.yield
    }) : () -> ()
    "tpu.region"() ({
      %run_scoped3A = tpu.sem_alloc : memref<!tpu.dma_semaphore, #tpu.memory_space<semaphore_mem>>
      %dma_start3A = arith.constant 0 : i32
      %dma_start3A_71 = tpu.memref_slice %arg38[%add3A_60, %dma_start3A] : memref<10240x16xf32, #tpu.memory_space<vmem_shared>> -> memref<128x16xf32, #tpu.memory_space<vmem_shared>>
      %dma_start3A_72 = arith.constant 0 : i32
      %dma_start3A_73 = tpu.memref_slice %arg38[%add3A_60, %dma_start3A_72] : memref<10240x16xf32, #tpu.memory_space<vmem_shared>> -> memref<128x16xf32, #tpu.memory_space<vmem_shared>>
      tpu.enqueue_dma source(%dma_start3A_73 : memref<128x16xf32, #tpu.memory_space<vmem_shared>>) target(%arg37 : memref<128x16xf32, #tpu.memory_space<vmem>>) target_semaphore(%run_scoped3A : memref<!tpu.dma_semaphore, #tpu.memory_space<semaphore_mem>>)
      %dma_wait3A = arith.constant 0 : i32
      %dma_wait3A_74 = tpu.memref_slice %arg38[%add3A_60, %dma_wait3A] : memref<10240x16xf32, #tpu.memory_space<vmem_shared>> -> memref<128x16xf32, #tpu.memory_space<vmem_shared>>
      %dma_wait3A_75 = arith.constant 0 : i32
      %dma_wait3A_76 = tpu.memref_slice %arg38[%add3A_60, %dma_wait3A_75] : memref<10240x16xf32, #tpu.memory_space<vmem_shared>> -> memref<128x16xf32, #tpu.memory_space<vmem_shared>>
      tpu.wait_dma2 semaphore(%run_scoped3A : memref<!tpu.dma_semaphore, #tpu.memory_space<semaphore_mem>>) src(%dma_wait3A_76 : memref<128x16xf32, #tpu.memory_space<vmem_shared>>) dst(%arg37 : memref<128x16xf32, #tpu.memory_space<vmem>>)
      tpu.yield
    }) : () -> ()
    "tpu.region"() ({
      %run_scoped3A = tpu.sem_alloc : memref<!tpu.dma_semaphore, #tpu.memory_space<semaphore_mem>>
      %dma_start3A = arith.constant 0 : i32
      %dma_start3A_71 = tpu.memref_slice %arg9[%multiple_of3A_63, %dma_start3A] : memref<20480x16xf32, #tpu.memory_space<hbm>> -> memref<128x16xf32, #tpu.memory_space<hbm>>
      %dma_start3A_72 = arith.constant 0 : i32
      %dma_start3A_73 = tpu.memref_slice %arg9[%multiple_of3A_63, %dma_start3A_72] : memref<20480x16xf32, #tpu.memory_space<hbm>> -> memref<128x16xf32, #tpu.memory_space<hbm>>
      tpu.enqueue_dma source(%arg37 : memref<128x16xf32, #tpu.memory_space<vmem>>) target(%dma_start3A_73 : memref<128x16xf32, #tpu.memory_space<hbm>>) target_semaphore(%run_scoped3A : memref<!tpu.dma_semaphore, #tpu.memory_space<semaphore_mem>>)
      %dma_wait3A = arith.constant 0 : i32
      %dma_wait3A_74 = tpu.memref_slice %arg9[%multiple_of3A_63, %dma_wait3A] : memref<20480x16xf32, #tpu.memory_space<hbm>> -> memref<128x16xf32, #tpu.memory_space<hbm>>
      %dma_wait3A_75 = arith.constant 0 : i32
      %dma_wait3A_76 = tpu.memref_slice %arg9[%multiple_of3A_63, %dma_wait3A_75] : memref<20480x16xf32, #tpu.memory_space<hbm>> -> memref<128x16xf32, #tpu.memory_space<hbm>>
      tpu.wait_dma2 semaphore(%run_scoped3A : memref<!tpu.dma_semaphore, #tpu.memory_space<semaphore_mem>>) src(%arg37 : memref<128x16xf32, #tpu.memory_space<vmem>>) dst(%dma_wait3A_76 : memref<128x16xf32, #tpu.memory_space<hbm>>)
      tpu.yield
    }) : () -> ()
    %mul3A_64 = arith.constant 640 : i32
    %mul3A_65 = arith.muli %arg1, %mul3A_64 : i32
    %add3A_66 = arith.constant 512 : i32
    %add3A_67 = arith.addi %mul3A_65, %add3A_66 : i32
    %add3A_68 = arith.constant 512 : i32
    %add3A_69 = arith.addi %add3A_35, %add3A_68 : i32
    %multiple_of3A_70 = tpu.assume_multiple %add3A_69, 128 : i32
    "tpu.region"() ({
      %run_scoped3A = tpu.sem_alloc : memref<!tpu.dma_semaphore, #tpu.memory_space<semaphore_mem>>
      %dma_start3A = arith.constant 0 : i32
      %dma_start3A_71 = tpu.memref_slice %arg20[%add3A_67, %dma_start3A] : memref<10240x64xf32, #tpu.memory_space<vmem_shared>> -> memref<128x64xf32, #tpu.memory_space<vmem_shared>>
      %dma_start3A_72 = arith.constant 0 : i32
      %dma_start3A_73 = tpu.memref_slice %arg20[%add3A_67, %dma_start3A_72] : memref<10240x64xf32, #tpu.memory_space<vmem_shared>> -> memref<128x64xf32, #tpu.memory_space<vmem_shared>>
      tpu.enqueue_dma source(%dma_start3A_73 : memref<128x64xf32, #tpu.memory_space<vmem_shared>>) target(%arg12 : memref<128x64xf32, #tpu.memory_space<vmem>>) target_semaphore(%run_scoped3A : memref<!tpu.dma_semaphore, #tpu.memory_space<semaphore_mem>>)
      %dma_wait3A = arith.constant 0 : i32
      %dma_wait3A_74 = tpu.memref_slice %arg20[%add3A_67, %dma_wait3A] : memref<10240x64xf32, #tpu.memory_space<vmem_shared>> -> memref<128x64xf32, #tpu.memory_space<vmem_shared>>
      %dma_wait3A_75 = arith.constant 0 : i32
      %dma_wait3A_76 = tpu.memref_slice %arg20[%add3A_67, %dma_wait3A_75] : memref<10240x64xf32, #tpu.memory_space<vmem_shared>> -> memref<128x64xf32, #tpu.memory_space<vmem_shared>>
      tpu.wait_dma2 semaphore(%run_scoped3A : memref<!tpu.dma_semaphore, #tpu.memory_space<semaphore_mem>>) src(%dma_wait3A_76 : memref<128x64xf32, #tpu.memory_space<vmem_shared>>) dst(%arg12 : memref<128x64xf32, #tpu.memory_space<vmem>>)
      tpu.yield
    }) : () -> ()
    "tpu.region"() ({
      %run_scoped3A = tpu.sem_alloc : memref<!tpu.dma_semaphore, #tpu.memory_space<semaphore_mem>>
      %dma_start3A = arith.constant 0 : i32
      %dma_start3A_71 = tpu.memref_slice %arg8[%multiple_of3A_70, %dma_start3A] : memref<20480x64xf32, #tpu.memory_space<hbm>> -> memref<128x64xf32, #tpu.memory_space<hbm>>
      %dma_start3A_72 = arith.constant 0 : i32
      %dma_start3A_73 = tpu.memref_slice %arg8[%multiple_of3A_70, %dma_start3A_72] : memref<20480x64xf32, #tpu.memory_space<hbm>> -> memref<128x64xf32, #tpu.memory_space<hbm>>
      tpu.enqueue_dma source(%arg12 : memref<128x64xf32, #tpu.memory_space<vmem>>) target(%dma_start3A_73 : memref<128x64xf32, #tpu.memory_space<hbm>>) target_semaphore(%run_scoped3A : memref<!tpu.dma_semaphore, #tpu.memory_space<semaphore_mem>>)
      %dma_wait3A = arith.constant 0 : i32
      %dma_wait3A_74 = tpu.memref_slice %arg8[%multiple_of3A_70, %dma_wait3A] : memref<20480x64xf32, #tpu.memory_space<hbm>> -> memref<128x64xf32, #tpu.memory_space<hbm>>
      %dma_wait3A_75 = arith.constant 0 : i32
      %dma_wait3A_76 = tpu.memref_slice %arg8[%multiple_of3A_70, %dma_wait3A_75] : memref<20480x64xf32, #tpu.memory_space<hbm>> -> memref<128x64xf32, #tpu.memory_space<hbm>>
      tpu.wait_dma2 semaphore(%run_scoped3A : memref<!tpu.dma_semaphore, #tpu.memory_space<semaphore_mem>>) src(%arg12 : memref<128x64xf32, #tpu.memory_space<vmem>>) dst(%dma_wait3A_76 : memref<128x64xf32, #tpu.memory_space<hbm>>)
      tpu.yield
    }) : () -> ()
    "tpu.region"() ({
      %run_scoped3A = tpu.sem_alloc : memref<!tpu.dma_semaphore, #tpu.memory_space<semaphore_mem>>
      %dma_start3A = arith.constant 0 : i32
      %dma_start3A_71 = tpu.memref_slice %arg38[%add3A_67, %dma_start3A] : memref<10240x16xf32, #tpu.memory_space<vmem_shared>> -> memref<128x16xf32, #tpu.memory_space<vmem_shared>>
      %dma_start3A_72 = arith.constant 0 : i32
      %dma_start3A_73 = tpu.memref_slice %arg38[%add3A_67, %dma_start3A_72] : memref<10240x16xf32, #tpu.memory_space<vmem_shared>> -> memref<128x16xf32, #tpu.memory_space<vmem_shared>>
      tpu.enqueue_dma source(%dma_start3A_73 : memref<128x16xf32, #tpu.memory_space<vmem_shared>>) target(%arg37 : memref<128x16xf32, #tpu.memory_space<vmem>>) target_semaphore(%run_scoped3A : memref<!tpu.dma_semaphore, #tpu.memory_space<semaphore_mem>>)
      %dma_wait3A = arith.constant 0 : i32
      %dma_wait3A_74 = tpu.memref_slice %arg38[%add3A_67, %dma_wait3A] : memref<10240x16xf32, #tpu.memory_space<vmem_shared>> -> memref<128x16xf32, #tpu.memory_space<vmem_shared>>
      %dma_wait3A_75 = arith.constant 0 : i32
      %dma_wait3A_76 = tpu.memref_slice %arg38[%add3A_67, %dma_wait3A_75] : memref<10240x16xf32, #tpu.memory_space<vmem_shared>> -> memref<128x16xf32, #tpu.memory_space<vmem_shared>>
      tpu.wait_dma2 semaphore(%run_scoped3A : memref<!tpu.dma_semaphore, #tpu.memory_space<semaphore_mem>>) src(%dma_wait3A_76 : memref<128x16xf32, #tpu.memory_space<vmem_shared>>) dst(%arg37 : memref<128x16xf32, #tpu.memory_space<vmem>>)
      tpu.yield
    }) : () -> ()
    "tpu.region"() ({
      %run_scoped3A = tpu.sem_alloc : memref<!tpu.dma_semaphore, #tpu.memory_space<semaphore_mem>>
      %dma_start3A = arith.constant 0 : i32
      %dma_start3A_71 = tpu.memref_slice %arg9[%multiple_of3A_70, %dma_start3A] : memref<20480x16xf32, #tpu.memory_space<hbm>> -> memref<128x16xf32, #tpu.memory_space<hbm>>
      %dma_start3A_72 = arith.constant 0 : i32
      %dma_start3A_73 = tpu.memref_slice %arg9[%multiple_of3A_70, %dma_start3A_72] : memref<20480x16xf32, #tpu.memory_space<hbm>> -> memref<128x16xf32, #tpu.memory_space<hbm>>
      tpu.enqueue_dma source(%arg37 : memref<128x16xf32, #tpu.memory_space<vmem>>) target(%dma_start3A_73 : memref<128x16xf32, #tpu.memory_space<hbm>>) target_semaphore(%run_scoped3A : memref<!tpu.dma_semaphore, #tpu.memory_space<semaphore_mem>>)
      %dma_wait3A = arith.constant 0 : i32
      %dma_wait3A_74 = tpu.memref_slice %arg9[%multiple_of3A_70, %dma_wait3A] : memref<20480x16xf32, #tpu.memory_space<hbm>> -> memref<128x16xf32, #tpu.memory_space<hbm>>
      %dma_wait3A_75 = arith.constant 0 : i32
      %dma_wait3A_76 = tpu.memref_slice %arg9[%multiple_of3A_70, %dma_wait3A_75] : memref<20480x16xf32, #tpu.memory_space<hbm>> -> memref<128x16xf32, #tpu.memory_space<hbm>>
      tpu.wait_dma2 semaphore(%run_scoped3A : memref<!tpu.dma_semaphore, #tpu.memory_space<semaphore_mem>>) src(%arg37 : memref<128x16xf32, #tpu.memory_space<vmem>>) dst(%dma_wait3A_76 : memref<128x16xf32, #tpu.memory_space<hbm>>)
      tpu.yield
    }) : () -> ()
    return
  }
}

#map = affine_map<(d0, d1) -> (0, 0)>
module attributes {stable_mosaic.version = 14 : i64} {
  func.func @k(%arg0: i32, %arg1: i32, %arg2: memref<20000x64xf32, #tpu.memory_space<hbm>>, %arg3: memref<5120x128xi32, #tpu.memory_space<hbm>>, %arg4: memref<2560x128xi32, #tpu.memory_space<hbm>>, %arg5: memref<128x64xf32, #tpu.memory_space<hbm>>, %arg6: memref<128x16xf32, #tpu.memory_space<hbm>>, %arg7: memref<128x16xf32, #tpu.memory_space<hbm>>, %arg8: memref<20480x64xf32, #tpu.memory_space<hbm>>, %arg9: memref<40x128xi32, #tpu.memory_space<vmem>>, %arg10: memref<40x128xi32, #tpu.memory_space<vmem>>, %arg11: memref<128x64xf32, #tpu.memory_space<vmem>>, %arg12: memref<128x64xf32, #tpu.memory_space<vmem>>, %arg13: memref<128x64xf32, #tpu.memory_space<vmem>>, %arg14: memref<128x64xf32, #tpu.memory_space<vmem>>, %arg15: memref<128x64xf32, #tpu.memory_space<vmem>>, %arg16: memref<128x64xf32, #tpu.memory_space<vmem>>, %arg17: memref<128x64xf32, #tpu.memory_space<vmem>>, %arg18: memref<128x64xf32, #tpu.memory_space<vmem>>, %arg19: memref<10240x64xf32, #tpu.memory_space<vmem_shared>>, %arg20: memref<!tpu.dma_semaphore, #tpu.memory_space<semaphore_mem>>, %arg21: memref<!tpu.dma_semaphore, #tpu.memory_space<semaphore_mem>>, %arg22: memref<!tpu.dma_semaphore, #tpu.memory_space<semaphore_mem>>, %arg23: memref<!tpu.dma_semaphore, #tpu.memory_space<semaphore_mem>>, %arg24: memref<!tpu.dma_semaphore, #tpu.memory_space<semaphore_mem>>, %arg25: memref<!tpu.dma_semaphore, #tpu.memory_space<semaphore_mem>>, %arg26: memref<!tpu.dma_semaphore, #tpu.memory_space<semaphore_mem>>, %arg27: memref<!tpu.dma_semaphore, #tpu.memory_space<semaphore_mem>>, %arg28: memref<!tpu.dma_semaphore, #tpu.memory_space<semaphore_mem>>, %arg29: memref<!tpu.dma_semaphore, #tpu.memory_space<semaphore_mem>>, %arg30: memref<!tpu.dma_semaphore, #tpu.memory_space<semaphore_mem>>, %arg31: memref<!tpu.dma_semaphore, #tpu.memory_space<semaphore_mem>>, %arg32: memref<!tpu.dma_semaphore, #tpu.memory_space<semaphore_mem>>, %arg33: memref<!tpu.dma_semaphore, #tpu.memory_space<semaphore_mem>>, %arg34: memref<!tpu.dma_semaphore, #tpu.memory_space<semaphore_mem>>, %arg35: memref<!tpu.dma_semaphore, #tpu.memory_space<semaphore_mem>>) attributes {dimension_semantics = [#tpu.dimension_semantics<core_parallel>, #tpu.dimension_semantics<subcore_parallel>], iteration_bounds = array<i64: 2, 16>, scalar_prefetch = 0 : i64, scratch_operands = 27 : i64, tpu.core_type = #tpu.core_type<sc_vector_subcore>, window_params = [{transform_indices = #map}, {transform_indices = #map}, {transform_indices = #map}, {transform_indices = #map}, {transform_indices = #map}, {transform_indices = #map}, {transform_indices = #map}]} {
    %mul3A = arith.constant 16 : i32
    %mul3A_0 = arith.muli %arg0, %mul3A : i32
    %add3A = arith.addi %mul3A_0, %arg1 : i32
    %mul3A_1 = arith.constant 160 : i32
    %mul3A_2 = arith.muli %add3A, %mul3A_1 : i32
    %multiple_of3A = tpu.assume_multiple %mul3A_2, 160 : i32
    %mul3A_3 = arith.constant 160 : i32
    %mul3A_4 = arith.muli %arg1, %mul3A_3 : i32
    %multiple_of3A_5 = tpu.assume_multiple %mul3A_4, 160 : i32
    "tpu.region"() ({
      %run_scoped3A = tpu.sem_alloc : memref<!tpu.dma_semaphore, #tpu.memory_space<semaphore_mem>>
      tpu.enqueue_dma source(%arg5 : memref<128x64xf32, #tpu.memory_space<hbm>>) target(%arg11 : memref<128x64xf32, #tpu.memory_space<vmem>>) target_semaphore(%run_scoped3A : memref<!tpu.dma_semaphore, #tpu.memory_space<semaphore_mem>>)
      tpu.wait_dma2 semaphore(%run_scoped3A : memref<!tpu.dma_semaphore, #tpu.memory_space<semaphore_mem>>) src(%arg5 : memref<128x64xf32, #tpu.memory_space<hbm>>) dst(%arg11 : memref<128x64xf32, #tpu.memory_space<vmem>>)
      tpu.yield
    }) : () -> ()
    %mul3A_6 = arith.constant 640 : i32
    %mul3A_7 = arith.muli %arg1, %mul3A_6 : i32
    %add3A_8 = arith.constant 0 : i32
    %add3A_9 = arith.addi %mul3A_7, %add3A_8 : i32
    "tpu.region"() ({
      %run_scoped3A = tpu.sem_alloc : memref<!tpu.dma_semaphore, #tpu.memory_space<semaphore_mem>>
      %dma_start3A = arith.constant 0 : i32
      %dma_start3A_71 = tpu.memref_slice %arg19[%add3A_9, %dma_start3A] : memref<10240x64xf32, #tpu.memory_space<vmem_shared>> -> memref<128x64xf32, #tpu.memory_space<vmem_shared>>
      %dma_start3A_72 = arith.constant 0 : i32
      %dma_start3A_73 = tpu.memref_slice %arg19[%add3A_9, %dma_start3A_72] : memref<10240x64xf32, #tpu.memory_space<vmem_shared>> -> memref<128x64xf32, #tpu.memory_space<vmem_shared>>
      tpu.enqueue_dma source(%arg11 : memref<128x64xf32, #tpu.memory_space<vmem>>) target(%dma_start3A_73 : memref<128x64xf32, #tpu.memory_space<vmem_shared>>) target_semaphore(%run_scoped3A : memref<!tpu.dma_semaphore, #tpu.memory_space<semaphore_mem>>)
      %dma_wait3A = arith.constant 0 : i32
      %dma_wait3A_74 = tpu.memref_slice %arg19[%add3A_9, %dma_wait3A] : memref<10240x64xf32, #tpu.memory_space<vmem_shared>> -> memref<128x64xf32, #tpu.memory_space<vmem_shared>>
      %dma_wait3A_75 = arith.constant 0 : i32
      %dma_wait3A_76 = tpu.memref_slice %arg19[%add3A_9, %dma_wait3A_75] : memref<10240x64xf32, #tpu.memory_space<vmem_shared>> -> memref<128x64xf32, #tpu.memory_space<vmem_shared>>
      tpu.wait_dma2 semaphore(%run_scoped3A : memref<!tpu.dma_semaphore, #tpu.memory_space<semaphore_mem>>) src(%arg11 : memref<128x64xf32, #tpu.memory_space<vmem>>) dst(%dma_wait3A_76 : memref<128x64xf32, #tpu.memory_space<vmem_shared>>)
      tpu.yield
    }) : () -> ()
    %mul3A_10 = arith.constant 640 : i32
    %mul3A_11 = arith.muli %arg1, %mul3A_10 : i32
    %add3A_12 = arith.constant 128 : i32
    %add3A_13 = arith.addi %mul3A_11, %add3A_12 : i32
    "tpu.region"() ({
      %run_scoped3A = tpu.sem_alloc : memref<!tpu.dma_semaphore, #tpu.memory_space<semaphore_mem>>
      %dma_start3A = arith.constant 0 : i32
      %dma_start3A_71 = tpu.memref_slice %arg19[%add3A_13, %dma_start3A] : memref<10240x64xf32, #tpu.memory_space<vmem_shared>> -> memref<128x64xf32, #tpu.memory_space<vmem_shared>>
      %dma_start3A_72 = arith.constant 0 : i32
      %dma_start3A_73 = tpu.memref_slice %arg19[%add3A_13, %dma_start3A_72] : memref<10240x64xf32, #tpu.memory_space<vmem_shared>> -> memref<128x64xf32, #tpu.memory_space<vmem_shared>>
      tpu.enqueue_dma source(%arg11 : memref<128x64xf32, #tpu.memory_space<vmem>>) target(%dma_start3A_73 : memref<128x64xf32, #tpu.memory_space<vmem_shared>>) target_semaphore(%run_scoped3A : memref<!tpu.dma_semaphore, #tpu.memory_space<semaphore_mem>>)
      %dma_wait3A = arith.constant 0 : i32
      %dma_wait3A_74 = tpu.memref_slice %arg19[%add3A_13, %dma_wait3A] : memref<10240x64xf32, #tpu.memory_space<vmem_shared>> -> memref<128x64xf32, #tpu.memory_space<vmem_shared>>
      %dma_wait3A_75 = arith.constant 0 : i32
      %dma_wait3A_76 = tpu.memref_slice %arg19[%add3A_13, %dma_wait3A_75] : memref<10240x64xf32, #tpu.memory_space<vmem_shared>> -> memref<128x64xf32, #tpu.memory_space<vmem_shared>>
      tpu.wait_dma2 semaphore(%run_scoped3A : memref<!tpu.dma_semaphore, #tpu.memory_space<semaphore_mem>>) src(%arg11 : memref<128x64xf32, #tpu.memory_space<vmem>>) dst(%dma_wait3A_76 : memref<128x64xf32, #tpu.memory_space<vmem_shared>>)
      tpu.yield
    }) : () -> ()
    %mul3A_14 = arith.constant 640 : i32
    %mul3A_15 = arith.muli %arg1, %mul3A_14 : i32
    %add3A_16 = arith.constant 256 : i32
    %add3A_17 = arith.addi %mul3A_15, %add3A_16 : i32
    "tpu.region"() ({
      %run_scoped3A = tpu.sem_alloc : memref<!tpu.dma_semaphore, #tpu.memory_space<semaphore_mem>>
      %dma_start3A = arith.constant 0 : i32
      %dma_start3A_71 = tpu.memref_slice %arg19[%add3A_17, %dma_start3A] : memref<10240x64xf32, #tpu.memory_space<vmem_shared>> -> memref<128x64xf32, #tpu.memory_space<vmem_shared>>
      %dma_start3A_72 = arith.constant 0 : i32
      %dma_start3A_73 = tpu.memref_slice %arg19[%add3A_17, %dma_start3A_72] : memref<10240x64xf32, #tpu.memory_space<vmem_shared>> -> memref<128x64xf32, #tpu.memory_space<vmem_shared>>
      tpu.enqueue_dma source(%arg11 : memref<128x64xf32, #tpu.memory_space<vmem>>) target(%dma_start3A_73 : memref<128x64xf32, #tpu.memory_space<vmem_shared>>) target_semaphore(%run_scoped3A : memref<!tpu.dma_semaphore, #tpu.memory_space<semaphore_mem>>)
      %dma_wait3A = arith.constant 0 : i32
      %dma_wait3A_74 = tpu.memref_slice %arg19[%add3A_17, %dma_wait3A] : memref<10240x64xf32, #tpu.memory_space<vmem_shared>> -> memref<128x64xf32, #tpu.memory_space<vmem_shared>>
      %dma_wait3A_75 = arith.constant 0 : i32
      %dma_wait3A_76 = tpu.memref_slice %arg19[%add3A_17, %dma_wait3A_75] : memref<10240x64xf32, #tpu.memory_space<vmem_shared>> -> memref<128x64xf32, #tpu.memory_space<vmem_shared>>
      tpu.wait_dma2 semaphore(%run_scoped3A : memref<!tpu.dma_semaphore, #tpu.memory_space<semaphore_mem>>) src(%arg11 : memref<128x64xf32, #tpu.memory_space<vmem>>) dst(%dma_wait3A_76 : memref<128x64xf32, #tpu.memory_space<vmem_shared>>)
      tpu.yield
    }) : () -> ()
    %mul3A_18 = arith.constant 640 : i32
    %mul3A_19 = arith.muli %arg1, %mul3A_18 : i32
    %add3A_20 = arith.constant 384 : i32
    %add3A_21 = arith.addi %mul3A_19, %add3A_20 : i32
    "tpu.region"() ({
      %run_scoped3A = tpu.sem_alloc : memref<!tpu.dma_semaphore, #tpu.memory_space<semaphore_mem>>
      %dma_start3A = arith.constant 0 : i32
      %dma_start3A_71 = tpu.memref_slice %arg19[%add3A_21, %dma_start3A] : memref<10240x64xf32, #tpu.memory_space<vmem_shared>> -> memref<128x64xf32, #tpu.memory_space<vmem_shared>>
      %dma_start3A_72 = arith.constant 0 : i32
      %dma_start3A_73 = tpu.memref_slice %arg19[%add3A_21, %dma_start3A_72] : memref<10240x64xf32, #tpu.memory_space<vmem_shared>> -> memref<128x64xf32, #tpu.memory_space<vmem_shared>>
      tpu.enqueue_dma source(%arg11 : memref<128x64xf32, #tpu.memory_space<vmem>>) target(%dma_start3A_73 : memref<128x64xf32, #tpu.memory_space<vmem_shared>>) target_semaphore(%run_scoped3A : memref<!tpu.dma_semaphore, #tpu.memory_space<semaphore_mem>>)
      %dma_wait3A = arith.constant 0 : i32
      %dma_wait3A_74 = tpu.memref_slice %arg19[%add3A_21, %dma_wait3A] : memref<10240x64xf32, #tpu.memory_space<vmem_shared>> -> memref<128x64xf32, #tpu.memory_space<vmem_shared>>
      %dma_wait3A_75 = arith.constant 0 : i32
      %dma_wait3A_76 = tpu.memref_slice %arg19[%add3A_21, %dma_wait3A_75] : memref<10240x64xf32, #tpu.memory_space<vmem_shared>> -> memref<128x64xf32, #tpu.memory_space<vmem_shared>>
      tpu.wait_dma2 semaphore(%run_scoped3A : memref<!tpu.dma_semaphore, #tpu.memory_space<semaphore_mem>>) src(%arg11 : memref<128x64xf32, #tpu.memory_space<vmem>>) dst(%dma_wait3A_76 : memref<128x64xf32, #tpu.memory_space<vmem_shared>>)
      tpu.yield
    }) : () -> ()
    %mul3A_22 = arith.constant 640 : i32
    %mul3A_23 = arith.muli %arg1, %mul3A_22 : i32
    %add3A_24 = arith.constant 512 : i32
    %add3A_25 = arith.addi %mul3A_23, %add3A_24 : i32
    "tpu.region"() ({
      %run_scoped3A = tpu.sem_alloc : memref<!tpu.dma_semaphore, #tpu.memory_space<semaphore_mem>>
      %dma_start3A = arith.constant 0 : i32
      %dma_start3A_71 = tpu.memref_slice %arg19[%add3A_25, %dma_start3A] : memref<10240x64xf32, #tpu.memory_space<vmem_shared>> -> memref<128x64xf32, #tpu.memory_space<vmem_shared>>
      %dma_start3A_72 = arith.constant 0 : i32
      %dma_start3A_73 = tpu.memref_slice %arg19[%add3A_25, %dma_start3A_72] : memref<10240x64xf32, #tpu.memory_space<vmem_shared>> -> memref<128x64xf32, #tpu.memory_space<vmem_shared>>
      tpu.enqueue_dma source(%arg11 : memref<128x64xf32, #tpu.memory_space<vmem>>) target(%dma_start3A_73 : memref<128x64xf32, #tpu.memory_space<vmem_shared>>) target_semaphore(%run_scoped3A : memref<!tpu.dma_semaphore, #tpu.memory_space<semaphore_mem>>)
      %dma_wait3A = arith.constant 0 : i32
      %dma_wait3A_74 = tpu.memref_slice %arg19[%add3A_25, %dma_wait3A] : memref<10240x64xf32, #tpu.memory_space<vmem_shared>> -> memref<128x64xf32, #tpu.memory_space<vmem_shared>>
      %dma_wait3A_75 = arith.constant 0 : i32
      %dma_wait3A_76 = tpu.memref_slice %arg19[%add3A_25, %dma_wait3A_75] : memref<10240x64xf32, #tpu.memory_space<vmem_shared>> -> memref<128x64xf32, #tpu.memory_space<vmem_shared>>
      tpu.wait_dma2 semaphore(%run_scoped3A : memref<!tpu.dma_semaphore, #tpu.memory_space<semaphore_mem>>) src(%arg11 : memref<128x64xf32, #tpu.memory_space<vmem>>) dst(%dma_wait3A_76 : memref<128x64xf32, #tpu.memory_space<vmem_shared>>)
      tpu.yield
    }) : () -> ()
    %barrier3A = arith.constant 0 : index
    tpu.barrier barrier_id(%barrier3A)
    %scan3A = arith.constant 0 : i32
    %scan3A_26 = arith.constant 4 : i32
    %scan3A_27 = arith.addi %scan3A, %scan3A_26 : i32
    %scan3A_28 = arith.constant 1 : i32
    scf.for %scan3A_71 = %scan3A to %scan3A_27 step %scan3A_28  : i32 {
      %mul3A_72 = arith.constant 1 : i32
      %mul3A_73 = arith.muli %scan3A_71, %mul3A_72 : i32
      %add3A_74 = arith.constant 0 : i32
      %add3A_75 = arith.addi %add3A_74, %mul3A_73 : i32
      %mul3A_76 = arith.constant 40 : i32
      %mul3A_77 = arith.muli %add3A_75, %mul3A_76 : i32
      %add3A_78 = arith.addi %multiple_of3A, %mul3A_77 : i32
      "tpu.region"() ({
        %run_scoped3A = tpu.sem_alloc : memref<!tpu.dma_semaphore, #tpu.memory_space<semaphore_mem>>
        %dma_start3A_142 = arith.constant 0 : i32
        %dma_start3A_143 = tpu.memref_slice %arg3[%add3A_78, %dma_start3A_142] : memref<5120x128xi32, #tpu.memory_space<hbm>> -> memref<40x128xi32, #tpu.memory_space<hbm>>
        %dma_start3A_144 = arith.constant 0 : i32
        %dma_start3A_145 = tpu.memref_slice %arg3[%add3A_78, %dma_start3A_144] : memref<5120x128xi32, #tpu.memory_space<hbm>> -> memref<40x128xi32, #tpu.memory_space<hbm>>
        tpu.enqueue_dma source(%dma_start3A_145 : memref<40x128xi32, #tpu.memory_space<hbm>>) target(%arg9 : memref<40x128xi32, #tpu.memory_space<vmem>>) target_semaphore(%run_scoped3A : memref<!tpu.dma_semaphore, #tpu.memory_space<semaphore_mem>>)
        %dma_wait3A = arith.constant 0 : i32
        %dma_wait3A_146 = tpu.memref_slice %arg3[%add3A_78, %dma_wait3A] : memref<5120x128xi32, #tpu.memory_space<hbm>> -> memref<40x128xi32, #tpu.memory_space<hbm>>
        %dma_wait3A_147 = arith.constant 0 : i32
        %dma_wait3A_148 = tpu.memref_slice %arg3[%add3A_78, %dma_wait3A_147] : memref<5120x128xi32, #tpu.memory_space<hbm>> -> memref<40x128xi32, #tpu.memory_space<hbm>>
        tpu.wait_dma2 semaphore(%run_scoped3A : memref<!tpu.dma_semaphore, #tpu.memory_space<semaphore_mem>>) src(%dma_wait3A_148 : memref<40x128xi32, #tpu.memory_space<hbm>>) dst(%arg9 : memref<40x128xi32, #tpu.memory_space<vmem>>)
        tpu.yield
      }) : () -> ()
      %mul3A_79 = arith.constant 40 : i32
      %mul3A_80 = arith.muli %add3A_75, %mul3A_79 : i32
      %add3A_81 = arith.addi %multiple_of3A_5, %mul3A_80 : i32
      "tpu.region"() ({
        %run_scoped3A = tpu.sem_alloc : memref<!tpu.dma_semaphore, #tpu.memory_space<semaphore_mem>>
        %dma_start3A_142 = arith.constant 0 : i32
        %dma_start3A_143 = tpu.memref_slice %arg4[%add3A_81, %dma_start3A_142] : memref<2560x128xi32, #tpu.memory_space<hbm>> -> memref<40x128xi32, #tpu.memory_space<hbm>>
        %dma_start3A_144 = arith.constant 0 : i32
        %dma_start3A_145 = tpu.memref_slice %arg4[%add3A_81, %dma_start3A_144] : memref<2560x128xi32, #tpu.memory_space<hbm>> -> memref<40x128xi32, #tpu.memory_space<hbm>>
        tpu.enqueue_dma source(%dma_start3A_145 : memref<40x128xi32, #tpu.memory_space<hbm>>) target(%arg10 : memref<40x128xi32, #tpu.memory_space<vmem>>) target_semaphore(%run_scoped3A : memref<!tpu.dma_semaphore, #tpu.memory_space<semaphore_mem>>)
        %dma_wait3A = arith.constant 0 : i32
        %dma_wait3A_146 = tpu.memref_slice %arg4[%add3A_81, %dma_wait3A] : memref<2560x128xi32, #tpu.memory_space<hbm>> -> memref<40x128xi32, #tpu.memory_space<hbm>>
        %dma_wait3A_147 = arith.constant 0 : i32
        %dma_wait3A_148 = tpu.memref_slice %arg4[%add3A_81, %dma_wait3A_147] : memref<2560x128xi32, #tpu.memory_space<hbm>> -> memref<40x128xi32, #tpu.memory_space<hbm>>
        tpu.wait_dma2 semaphore(%run_scoped3A : memref<!tpu.dma_semaphore, #tpu.memory_space<semaphore_mem>>) src(%dma_wait3A_148 : memref<40x128xi32, #tpu.memory_space<hbm>>) dst(%arg10 : memref<40x128xi32, #tpu.memory_space<vmem>>)
        tpu.yield
      }) : () -> ()
      %dma_start3A = arith.constant 0 : i32
      %dma_start3A_82 = arith.constant 0 : i32
      %dma_start3A_83 = tpu.memref_slice %arg9[%dma_start3A, %dma_start3A_82] : memref<40x128xi32, #tpu.memory_space<vmem>> -> memref<1x128xi32, #tpu.memory_space<vmem>>
      %dma_start3A_84 = tpu.memref_squeeze %dma_start3A_83 : memref<1x128xi32, #tpu.memory_space<vmem>> -> memref<128xi32, #tpu.memory_space<vmem>>
      %dma_start3A_85 = arith.constant 0 : i32
      %dma_start3A_86 = arith.constant 0 : i32
      %dma_start3A_87 = tpu.memref_slice %arg2[%dma_start3A_85, %dma_start3A_86] : memref<20000x64xf32, #tpu.memory_space<hbm>> -> memref<20000x64xf32, #tpu.memory_space<hbm>>
      tpu.enqueue_indirect_dma source(%dma_start3A_87 : memref<20000x64xf32, #tpu.memory_space<hbm>>) target(%arg11 : memref<128x64xf32, #tpu.memory_space<vmem>>) offsets(%dma_start3A_84 : memref<128xi32, #tpu.memory_space<vmem>>) semaphore(%arg20 : memref<!tpu.dma_semaphore, #tpu.memory_space<semaphore_mem>>)
      %dma_start3A_88 = arith.constant 1 : i32
      %dma_start3A_89 = arith.constant 0 : i32
      %dma_start3A_90 = tpu.memref_slice %arg9[%dma_start3A_88, %dma_start3A_89] : memref<40x128xi32, #tpu.memory_space<vmem>> -> memref<1x128xi32, #tpu.memory_space<vmem>>
      %dma_start3A_91 = tpu.memref_squeeze %dma_start3A_90 : memref<1x128xi32, #tpu.memory_space<vmem>> -> memref<128xi32, #tpu.memory_space<vmem>>
      %dma_start3A_92 = arith.constant 0 : i32
      %dma_start3A_93 = arith.constant 0 : i32
      %dma_start3A_94 = tpu.memref_slice %arg2[%dma_start3A_92, %dma_start3A_93] : memref<20000x64xf32, #tpu.memory_space<hbm>> -> memref<20000x64xf32, #tpu.memory_space<hbm>>
      tpu.enqueue_indirect_dma source(%dma_start3A_94 : memref<20000x64xf32, #tpu.memory_space<hbm>>) target(%arg12 : memref<128x64xf32, #tpu.memory_space<vmem>>) offsets(%dma_start3A_91 : memref<128xi32, #tpu.memory_space<vmem>>) semaphore(%arg21 : memref<!tpu.dma_semaphore, #tpu.memory_space<semaphore_mem>>)
      %dma_start3A_95 = arith.constant 2 : i32
      %dma_start3A_96 = arith.constant 0 : i32
      %dma_start3A_97 = tpu.memref_slice %arg9[%dma_start3A_95, %dma_start3A_96] : memref<40x128xi32, #tpu.memory_space<vmem>> -> memref<1x128xi32, #tpu.memory_space<vmem>>
      %dma_start3A_98 = tpu.memref_squeeze %dma_start3A_97 : memref<1x128xi32, #tpu.memory_space<vmem>> -> memref<128xi32, #tpu.memory_space<vmem>>
      %dma_start3A_99 = arith.constant 0 : i32
      %dma_start3A_100 = arith.constant 0 : i32
      %dma_start3A_101 = tpu.memref_slice %arg2[%dma_start3A_99, %dma_start3A_100] : memref<20000x64xf32, #tpu.memory_space<hbm>> -> memref<20000x64xf32, #tpu.memory_space<hbm>>
      tpu.enqueue_indirect_dma source(%dma_start3A_101 : memref<20000x64xf32, #tpu.memory_space<hbm>>) target(%arg13 : memref<128x64xf32, #tpu.memory_space<vmem>>) offsets(%dma_start3A_98 : memref<128xi32, #tpu.memory_space<vmem>>) semaphore(%arg22 : memref<!tpu.dma_semaphore, #tpu.memory_space<semaphore_mem>>)
      %dma_start3A_102 = arith.constant 3 : i32
      %dma_start3A_103 = arith.constant 0 : i32
      %dma_start3A_104 = tpu.memref_slice %arg9[%dma_start3A_102, %dma_start3A_103] : memref<40x128xi32, #tpu.memory_space<vmem>> -> memref<1x128xi32, #tpu.memory_space<vmem>>
      %dma_start3A_105 = tpu.memref_squeeze %dma_start3A_104 : memref<1x128xi32, #tpu.memory_space<vmem>> -> memref<128xi32, #tpu.memory_space<vmem>>
      %dma_start3A_106 = arith.constant 0 : i32
      %dma_start3A_107 = arith.constant 0 : i32
      %dma_start3A_108 = tpu.memref_slice %arg2[%dma_start3A_106, %dma_start3A_107] : memref<20000x64xf32, #tpu.memory_space<hbm>> -> memref<20000x64xf32, #tpu.memory_space<hbm>>
      tpu.enqueue_indirect_dma source(%dma_start3A_108 : memref<20000x64xf32, #tpu.memory_space<hbm>>) target(%arg14 : memref<128x64xf32, #tpu.memory_space<vmem>>) offsets(%dma_start3A_105 : memref<128xi32, #tpu.memory_space<vmem>>) semaphore(%arg23 : memref<!tpu.dma_semaphore, #tpu.memory_space<semaphore_mem>>)
      %dma_start3A_109 = arith.constant 4 : i32
      %dma_start3A_110 = arith.constant 0 : i32
      %dma_start3A_111 = tpu.memref_slice %arg9[%dma_start3A_109, %dma_start3A_110] : memref<40x128xi32, #tpu.memory_space<vmem>> -> memref<1x128xi32, #tpu.memory_space<vmem>>
      %dma_start3A_112 = tpu.memref_squeeze %dma_start3A_111 : memref<1x128xi32, #tpu.memory_space<vmem>> -> memref<128xi32, #tpu.memory_space<vmem>>
      %dma_start3A_113 = arith.constant 0 : i32
      %dma_start3A_114 = arith.constant 0 : i32
      %dma_start3A_115 = tpu.memref_slice %arg2[%dma_start3A_113, %dma_start3A_114] : memref<20000x64xf32, #tpu.memory_space<hbm>> -> memref<20000x64xf32, #tpu.memory_space<hbm>>
      tpu.enqueue_indirect_dma source(%dma_start3A_115 : memref<20000x64xf32, #tpu.memory_space<hbm>>) target(%arg15 : memref<128x64xf32, #tpu.memory_space<vmem>>) offsets(%dma_start3A_112 : memref<128xi32, #tpu.memory_space<vmem>>) semaphore(%arg24 : memref<!tpu.dma_semaphore, #tpu.memory_space<semaphore_mem>>)
      %dma_start3A_116 = arith.constant 5 : i32
      %dma_start3A_117 = arith.constant 0 : i32
      %dma_start3A_118 = tpu.memref_slice %arg9[%dma_start3A_116, %dma_start3A_117] : memref<40x128xi32, #tpu.memory_space<vmem>> -> memref<1x128xi32, #tpu.memory_space<vmem>>
      %dma_start3A_119 = tpu.memref_squeeze %dma_start3A_118 : memref<1x128xi32, #tpu.memory_space<vmem>> -> memref<128xi32, #tpu.memory_space<vmem>>
      %dma_start3A_120 = arith.constant 0 : i32
      %dma_start3A_121 = arith.constant 0 : i32
      %dma_start3A_122 = tpu.memref_slice %arg2[%dma_start3A_120, %dma_start3A_121] : memref<20000x64xf32, #tpu.memory_space<hbm>> -> memref<20000x64xf32, #tpu.memory_space<hbm>>
      tpu.enqueue_indirect_dma source(%dma_start3A_122 : memref<20000x64xf32, #tpu.memory_space<hbm>>) target(%arg16 : memref<128x64xf32, #tpu.memory_space<vmem>>) offsets(%dma_start3A_119 : memref<128xi32, #tpu.memory_space<vmem>>) semaphore(%arg25 : memref<!tpu.dma_semaphore, #tpu.memory_space<semaphore_mem>>)
      %dma_start3A_123 = arith.constant 6 : i32
      %dma_start3A_124 = arith.constant 0 : i32
      %dma_start3A_125 = tpu.memref_slice %arg9[%dma_start3A_123, %dma_start3A_124] : memref<40x128xi32, #tpu.memory_space<vmem>> -> memref<1x128xi32, #tpu.memory_space<vmem>>
      %dma_start3A_126 = tpu.memref_squeeze %dma_start3A_125 : memref<1x128xi32, #tpu.memory_space<vmem>> -> memref<128xi32, #tpu.memory_space<vmem>>
      %dma_start3A_127 = arith.constant 0 : i32
      %dma_start3A_128 = arith.constant 0 : i32
      %dma_start3A_129 = tpu.memref_slice %arg2[%dma_start3A_127, %dma_start3A_128] : memref<20000x64xf32, #tpu.memory_space<hbm>> -> memref<20000x64xf32, #tpu.memory_space<hbm>>
      tpu.enqueue_indirect_dma source(%dma_start3A_129 : memref<20000x64xf32, #tpu.memory_space<hbm>>) target(%arg17 : memref<128x64xf32, #tpu.memory_space<vmem>>) offsets(%dma_start3A_126 : memref<128xi32, #tpu.memory_space<vmem>>) semaphore(%arg26 : memref<!tpu.dma_semaphore, #tpu.memory_space<semaphore_mem>>)
      %dma_start3A_130 = arith.constant 7 : i32
      %dma_start3A_131 = arith.constant 0 : i32
      %dma_start3A_132 = tpu.memref_slice %arg9[%dma_start3A_130, %dma_start3A_131] : memref<40x128xi32, #tpu.memory_space<vmem>> -> memref<1x128xi32, #tpu.memory_space<vmem>>
      %dma_start3A_133 = tpu.memref_squeeze %dma_start3A_132 : memref<1x128xi32, #tpu.memory_space<vmem>> -> memref<128xi32, #tpu.memory_space<vmem>>
      %dma_start3A_134 = arith.constant 0 : i32
      %dma_start3A_135 = arith.constant 0 : i32
      %dma_start3A_136 = tpu.memref_slice %arg2[%dma_start3A_134, %dma_start3A_135] : memref<20000x64xf32, #tpu.memory_space<hbm>> -> memref<20000x64xf32, #tpu.memory_space<hbm>>
      tpu.enqueue_indirect_dma source(%dma_start3A_136 : memref<20000x64xf32, #tpu.memory_space<hbm>>) target(%arg18 : memref<128x64xf32, #tpu.memory_space<vmem>>) offsets(%dma_start3A_133 : memref<128xi32, #tpu.memory_space<vmem>>) semaphore(%arg27 : memref<!tpu.dma_semaphore, #tpu.memory_space<semaphore_mem>>)
      %scan3A_137 = arith.constant 0 : i32
      %scan3A_138 = arith.constant 5 : i32
      %scan3A_139 = arith.addi %scan3A_137, %scan3A_138 : i32
      %scan3A_140 = arith.constant 1 : i32
      scf.for %scan3A_142 = %scan3A_137 to %scan3A_139 step %scan3A_140  : i32 {
        %mul3A_143 = arith.constant 1 : i32
        %mul3A_144 = arith.muli %scan3A_142, %mul3A_143 : i32
        %add3A_145 = arith.constant 0 : i32
        %add3A_146 = arith.addi %add3A_145, %mul3A_144 : i32
        %mul3A_147 = arith.constant 8 : i32
        %mul3A_148 = arith.muli %add3A_146, %mul3A_147 : i32
        %add3A_149 = arith.constant 0 : i32
        %add3A_150 = arith.addi %mul3A_148, %add3A_149 : i32
        %dma_wait3A = arith.constant 0 : i32
        %dma_wait3A_151 = tpu.memref_slice %arg9[%add3A_150, %dma_wait3A] : memref<40x128xi32, #tpu.memory_space<vmem>> -> memref<1x128xi32, #tpu.memory_space<vmem>>
        %dma_wait3A_152 = tpu.memref_squeeze %dma_wait3A_151 : memref<1x128xi32, #tpu.memory_space<vmem>> -> memref<128xi32, #tpu.memory_space<vmem>>
        %dma_wait3A_153 = arith.constant 0 : i32
        %dma_wait3A_154 = arith.constant 0 : i32
        %dma_wait3A_155 = tpu.memref_slice %arg2[%dma_wait3A_153, %dma_wait3A_154] : memref<20000x64xf32, #tpu.memory_space<hbm>> -> memref<20000x64xf32, #tpu.memory_space<hbm>>
        tpu.wait_indirect_dma semaphore(%arg20 : memref<!tpu.dma_semaphore, #tpu.memory_space<semaphore_mem>>) src(%dma_wait3A_155 : memref<20000x64xf32, #tpu.memory_space<hbm>>) dst(%arg11 : memref<128x64xf32, #tpu.memory_space<vmem>>)
        %dma_start3A_156 = arith.constant 0 : i32
        %dma_start3A_157 = tpu.memref_slice %arg10[%add3A_150, %dma_start3A_156] : memref<40x128xi32, #tpu.memory_space<vmem>> -> memref<1x128xi32, #tpu.memory_space<vmem>>
        %dma_start3A_158 = tpu.memref_squeeze %dma_start3A_157 : memref<1x128xi32, #tpu.memory_space<vmem>> -> memref<128xi32, #tpu.memory_space<vmem>>
        %dma_start3A_159 = arith.constant 0 : i32
        %dma_start3A_160 = arith.constant 0 : i32
        %dma_start3A_161 = tpu.memref_slice %arg19[%dma_start3A_159, %dma_start3A_160] : memref<10240x64xf32, #tpu.memory_space<vmem_shared>> -> memref<10240x64xf32, #tpu.memory_space<vmem_shared>>
        tpu.enqueue_indirect_dma source(%arg11 : memref<128x64xf32, #tpu.memory_space<vmem>>) target(%dma_start3A_161 : memref<10240x64xf32, #tpu.memory_space<vmem_shared>>) offsets(%dma_start3A_158 : memref<128xi32, #tpu.memory_space<vmem>>) semaphore(%arg28 : memref<!tpu.dma_semaphore, #tpu.memory_space<semaphore_mem>>) {add = true}
        %add3A_162 = arith.constant 1 : i32
        %add3A_163 = arith.addi %mul3A_148, %add3A_162 : i32
        %dma_wait3A_164 = arith.constant 0 : i32
        %dma_wait3A_165 = tpu.memref_slice %arg9[%add3A_163, %dma_wait3A_164] : memref<40x128xi32, #tpu.memory_space<vmem>> -> memref<1x128xi32, #tpu.memory_space<vmem>>
        %dma_wait3A_166 = tpu.memref_squeeze %dma_wait3A_165 : memref<1x128xi32, #tpu.memory_space<vmem>> -> memref<128xi32, #tpu.memory_space<vmem>>
        %dma_wait3A_167 = arith.constant 0 : i32
        %dma_wait3A_168 = arith.constant 0 : i32
        %dma_wait3A_169 = tpu.memref_slice %arg2[%dma_wait3A_167, %dma_wait3A_168] : memref<20000x64xf32, #tpu.memory_space<hbm>> -> memref<20000x64xf32, #tpu.memory_space<hbm>>
        tpu.wait_indirect_dma semaphore(%arg21 : memref<!tpu.dma_semaphore, #tpu.memory_space<semaphore_mem>>) src(%dma_wait3A_169 : memref<20000x64xf32, #tpu.memory_space<hbm>>) dst(%arg12 : memref<128x64xf32, #tpu.memory_space<vmem>>)
        %dma_start3A_170 = arith.constant 0 : i32
        %dma_start3A_171 = tpu.memref_slice %arg10[%add3A_163, %dma_start3A_170] : memref<40x128xi32, #tpu.memory_space<vmem>> -> memref<1x128xi32, #tpu.memory_space<vmem>>
        %dma_start3A_172 = tpu.memref_squeeze %dma_start3A_171 : memref<1x128xi32, #tpu.memory_space<vmem>> -> memref<128xi32, #tpu.memory_space<vmem>>
        %dma_start3A_173 = arith.constant 0 : i32
        %dma_start3A_174 = arith.constant 0 : i32
        %dma_start3A_175 = tpu.memref_slice %arg19[%dma_start3A_173, %dma_start3A_174] : memref<10240x64xf32, #tpu.memory_space<vmem_shared>> -> memref<10240x64xf32, #tpu.memory_space<vmem_shared>>
        tpu.enqueue_indirect_dma source(%arg12 : memref<128x64xf32, #tpu.memory_space<vmem>>) target(%dma_start3A_175 : memref<10240x64xf32, #tpu.memory_space<vmem_shared>>) offsets(%dma_start3A_172 : memref<128xi32, #tpu.memory_space<vmem>>) semaphore(%arg29 : memref<!tpu.dma_semaphore, #tpu.memory_space<semaphore_mem>>) {add = true}
        %add3A_176 = arith.constant 2 : i32
        %add3A_177 = arith.addi %mul3A_148, %add3A_176 : i32
        %dma_wait3A_178 = arith.constant 0 : i32
        %dma_wait3A_179 = tpu.memref_slice %arg9[%add3A_177, %dma_wait3A_178] : memref<40x128xi32, #tpu.memory_space<vmem>> -> memref<1x128xi32, #tpu.memory_space<vmem>>
        %dma_wait3A_180 = tpu.memref_squeeze %dma_wait3A_179 : memref<1x128xi32, #tpu.memory_space<vmem>> -> memref<128xi32, #tpu.memory_space<vmem>>
        %dma_wait3A_181 = arith.constant 0 : i32
        %dma_wait3A_182 = arith.constant 0 : i32
        %dma_wait3A_183 = tpu.memref_slice %arg2[%dma_wait3A_181, %dma_wait3A_182] : memref<20000x64xf32, #tpu.memory_space<hbm>> -> memref<20000x64xf32, #tpu.memory_space<hbm>>
        tpu.wait_indirect_dma semaphore(%arg22 : memref<!tpu.dma_semaphore, #tpu.memory_space<semaphore_mem>>) src(%dma_wait3A_183 : memref<20000x64xf32, #tpu.memory_space<hbm>>) dst(%arg13 : memref<128x64xf32, #tpu.memory_space<vmem>>)
        %dma_start3A_184 = arith.constant 0 : i32
        %dma_start3A_185 = tpu.memref_slice %arg10[%add3A_177, %dma_start3A_184] : memref<40x128xi32, #tpu.memory_space<vmem>> -> memref<1x128xi32, #tpu.memory_space<vmem>>
        %dma_start3A_186 = tpu.memref_squeeze %dma_start3A_185 : memref<1x128xi32, #tpu.memory_space<vmem>> -> memref<128xi32, #tpu.memory_space<vmem>>
        %dma_start3A_187 = arith.constant 0 : i32
        %dma_start3A_188 = arith.constant 0 : i32
        %dma_start3A_189 = tpu.memref_slice %arg19[%dma_start3A_187, %dma_start3A_188] : memref<10240x64xf32, #tpu.memory_space<vmem_shared>> -> memref<10240x64xf32, #tpu.memory_space<vmem_shared>>
        tpu.enqueue_indirect_dma source(%arg13 : memref<128x64xf32, #tpu.memory_space<vmem>>) target(%dma_start3A_189 : memref<10240x64xf32, #tpu.memory_space<vmem_shared>>) offsets(%dma_start3A_186 : memref<128xi32, #tpu.memory_space<vmem>>) semaphore(%arg30 : memref<!tpu.dma_semaphore, #tpu.memory_space<semaphore_mem>>) {add = true}
        %add3A_190 = arith.constant 3 : i32
        %add3A_191 = arith.addi %mul3A_148, %add3A_190 : i32
        %dma_wait3A_192 = arith.constant 0 : i32
        %dma_wait3A_193 = tpu.memref_slice %arg9[%add3A_191, %dma_wait3A_192] : memref<40x128xi32, #tpu.memory_space<vmem>> -> memref<1x128xi32, #tpu.memory_space<vmem>>
        %dma_wait3A_194 = tpu.memref_squeeze %dma_wait3A_193 : memref<1x128xi32, #tpu.memory_space<vmem>> -> memref<128xi32, #tpu.memory_space<vmem>>
        %dma_wait3A_195 = arith.constant 0 : i32
        %dma_wait3A_196 = arith.constant 0 : i32
        %dma_wait3A_197 = tpu.memref_slice %arg2[%dma_wait3A_195, %dma_wait3A_196] : memref<20000x64xf32, #tpu.memory_space<hbm>> -> memref<20000x64xf32, #tpu.memory_space<hbm>>
        tpu.wait_indirect_dma semaphore(%arg23 : memref<!tpu.dma_semaphore, #tpu.memory_space<semaphore_mem>>) src(%dma_wait3A_197 : memref<20000x64xf32, #tpu.memory_space<hbm>>) dst(%arg14 : memref<128x64xf32, #tpu.memory_space<vmem>>)
        %dma_start3A_198 = arith.constant 0 : i32
        %dma_start3A_199 = tpu.memref_slice %arg10[%add3A_191, %dma_start3A_198] : memref<40x128xi32, #tpu.memory_space<vmem>> -> memref<1x128xi32, #tpu.memory_space<vmem>>
        %dma_start3A_200 = tpu.memref_squeeze %dma_start3A_199 : memref<1x128xi32, #tpu.memory_space<vmem>> -> memref<128xi32, #tpu.memory_space<vmem>>
        %dma_start3A_201 = arith.constant 0 : i32
        %dma_start3A_202 = arith.constant 0 : i32
        %dma_start3A_203 = tpu.memref_slice %arg19[%dma_start3A_201, %dma_start3A_202] : memref<10240x64xf32, #tpu.memory_space<vmem_shared>> -> memref<10240x64xf32, #tpu.memory_space<vmem_shared>>
        tpu.enqueue_indirect_dma source(%arg14 : memref<128x64xf32, #tpu.memory_space<vmem>>) target(%dma_start3A_203 : memref<10240x64xf32, #tpu.memory_space<vmem_shared>>) offsets(%dma_start3A_200 : memref<128xi32, #tpu.memory_space<vmem>>) semaphore(%arg31 : memref<!tpu.dma_semaphore, #tpu.memory_space<semaphore_mem>>) {add = true}
        %add3A_204 = arith.constant 4 : i32
        %add3A_205 = arith.addi %mul3A_148, %add3A_204 : i32
        %dma_wait3A_206 = arith.constant 0 : i32
        %dma_wait3A_207 = tpu.memref_slice %arg9[%add3A_205, %dma_wait3A_206] : memref<40x128xi32, #tpu.memory_space<vmem>> -> memref<1x128xi32, #tpu.memory_space<vmem>>
        %dma_wait3A_208 = tpu.memref_squeeze %dma_wait3A_207 : memref<1x128xi32, #tpu.memory_space<vmem>> -> memref<128xi32, #tpu.memory_space<vmem>>
        %dma_wait3A_209 = arith.constant 0 : i32
        %dma_wait3A_210 = arith.constant 0 : i32
        %dma_wait3A_211 = tpu.memref_slice %arg2[%dma_wait3A_209, %dma_wait3A_210] : memref<20000x64xf32, #tpu.memory_space<hbm>> -> memref<20000x64xf32, #tpu.memory_space<hbm>>
        tpu.wait_indirect_dma semaphore(%arg24 : memref<!tpu.dma_semaphore, #tpu.memory_space<semaphore_mem>>) src(%dma_wait3A_211 : memref<20000x64xf32, #tpu.memory_space<hbm>>) dst(%arg15 : memref<128x64xf32, #tpu.memory_space<vmem>>)
        %dma_start3A_212 = arith.constant 0 : i32
        %dma_start3A_213 = tpu.memref_slice %arg10[%add3A_205, %dma_start3A_212] : memref<40x128xi32, #tpu.memory_space<vmem>> -> memref<1x128xi32, #tpu.memory_space<vmem>>
        %dma_start3A_214 = tpu.memref_squeeze %dma_start3A_213 : memref<1x128xi32, #tpu.memory_space<vmem>> -> memref<128xi32, #tpu.memory_space<vmem>>
        %dma_start3A_215 = arith.constant 0 : i32
        %dma_start3A_216 = arith.constant 0 : i32
        %dma_start3A_217 = tpu.memref_slice %arg19[%dma_start3A_215, %dma_start3A_216] : memref<10240x64xf32, #tpu.memory_space<vmem_shared>> -> memref<10240x64xf32, #tpu.memory_space<vmem_shared>>
        tpu.enqueue_indirect_dma source(%arg15 : memref<128x64xf32, #tpu.memory_space<vmem>>) target(%dma_start3A_217 : memref<10240x64xf32, #tpu.memory_space<vmem_shared>>) offsets(%dma_start3A_214 : memref<128xi32, #tpu.memory_space<vmem>>) semaphore(%arg32 : memref<!tpu.dma_semaphore, #tpu.memory_space<semaphore_mem>>) {add = true}
        %add3A_218 = arith.constant 0 : i32
        %add3A_219 = arith.addi %mul3A_148, %add3A_218 : i32
        %dma_wait3A_220 = arith.constant 0 : i32
        %dma_wait3A_221 = tpu.memref_slice %arg10[%add3A_219, %dma_wait3A_220] : memref<40x128xi32, #tpu.memory_space<vmem>> -> memref<1x128xi32, #tpu.memory_space<vmem>>
        %dma_wait3A_222 = tpu.memref_squeeze %dma_wait3A_221 : memref<1x128xi32, #tpu.memory_space<vmem>> -> memref<128xi32, #tpu.memory_space<vmem>>
        %dma_wait3A_223 = arith.constant 0 : i32
        %dma_wait3A_224 = arith.constant 0 : i32
        %dma_wait3A_225 = tpu.memref_slice %arg19[%dma_wait3A_223, %dma_wait3A_224] : memref<10240x64xf32, #tpu.memory_space<vmem_shared>> -> memref<10240x64xf32, #tpu.memory_space<vmem_shared>>
        tpu.wait_indirect_dma semaphore(%arg28 : memref<!tpu.dma_semaphore, #tpu.memory_space<semaphore_mem>>) src(%arg11 : memref<128x64xf32, #tpu.memory_space<vmem>>) dst(%dma_wait3A_225 : memref<10240x64xf32, #tpu.memory_space<vmem_shared>>)
        %lt3A = arith.constant 4 : i32
        %lt3A_226 = arith.cmpi slt, %add3A_146, %lt3A : i32
        %convert_element_type3A = arith.extui %lt3A_226 : i1 to i32
        %cond3A = arith.constant 0 : i32
        %cond3A_227 = arith.cmpi ne, %convert_element_type3A, %cond3A : i32
        scf.if %cond3A_227 {
          %add3A_361 = arith.constant 0 : i32
          %add3A_362 = arith.addi %mul3A_148, %add3A_361 : i32
          %add3A_363 = arith.constant 8 : i32
          %add3A_364 = arith.addi %add3A_362, %add3A_363 : i32
          %dma_start3A_365 = arith.constant 0 : i32
          %dma_start3A_366 = tpu.memref_slice %arg9[%add3A_364, %dma_start3A_365] : memref<40x128xi32, #tpu.memory_space<vmem>> -> memref<1x128xi32, #tpu.memory_space<vmem>>
          %dma_start3A_367 = tpu.memref_squeeze %dma_start3A_366 : memref<1x128xi32, #tpu.memory_space<vmem>> -> memref<128xi32, #tpu.memory_space<vmem>>
          %dma_start3A_368 = arith.constant 0 : i32
          %dma_start3A_369 = arith.constant 0 : i32
          %dma_start3A_370 = tpu.memref_slice %arg2[%dma_start3A_368, %dma_start3A_369] : memref<20000x64xf32, #tpu.memory_space<hbm>> -> memref<20000x64xf32, #tpu.memory_space<hbm>>
          tpu.enqueue_indirect_dma source(%dma_start3A_370 : memref<20000x64xf32, #tpu.memory_space<hbm>>) target(%arg11 : memref<128x64xf32, #tpu.memory_space<vmem>>) offsets(%dma_start3A_367 : memref<128xi32, #tpu.memory_space<vmem>>) semaphore(%arg20 : memref<!tpu.dma_semaphore, #tpu.memory_space<semaphore_mem>>)
        } else {
        }
        %add3A_228 = arith.constant 5 : i32
        %add3A_229 = arith.addi %mul3A_148, %add3A_228 : i32
        %dma_wait3A_230 = arith.constant 0 : i32
        %dma_wait3A_231 = tpu.memref_slice %arg9[%add3A_229, %dma_wait3A_230] : memref<40x128xi32, #tpu.memory_space<vmem>> -> memref<1x128xi32, #tpu.memory_space<vmem>>
        %dma_wait3A_232 = tpu.memref_squeeze %dma_wait3A_231 : memref<1x128xi32, #tpu.memory_space<vmem>> -> memref<128xi32, #tpu.memory_space<vmem>>
        %dma_wait3A_233 = arith.constant 0 : i32
        %dma_wait3A_234 = arith.constant 0 : i32
        %dma_wait3A_235 = tpu.memref_slice %arg2[%dma_wait3A_233, %dma_wait3A_234] : memref<20000x64xf32, #tpu.memory_space<hbm>> -> memref<20000x64xf32, #tpu.memory_space<hbm>>
        tpu.wait_indirect_dma semaphore(%arg25 : memref<!tpu.dma_semaphore, #tpu.memory_space<semaphore_mem>>) src(%dma_wait3A_235 : memref<20000x64xf32, #tpu.memory_space<hbm>>) dst(%arg16 : memref<128x64xf32, #tpu.memory_space<vmem>>)
        %dma_start3A_236 = arith.constant 0 : i32
        %dma_start3A_237 = tpu.memref_slice %arg10[%add3A_229, %dma_start3A_236] : memref<40x128xi32, #tpu.memory_space<vmem>> -> memref<1x128xi32, #tpu.memory_space<vmem>>
        %dma_start3A_238 = tpu.memref_squeeze %dma_start3A_237 : memref<1x128xi32, #tpu.memory_space<vmem>> -> memref<128xi32, #tpu.memory_space<vmem>>
        %dma_start3A_239 = arith.constant 0 : i32
        %dma_start3A_240 = arith.constant 0 : i32
        %dma_start3A_241 = tpu.memref_slice %arg19[%dma_start3A_239, %dma_start3A_240] : memref<10240x64xf32, #tpu.memory_space<vmem_shared>> -> memref<10240x64xf32, #tpu.memory_space<vmem_shared>>
        tpu.enqueue_indirect_dma source(%arg16 : memref<128x64xf32, #tpu.memory_space<vmem>>) target(%dma_start3A_241 : memref<10240x64xf32, #tpu.memory_space<vmem_shared>>) offsets(%dma_start3A_238 : memref<128xi32, #tpu.memory_space<vmem>>) semaphore(%arg33 : memref<!tpu.dma_semaphore, #tpu.memory_space<semaphore_mem>>) {add = true}
        %add3A_242 = arith.constant 1 : i32
        %add3A_243 = arith.addi %mul3A_148, %add3A_242 : i32
        %dma_wait3A_244 = arith.constant 0 : i32
        %dma_wait3A_245 = tpu.memref_slice %arg10[%add3A_243, %dma_wait3A_244] : memref<40x128xi32, #tpu.memory_space<vmem>> -> memref<1x128xi32, #tpu.memory_space<vmem>>
        %dma_wait3A_246 = tpu.memref_squeeze %dma_wait3A_245 : memref<1x128xi32, #tpu.memory_space<vmem>> -> memref<128xi32, #tpu.memory_space<vmem>>
        %dma_wait3A_247 = arith.constant 0 : i32
        %dma_wait3A_248 = arith.constant 0 : i32
        %dma_wait3A_249 = tpu.memref_slice %arg19[%dma_wait3A_247, %dma_wait3A_248] : memref<10240x64xf32, #tpu.memory_space<vmem_shared>> -> memref<10240x64xf32, #tpu.memory_space<vmem_shared>>
        tpu.wait_indirect_dma semaphore(%arg29 : memref<!tpu.dma_semaphore, #tpu.memory_space<semaphore_mem>>) src(%arg12 : memref<128x64xf32, #tpu.memory_space<vmem>>) dst(%dma_wait3A_249 : memref<10240x64xf32, #tpu.memory_space<vmem_shared>>)
        %lt3A_250 = arith.constant 4 : i32
        %lt3A_251 = arith.cmpi slt, %add3A_146, %lt3A_250 : i32
        %convert_element_type3A_252 = arith.extui %lt3A_251 : i1 to i32
        %cond3A_253 = arith.constant 0 : i32
        %cond3A_254 = arith.cmpi ne, %convert_element_type3A_252, %cond3A_253 : i32
        scf.if %cond3A_254 {
          %add3A_361 = arith.constant 1 : i32
          %add3A_362 = arith.addi %mul3A_148, %add3A_361 : i32
          %add3A_363 = arith.constant 8 : i32
          %add3A_364 = arith.addi %add3A_362, %add3A_363 : i32
          %dma_start3A_365 = arith.constant 0 : i32
          %dma_start3A_366 = tpu.memref_slice %arg9[%add3A_364, %dma_start3A_365] : memref<40x128xi32, #tpu.memory_space<vmem>> -> memref<1x128xi32, #tpu.memory_space<vmem>>
          %dma_start3A_367 = tpu.memref_squeeze %dma_start3A_366 : memref<1x128xi32, #tpu.memory_space<vmem>> -> memref<128xi32, #tpu.memory_space<vmem>>
          %dma_start3A_368 = arith.constant 0 : i32
          %dma_start3A_369 = arith.constant 0 : i32
          %dma_start3A_370 = tpu.memref_slice %arg2[%dma_start3A_368, %dma_start3A_369] : memref<20000x64xf32, #tpu.memory_space<hbm>> -> memref<20000x64xf32, #tpu.memory_space<hbm>>
          tpu.enqueue_indirect_dma source(%dma_start3A_370 : memref<20000x64xf32, #tpu.memory_space<hbm>>) target(%arg12 : memref<128x64xf32, #tpu.memory_space<vmem>>) offsets(%dma_start3A_367 : memref<128xi32, #tpu.memory_space<vmem>>) semaphore(%arg21 : memref<!tpu.dma_semaphore, #tpu.memory_space<semaphore_mem>>)
        } else {
        }
        %add3A_255 = arith.constant 6 : i32
        %add3A_256 = arith.addi %mul3A_148, %add3A_255 : i32
        %dma_wait3A_257 = arith.constant 0 : i32
        %dma_wait3A_258 = tpu.memref_slice %arg9[%add3A_256, %dma_wait3A_257] : memref<40x128xi32, #tpu.memory_space<vmem>> -> memref<1x128xi32, #tpu.memory_space<vmem>>
        %dma_wait3A_259 = tpu.memref_squeeze %dma_wait3A_258 : memref<1x128xi32, #tpu.memory_space<vmem>> -> memref<128xi32, #tpu.memory_space<vmem>>
        %dma_wait3A_260 = arith.constant 0 : i32
        %dma_wait3A_261 = arith.constant 0 : i32
        %dma_wait3A_262 = tpu.memref_slice %arg2[%dma_wait3A_260, %dma_wait3A_261] : memref<20000x64xf32, #tpu.memory_space<hbm>> -> memref<20000x64xf32, #tpu.memory_space<hbm>>
        tpu.wait_indirect_dma semaphore(%arg26 : memref<!tpu.dma_semaphore, #tpu.memory_space<semaphore_mem>>) src(%dma_wait3A_262 : memref<20000x64xf32, #tpu.memory_space<hbm>>) dst(%arg17 : memref<128x64xf32, #tpu.memory_space<vmem>>)
        %dma_start3A_263 = arith.constant 0 : i32
        %dma_start3A_264 = tpu.memref_slice %arg10[%add3A_256, %dma_start3A_263] : memref<40x128xi32, #tpu.memory_space<vmem>> -> memref<1x128xi32, #tpu.memory_space<vmem>>
        %dma_start3A_265 = tpu.memref_squeeze %dma_start3A_264 : memref<1x128xi32, #tpu.memory_space<vmem>> -> memref<128xi32, #tpu.memory_space<vmem>>
        %dma_start3A_266 = arith.constant 0 : i32
        %dma_start3A_267 = arith.constant 0 : i32
        %dma_start3A_268 = tpu.memref_slice %arg19[%dma_start3A_266, %dma_start3A_267] : memref<10240x64xf32, #tpu.memory_space<vmem_shared>> -> memref<10240x64xf32, #tpu.memory_space<vmem_shared>>
        tpu.enqueue_indirect_dma source(%arg17 : memref<128x64xf32, #tpu.memory_space<vmem>>) target(%dma_start3A_268 : memref<10240x64xf32, #tpu.memory_space<vmem_shared>>) offsets(%dma_start3A_265 : memref<128xi32, #tpu.memory_space<vmem>>) semaphore(%arg34 : memref<!tpu.dma_semaphore, #tpu.memory_space<semaphore_mem>>) {add = true}
        %add3A_269 = arith.constant 2 : i32
        %add3A_270 = arith.addi %mul3A_148, %add3A_269 : i32
        %dma_wait3A_271 = arith.constant 0 : i32
        %dma_wait3A_272 = tpu.memref_slice %arg10[%add3A_270, %dma_wait3A_271] : memref<40x128xi32, #tpu.memory_space<vmem>> -> memref<1x128xi32, #tpu.memory_space<vmem>>
        %dma_wait3A_273 = tpu.memref_squeeze %dma_wait3A_272 : memref<1x128xi32, #tpu.memory_space<vmem>> -> memref<128xi32, #tpu.memory_space<vmem>>
        %dma_wait3A_274 = arith.constant 0 : i32
        %dma_wait3A_275 = arith.constant 0 : i32
        %dma_wait3A_276 = tpu.memref_slice %arg19[%dma_wait3A_274, %dma_wait3A_275] : memref<10240x64xf32, #tpu.memory_space<vmem_shared>> -> memref<10240x64xf32, #tpu.memory_space<vmem_shared>>
        tpu.wait_indirect_dma semaphore(%arg30 : memref<!tpu.dma_semaphore, #tpu.memory_space<semaphore_mem>>) src(%arg13 : memref<128x64xf32, #tpu.memory_space<vmem>>) dst(%dma_wait3A_276 : memref<10240x64xf32, #tpu.memory_space<vmem_shared>>)
        %lt3A_277 = arith.constant 4 : i32
        %lt3A_278 = arith.cmpi slt, %add3A_146, %lt3A_277 : i32
        %convert_element_type3A_279 = arith.extui %lt3A_278 : i1 to i32
        %cond3A_280 = arith.constant 0 : i32
        %cond3A_281 = arith.cmpi ne, %convert_element_type3A_279, %cond3A_280 : i32
        scf.if %cond3A_281 {
          %add3A_361 = arith.constant 2 : i32
          %add3A_362 = arith.addi %mul3A_148, %add3A_361 : i32
          %add3A_363 = arith.constant 8 : i32
          %add3A_364 = arith.addi %add3A_362, %add3A_363 : i32
          %dma_start3A_365 = arith.constant 0 : i32
          %dma_start3A_366 = tpu.memref_slice %arg9[%add3A_364, %dma_start3A_365] : memref<40x128xi32, #tpu.memory_space<vmem>> -> memref<1x128xi32, #tpu.memory_space<vmem>>
          %dma_start3A_367 = tpu.memref_squeeze %dma_start3A_366 : memref<1x128xi32, #tpu.memory_space<vmem>> -> memref<128xi32, #tpu.memory_space<vmem>>
          %dma_start3A_368 = arith.constant 0 : i32
          %dma_start3A_369 = arith.constant 0 : i32
          %dma_start3A_370 = tpu.memref_slice %arg2[%dma_start3A_368, %dma_start3A_369] : memref<20000x64xf32, #tpu.memory_space<hbm>> -> memref<20000x64xf32, #tpu.memory_space<hbm>>
          tpu.enqueue_indirect_dma source(%dma_start3A_370 : memref<20000x64xf32, #tpu.memory_space<hbm>>) target(%arg13 : memref<128x64xf32, #tpu.memory_space<vmem>>) offsets(%dma_start3A_367 : memref<128xi32, #tpu.memory_space<vmem>>) semaphore(%arg22 : memref<!tpu.dma_semaphore, #tpu.memory_space<semaphore_mem>>)
        } else {
        }
        %add3A_282 = arith.constant 7 : i32
        %add3A_283 = arith.addi %mul3A_148, %add3A_282 : i32
        %dma_wait3A_284 = arith.constant 0 : i32
        %dma_wait3A_285 = tpu.memref_slice %arg9[%add3A_283, %dma_wait3A_284] : memref<40x128xi32, #tpu.memory_space<vmem>> -> memref<1x128xi32, #tpu.memory_space<vmem>>
        %dma_wait3A_286 = tpu.memref_squeeze %dma_wait3A_285 : memref<1x128xi32, #tpu.memory_space<vmem>> -> memref<128xi32, #tpu.memory_space<vmem>>
        %dma_wait3A_287 = arith.constant 0 : i32
        %dma_wait3A_288 = arith.constant 0 : i32
        %dma_wait3A_289 = tpu.memref_slice %arg2[%dma_wait3A_287, %dma_wait3A_288] : memref<20000x64xf32, #tpu.memory_space<hbm>> -> memref<20000x64xf32, #tpu.memory_space<hbm>>
        tpu.wait_indirect_dma semaphore(%arg27 : memref<!tpu.dma_semaphore, #tpu.memory_space<semaphore_mem>>) src(%dma_wait3A_289 : memref<20000x64xf32, #tpu.memory_space<hbm>>) dst(%arg18 : memref<128x64xf32, #tpu.memory_space<vmem>>)
        %dma_start3A_290 = arith.constant 0 : i32
        %dma_start3A_291 = tpu.memref_slice %arg10[%add3A_283, %dma_start3A_290] : memref<40x128xi32, #tpu.memory_space<vmem>> -> memref<1x128xi32, #tpu.memory_space<vmem>>
        %dma_start3A_292 = tpu.memref_squeeze %dma_start3A_291 : memref<1x128xi32, #tpu.memory_space<vmem>> -> memref<128xi32, #tpu.memory_space<vmem>>
        %dma_start3A_293 = arith.constant 0 : i32
        %dma_start3A_294 = arith.constant 0 : i32
        %dma_start3A_295 = tpu.memref_slice %arg19[%dma_start3A_293, %dma_start3A_294] : memref<10240x64xf32, #tpu.memory_space<vmem_shared>> -> memref<10240x64xf32, #tpu.memory_space<vmem_shared>>
        tpu.enqueue_indirect_dma source(%arg18 : memref<128x64xf32, #tpu.memory_space<vmem>>) target(%dma_start3A_295 : memref<10240x64xf32, #tpu.memory_space<vmem_shared>>) offsets(%dma_start3A_292 : memref<128xi32, #tpu.memory_space<vmem>>) semaphore(%arg35 : memref<!tpu.dma_semaphore, #tpu.memory_space<semaphore_mem>>) {add = true}
        %add3A_296 = arith.constant 3 : i32
        %add3A_297 = arith.addi %mul3A_148, %add3A_296 : i32
        %dma_wait3A_298 = arith.constant 0 : i32
        %dma_wait3A_299 = tpu.memref_slice %arg10[%add3A_297, %dma_wait3A_298] : memref<40x128xi32, #tpu.memory_space<vmem>> -> memref<1x128xi32, #tpu.memory_space<vmem>>
        %dma_wait3A_300 = tpu.memref_squeeze %dma_wait3A_299 : memref<1x128xi32, #tpu.memory_space<vmem>> -> memref<128xi32, #tpu.memory_space<vmem>>
        %dma_wait3A_301 = arith.constant 0 : i32
        %dma_wait3A_302 = arith.constant 0 : i32
        %dma_wait3A_303 = tpu.memref_slice %arg19[%dma_wait3A_301, %dma_wait3A_302] : memref<10240x64xf32, #tpu.memory_space<vmem_shared>> -> memref<10240x64xf32, #tpu.memory_space<vmem_shared>>
        tpu.wait_indirect_dma semaphore(%arg31 : memref<!tpu.dma_semaphore, #tpu.memory_space<semaphore_mem>>) src(%arg14 : memref<128x64xf32, #tpu.memory_space<vmem>>) dst(%dma_wait3A_303 : memref<10240x64xf32, #tpu.memory_space<vmem_shared>>)
        %lt3A_304 = arith.constant 4 : i32
        %lt3A_305 = arith.cmpi slt, %add3A_146, %lt3A_304 : i32
        %convert_element_type3A_306 = arith.extui %lt3A_305 : i1 to i32
        %cond3A_307 = arith.constant 0 : i32
        %cond3A_308 = arith.cmpi ne, %convert_element_type3A_306, %cond3A_307 : i32
        scf.if %cond3A_308 {
          %add3A_361 = arith.constant 3 : i32
          %add3A_362 = arith.addi %mul3A_148, %add3A_361 : i32
          %add3A_363 = arith.constant 8 : i32
          %add3A_364 = arith.addi %add3A_362, %add3A_363 : i32
          %dma_start3A_365 = arith.constant 0 : i32
          %dma_start3A_366 = tpu.memref_slice %arg9[%add3A_364, %dma_start3A_365] : memref<40x128xi32, #tpu.memory_space<vmem>> -> memref<1x128xi32, #tpu.memory_space<vmem>>
          %dma_start3A_367 = tpu.memref_squeeze %dma_start3A_366 : memref<1x128xi32, #tpu.memory_space<vmem>> -> memref<128xi32, #tpu.memory_space<vmem>>
          %dma_start3A_368 = arith.constant 0 : i32
          %dma_start3A_369 = arith.constant 0 : i32
          %dma_start3A_370 = tpu.memref_slice %arg2[%dma_start3A_368, %dma_start3A_369] : memref<20000x64xf32, #tpu.memory_space<hbm>> -> memref<20000x64xf32, #tpu.memory_space<hbm>>
          tpu.enqueue_indirect_dma source(%dma_start3A_370 : memref<20000x64xf32, #tpu.memory_space<hbm>>) target(%arg14 : memref<128x64xf32, #tpu.memory_space<vmem>>) offsets(%dma_start3A_367 : memref<128xi32, #tpu.memory_space<vmem>>) semaphore(%arg23 : memref<!tpu.dma_semaphore, #tpu.memory_space<semaphore_mem>>)
        } else {
        }
        %add3A_309 = arith.constant 4 : i32
        %add3A_310 = arith.addi %mul3A_148, %add3A_309 : i32
        %dma_wait3A_311 = arith.constant 0 : i32
        %dma_wait3A_312 = tpu.memref_slice %arg10[%add3A_310, %dma_wait3A_311] : memref<40x128xi32, #tpu.memory_space<vmem>> -> memref<1x128xi32, #tpu.memory_space<vmem>>
        %dma_wait3A_313 = tpu.memref_squeeze %dma_wait3A_312 : memref<1x128xi32, #tpu.memory_space<vmem>> -> memref<128xi32, #tpu.memory_space<vmem>>
        %dma_wait3A_314 = arith.constant 0 : i32
        %dma_wait3A_315 = arith.constant 0 : i32
        %dma_wait3A_316 = tpu.memref_slice %arg19[%dma_wait3A_314, %dma_wait3A_315] : memref<10240x64xf32, #tpu.memory_space<vmem_shared>> -> memref<10240x64xf32, #tpu.memory_space<vmem_shared>>
        tpu.wait_indirect_dma semaphore(%arg32 : memref<!tpu.dma_semaphore, #tpu.memory_space<semaphore_mem>>) src(%arg15 : memref<128x64xf32, #tpu.memory_space<vmem>>) dst(%dma_wait3A_316 : memref<10240x64xf32, #tpu.memory_space<vmem_shared>>)
        %lt3A_317 = arith.constant 4 : i32
        %lt3A_318 = arith.cmpi slt, %add3A_146, %lt3A_317 : i32
        %convert_element_type3A_319 = arith.extui %lt3A_318 : i1 to i32
        %cond3A_320 = arith.constant 0 : i32
        %cond3A_321 = arith.cmpi ne, %convert_element_type3A_319, %cond3A_320 : i32
        scf.if %cond3A_321 {
          %add3A_361 = arith.constant 4 : i32
          %add3A_362 = arith.addi %mul3A_148, %add3A_361 : i32
          %add3A_363 = arith.constant 8 : i32
          %add3A_364 = arith.addi %add3A_362, %add3A_363 : i32
          %dma_start3A_365 = arith.constant 0 : i32
          %dma_start3A_366 = tpu.memref_slice %arg9[%add3A_364, %dma_start3A_365] : memref<40x128xi32, #tpu.memory_space<vmem>> -> memref<1x128xi32, #tpu.memory_space<vmem>>
          %dma_start3A_367 = tpu.memref_squeeze %dma_start3A_366 : memref<1x128xi32, #tpu.memory_space<vmem>> -> memref<128xi32, #tpu.memory_space<vmem>>
          %dma_start3A_368 = arith.constant 0 : i32
          %dma_start3A_369 = arith.constant 0 : i32
          %dma_start3A_370 = tpu.memref_slice %arg2[%dma_start3A_368, %dma_start3A_369] : memref<20000x64xf32, #tpu.memory_space<hbm>> -> memref<20000x64xf32, #tpu.memory_space<hbm>>
          tpu.enqueue_indirect_dma source(%dma_start3A_370 : memref<20000x64xf32, #tpu.memory_space<hbm>>) target(%arg15 : memref<128x64xf32, #tpu.memory_space<vmem>>) offsets(%dma_start3A_367 : memref<128xi32, #tpu.memory_space<vmem>>) semaphore(%arg24 : memref<!tpu.dma_semaphore, #tpu.memory_space<semaphore_mem>>)
        } else {
        }
        %add3A_322 = arith.constant 5 : i32
        %add3A_323 = arith.addi %mul3A_148, %add3A_322 : i32
        %dma_wait3A_324 = arith.constant 0 : i32
        %dma_wait3A_325 = tpu.memref_slice %arg10[%add3A_323, %dma_wait3A_324] : memref<40x128xi32, #tpu.memory_space<vmem>> -> memref<1x128xi32, #tpu.memory_space<vmem>>
        %dma_wait3A_326 = tpu.memref_squeeze %dma_wait3A_325 : memref<1x128xi32, #tpu.memory_space<vmem>> -> memref<128xi32, #tpu.memory_space<vmem>>
        %dma_wait3A_327 = arith.constant 0 : i32
        %dma_wait3A_328 = arith.constant 0 : i32
        %dma_wait3A_329 = tpu.memref_slice %arg19[%dma_wait3A_327, %dma_wait3A_328] : memref<10240x64xf32, #tpu.memory_space<vmem_shared>> -> memref<10240x64xf32, #tpu.memory_space<vmem_shared>>
        tpu.wait_indirect_dma semaphore(%arg33 : memref<!tpu.dma_semaphore, #tpu.memory_space<semaphore_mem>>) src(%arg16 : memref<128x64xf32, #tpu.memory_space<vmem>>) dst(%dma_wait3A_329 : memref<10240x64xf32, #tpu.memory_space<vmem_shared>>)
        %lt3A_330 = arith.constant 4 : i32
        %lt3A_331 = arith.cmpi slt, %add3A_146, %lt3A_330 : i32
        %convert_element_type3A_332 = arith.extui %lt3A_331 : i1 to i32
        %cond3A_333 = arith.constant 0 : i32
        %cond3A_334 = arith.cmpi ne, %convert_element_type3A_332, %cond3A_333 : i32
        scf.if %cond3A_334 {
          %add3A_361 = arith.constant 5 : i32
          %add3A_362 = arith.addi %mul3A_148, %add3A_361 : i32
          %add3A_363 = arith.constant 8 : i32
          %add3A_364 = arith.addi %add3A_362, %add3A_363 : i32
          %dma_start3A_365 = arith.constant 0 : i32
          %dma_start3A_366 = tpu.memref_slice %arg9[%add3A_364, %dma_start3A_365] : memref<40x128xi32, #tpu.memory_space<vmem>> -> memref<1x128xi32, #tpu.memory_space<vmem>>
          %dma_start3A_367 = tpu.memref_squeeze %dma_start3A_366 : memref<1x128xi32, #tpu.memory_space<vmem>> -> memref<128xi32, #tpu.memory_space<vmem>>
          %dma_start3A_368 = arith.constant 0 : i32
          %dma_start3A_369 = arith.constant 0 : i32
          %dma_start3A_370 = tpu.memref_slice %arg2[%dma_start3A_368, %dma_start3A_369] : memref<20000x64xf32, #tpu.memory_space<hbm>> -> memref<20000x64xf32, #tpu.memory_space<hbm>>
          tpu.enqueue_indirect_dma source(%dma_start3A_370 : memref<20000x64xf32, #tpu.memory_space<hbm>>) target(%arg16 : memref<128x64xf32, #tpu.memory_space<vmem>>) offsets(%dma_start3A_367 : memref<128xi32, #tpu.memory_space<vmem>>) semaphore(%arg25 : memref<!tpu.dma_semaphore, #tpu.memory_space<semaphore_mem>>)
        } else {
        }
        %add3A_335 = arith.constant 6 : i32
        %add3A_336 = arith.addi %mul3A_148, %add3A_335 : i32
        %dma_wait3A_337 = arith.constant 0 : i32
        %dma_wait3A_338 = tpu.memref_slice %arg10[%add3A_336, %dma_wait3A_337] : memref<40x128xi32, #tpu.memory_space<vmem>> -> memref<1x128xi32, #tpu.memory_space<vmem>>
        %dma_wait3A_339 = tpu.memref_squeeze %dma_wait3A_338 : memref<1x128xi32, #tpu.memory_space<vmem>> -> memref<128xi32, #tpu.memory_space<vmem>>
        %dma_wait3A_340 = arith.constant 0 : i32
        %dma_wait3A_341 = arith.constant 0 : i32
        %dma_wait3A_342 = tpu.memref_slice %arg19[%dma_wait3A_340, %dma_wait3A_341] : memref<10240x64xf32, #tpu.memory_space<vmem_shared>> -> memref<10240x64xf32, #tpu.memory_space<vmem_shared>>
        tpu.wait_indirect_dma semaphore(%arg34 : memref<!tpu.dma_semaphore, #tpu.memory_space<semaphore_mem>>) src(%arg17 : memref<128x64xf32, #tpu.memory_space<vmem>>) dst(%dma_wait3A_342 : memref<10240x64xf32, #tpu.memory_space<vmem_shared>>)
        %lt3A_343 = arith.constant 4 : i32
        %lt3A_344 = arith.cmpi slt, %add3A_146, %lt3A_343 : i32
        %convert_element_type3A_345 = arith.extui %lt3A_344 : i1 to i32
        %cond3A_346 = arith.constant 0 : i32
        %cond3A_347 = arith.cmpi ne, %convert_element_type3A_345, %cond3A_346 : i32
        scf.if %cond3A_347 {
          %add3A_361 = arith.constant 6 : i32
          %add3A_362 = arith.addi %mul3A_148, %add3A_361 : i32
          %add3A_363 = arith.constant 8 : i32
          %add3A_364 = arith.addi %add3A_362, %add3A_363 : i32
          %dma_start3A_365 = arith.constant 0 : i32
          %dma_start3A_366 = tpu.memref_slice %arg9[%add3A_364, %dma_start3A_365] : memref<40x128xi32, #tpu.memory_space<vmem>> -> memref<1x128xi32, #tpu.memory_space<vmem>>
          %dma_start3A_367 = tpu.memref_squeeze %dma_start3A_366 : memref<1x128xi32, #tpu.memory_space<vmem>> -> memref<128xi32, #tpu.memory_space<vmem>>
          %dma_start3A_368 = arith.constant 0 : i32
          %dma_start3A_369 = arith.constant 0 : i32
          %dma_start3A_370 = tpu.memref_slice %arg2[%dma_start3A_368, %dma_start3A_369] : memref<20000x64xf32, #tpu.memory_space<hbm>> -> memref<20000x64xf32, #tpu.memory_space<hbm>>
          tpu.enqueue_indirect_dma source(%dma_start3A_370 : memref<20000x64xf32, #tpu.memory_space<hbm>>) target(%arg17 : memref<128x64xf32, #tpu.memory_space<vmem>>) offsets(%dma_start3A_367 : memref<128xi32, #tpu.memory_space<vmem>>) semaphore(%arg26 : memref<!tpu.dma_semaphore, #tpu.memory_space<semaphore_mem>>)
        } else {
        }
        %add3A_348 = arith.constant 7 : i32
        %add3A_349 = arith.addi %mul3A_148, %add3A_348 : i32
        %dma_wait3A_350 = arith.constant 0 : i32
        %dma_wait3A_351 = tpu.memref_slice %arg10[%add3A_349, %dma_wait3A_350] : memref<40x128xi32, #tpu.memory_space<vmem>> -> memref<1x128xi32, #tpu.memory_space<vmem>>
        %dma_wait3A_352 = tpu.memref_squeeze %dma_wait3A_351 : memref<1x128xi32, #tpu.memory_space<vmem>> -> memref<128xi32, #tpu.memory_space<vmem>>
        %dma_wait3A_353 = arith.constant 0 : i32
        %dma_wait3A_354 = arith.constant 0 : i32
        %dma_wait3A_355 = tpu.memref_slice %arg19[%dma_wait3A_353, %dma_wait3A_354] : memref<10240x64xf32, #tpu.memory_space<vmem_shared>> -> memref<10240x64xf32, #tpu.memory_space<vmem_shared>>
        tpu.wait_indirect_dma semaphore(%arg35 : memref<!tpu.dma_semaphore, #tpu.memory_space<semaphore_mem>>) src(%arg18 : memref<128x64xf32, #tpu.memory_space<vmem>>) dst(%dma_wait3A_355 : memref<10240x64xf32, #tpu.memory_space<vmem_shared>>)
        %lt3A_356 = arith.constant 4 : i32
        %lt3A_357 = arith.cmpi slt, %add3A_146, %lt3A_356 : i32
        %convert_element_type3A_358 = arith.extui %lt3A_357 : i1 to i32
        %cond3A_359 = arith.constant 0 : i32
        %cond3A_360 = arith.cmpi ne, %convert_element_type3A_358, %cond3A_359 : i32
        scf.if %cond3A_360 {
          %add3A_361 = arith.constant 7 : i32
          %add3A_362 = arith.addi %mul3A_148, %add3A_361 : i32
          %add3A_363 = arith.constant 8 : i32
          %add3A_364 = arith.addi %add3A_362, %add3A_363 : i32
          %dma_start3A_365 = arith.constant 0 : i32
          %dma_start3A_366 = tpu.memref_slice %arg9[%add3A_364, %dma_start3A_365] : memref<40x128xi32, #tpu.memory_space<vmem>> -> memref<1x128xi32, #tpu.memory_space<vmem>>
          %dma_start3A_367 = tpu.memref_squeeze %dma_start3A_366 : memref<1x128xi32, #tpu.memory_space<vmem>> -> memref<128xi32, #tpu.memory_space<vmem>>
          %dma_start3A_368 = arith.constant 0 : i32
          %dma_start3A_369 = arith.constant 0 : i32
          %dma_start3A_370 = tpu.memref_slice %arg2[%dma_start3A_368, %dma_start3A_369] : memref<20000x64xf32, #tpu.memory_space<hbm>> -> memref<20000x64xf32, #tpu.memory_space<hbm>>
          tpu.enqueue_indirect_dma source(%dma_start3A_370 : memref<20000x64xf32, #tpu.memory_space<hbm>>) target(%arg18 : memref<128x64xf32, #tpu.memory_space<vmem>>) offsets(%dma_start3A_367 : memref<128xi32, #tpu.memory_space<vmem>>) semaphore(%arg27 : memref<!tpu.dma_semaphore, #tpu.memory_space<semaphore_mem>>)
        } else {
        }
      }
      %scan3A_141 = arith.constant 5 : i32
    }
    %scan3A_29 = arith.constant 4 : i32
    %barrier3A_30 = arith.constant 0 : index
    tpu.barrier barrier_id(%barrier3A_30)
    %mul3A_31 = arith.constant 10240 : i32
    %mul3A_32 = arith.muli %arg0, %mul3A_31 : i32
    %mul3A_33 = arith.constant 640 : i32
    %mul3A_34 = arith.muli %arg1, %mul3A_33 : i32
    %add3A_35 = arith.addi %mul3A_32, %mul3A_34 : i32
    %mul3A_36 = arith.constant 640 : i32
    %mul3A_37 = arith.muli %arg1, %mul3A_36 : i32
    %add3A_38 = arith.constant 0 : i32
    %add3A_39 = arith.addi %mul3A_37, %add3A_38 : i32
    %add3A_40 = arith.constant 0 : i32
    %add3A_41 = arith.addi %add3A_35, %add3A_40 : i32
    %multiple_of3A_42 = tpu.assume_multiple %add3A_41, 128 : i32
    "tpu.region"() ({
      %run_scoped3A = tpu.sem_alloc : memref<!tpu.dma_semaphore, #tpu.memory_space<semaphore_mem>>
      %dma_start3A = arith.constant 0 : i32
      %dma_start3A_71 = tpu.memref_slice %arg19[%add3A_39, %dma_start3A] : memref<10240x64xf32, #tpu.memory_space<vmem_shared>> -> memref<128x64xf32, #tpu.memory_space<vmem_shared>>
      %dma_start3A_72 = arith.constant 0 : i32
      %dma_start3A_73 = tpu.memref_slice %arg19[%add3A_39, %dma_start3A_72] : memref<10240x64xf32, #tpu.memory_space<vmem_shared>> -> memref<128x64xf32, #tpu.memory_space<vmem_shared>>
      tpu.enqueue_dma source(%dma_start3A_73 : memref<128x64xf32, #tpu.memory_space<vmem_shared>>) target(%arg11 : memref<128x64xf32, #tpu.memory_space<vmem>>) target_semaphore(%run_scoped3A : memref<!tpu.dma_semaphore, #tpu.memory_space<semaphore_mem>>)
      %dma_wait3A = arith.constant 0 : i32
      %dma_wait3A_74 = tpu.memref_slice %arg19[%add3A_39, %dma_wait3A] : memref<10240x64xf32, #tpu.memory_space<vmem_shared>> -> memref<128x64xf32, #tpu.memory_space<vmem_shared>>
      %dma_wait3A_75 = arith.constant 0 : i32
      %dma_wait3A_76 = tpu.memref_slice %arg19[%add3A_39, %dma_wait3A_75] : memref<10240x64xf32, #tpu.memory_space<vmem_shared>> -> memref<128x64xf32, #tpu.memory_space<vmem_shared>>
      tpu.wait_dma2 semaphore(%run_scoped3A : memref<!tpu.dma_semaphore, #tpu.memory_space<semaphore_mem>>) src(%dma_wait3A_76 : memref<128x64xf32, #tpu.memory_space<vmem_shared>>) dst(%arg11 : memref<128x64xf32, #tpu.memory_space<vmem>>)
      tpu.yield
    }) : () -> ()
    "tpu.region"() ({
      %run_scoped3A = tpu.sem_alloc : memref<!tpu.dma_semaphore, #tpu.memory_space<semaphore_mem>>
      %dma_start3A = arith.constant 0 : i32
      %dma_start3A_71 = tpu.memref_slice %arg8[%multiple_of3A_42, %dma_start3A] : memref<20480x64xf32, #tpu.memory_space<hbm>> -> memref<128x64xf32, #tpu.memory_space<hbm>>
      %dma_start3A_72 = arith.constant 0 : i32
      %dma_start3A_73 = tpu.memref_slice %arg8[%multiple_of3A_42, %dma_start3A_72] : memref<20480x64xf32, #tpu.memory_space<hbm>> -> memref<128x64xf32, #tpu.memory_space<hbm>>
      tpu.enqueue_dma source(%arg11 : memref<128x64xf32, #tpu.memory_space<vmem>>) target(%dma_start3A_73 : memref<128x64xf32, #tpu.memory_space<hbm>>) target_semaphore(%run_scoped3A : memref<!tpu.dma_semaphore, #tpu.memory_space<semaphore_mem>>)
      %dma_wait3A = arith.constant 0 : i32
      %dma_wait3A_74 = tpu.memref_slice %arg8[%multiple_of3A_42, %dma_wait3A] : memref<20480x64xf32, #tpu.memory_space<hbm>> -> memref<128x64xf32, #tpu.memory_space<hbm>>
      %dma_wait3A_75 = arith.constant 0 : i32
      %dma_wait3A_76 = tpu.memref_slice %arg8[%multiple_of3A_42, %dma_wait3A_75] : memref<20480x64xf32, #tpu.memory_space<hbm>> -> memref<128x64xf32, #tpu.memory_space<hbm>>
      tpu.wait_dma2 semaphore(%run_scoped3A : memref<!tpu.dma_semaphore, #tpu.memory_space<semaphore_mem>>) src(%arg11 : memref<128x64xf32, #tpu.memory_space<vmem>>) dst(%dma_wait3A_76 : memref<128x64xf32, #tpu.memory_space<hbm>>)
      tpu.yield
    }) : () -> ()
    %mul3A_43 = arith.constant 640 : i32
    %mul3A_44 = arith.muli %arg1, %mul3A_43 : i32
    %add3A_45 = arith.constant 128 : i32
    %add3A_46 = arith.addi %mul3A_44, %add3A_45 : i32
    %add3A_47 = arith.constant 128 : i32
    %add3A_48 = arith.addi %add3A_35, %add3A_47 : i32
    %multiple_of3A_49 = tpu.assume_multiple %add3A_48, 128 : i32
    "tpu.region"() ({
      %run_scoped3A = tpu.sem_alloc : memref<!tpu.dma_semaphore, #tpu.memory_space<semaphore_mem>>
      %dma_start3A = arith.constant 0 : i32
      %dma_start3A_71 = tpu.memref_slice %arg19[%add3A_46, %dma_start3A] : memref<10240x64xf32, #tpu.memory_space<vmem_shared>> -> memref<128x64xf32, #tpu.memory_space<vmem_shared>>
      %dma_start3A_72 = arith.constant 0 : i32
      %dma_start3A_73 = tpu.memref_slice %arg19[%add3A_46, %dma_start3A_72] : memref<10240x64xf32, #tpu.memory_space<vmem_shared>> -> memref<128x64xf32, #tpu.memory_space<vmem_shared>>
      tpu.enqueue_dma source(%dma_start3A_73 : memref<128x64xf32, #tpu.memory_space<vmem_shared>>) target(%arg11 : memref<128x64xf32, #tpu.memory_space<vmem>>) target_semaphore(%run_scoped3A : memref<!tpu.dma_semaphore, #tpu.memory_space<semaphore_mem>>)
      %dma_wait3A = arith.constant 0 : i32
      %dma_wait3A_74 = tpu.memref_slice %arg19[%add3A_46, %dma_wait3A] : memref<10240x64xf32, #tpu.memory_space<vmem_shared>> -> memref<128x64xf32, #tpu.memory_space<vmem_shared>>
      %dma_wait3A_75 = arith.constant 0 : i32
      %dma_wait3A_76 = tpu.memref_slice %arg19[%add3A_46, %dma_wait3A_75] : memref<10240x64xf32, #tpu.memory_space<vmem_shared>> -> memref<128x64xf32, #tpu.memory_space<vmem_shared>>
      tpu.wait_dma2 semaphore(%run_scoped3A : memref<!tpu.dma_semaphore, #tpu.memory_space<semaphore_mem>>) src(%dma_wait3A_76 : memref<128x64xf32, #tpu.memory_space<vmem_shared>>) dst(%arg11 : memref<128x64xf32, #tpu.memory_space<vmem>>)
      tpu.yield
    }) : () -> ()
    "tpu.region"() ({
      %run_scoped3A = tpu.sem_alloc : memref<!tpu.dma_semaphore, #tpu.memory_space<semaphore_mem>>
      %dma_start3A = arith.constant 0 : i32
      %dma_start3A_71 = tpu.memref_slice %arg8[%multiple_of3A_49, %dma_start3A] : memref<20480x64xf32, #tpu.memory_space<hbm>> -> memref<128x64xf32, #tpu.memory_space<hbm>>
      %dma_start3A_72 = arith.constant 0 : i32
      %dma_start3A_73 = tpu.memref_slice %arg8[%multiple_of3A_49, %dma_start3A_72] : memref<20480x64xf32, #tpu.memory_space<hbm>> -> memref<128x64xf32, #tpu.memory_space<hbm>>
      tpu.enqueue_dma source(%arg11 : memref<128x64xf32, #tpu.memory_space<vmem>>) target(%dma_start3A_73 : memref<128x64xf32, #tpu.memory_space<hbm>>) target_semaphore(%run_scoped3A : memref<!tpu.dma_semaphore, #tpu.memory_space<semaphore_mem>>)
      %dma_wait3A = arith.constant 0 : i32
      %dma_wait3A_74 = tpu.memref_slice %arg8[%multiple_of3A_49, %dma_wait3A] : memref<20480x64xf32, #tpu.memory_space<hbm>> -> memref<128x64xf32, #tpu.memory_space<hbm>>
      %dma_wait3A_75 = arith.constant 0 : i32
      %dma_wait3A_76 = tpu.memref_slice %arg8[%multiple_of3A_49, %dma_wait3A_75] : memref<20480x64xf32, #tpu.memory_space<hbm>> -> memref<128x64xf32, #tpu.memory_space<hbm>>
      tpu.wait_dma2 semaphore(%run_scoped3A : memref<!tpu.dma_semaphore, #tpu.memory_space<semaphore_mem>>) src(%arg11 : memref<128x64xf32, #tpu.memory_space<vmem>>) dst(%dma_wait3A_76 : memref<128x64xf32, #tpu.memory_space<hbm>>)
      tpu.yield
    }) : () -> ()
    %mul3A_50 = arith.constant 640 : i32
    %mul3A_51 = arith.muli %arg1, %mul3A_50 : i32
    %add3A_52 = arith.constant 256 : i32
    %add3A_53 = arith.addi %mul3A_51, %add3A_52 : i32
    %add3A_54 = arith.constant 256 : i32
    %add3A_55 = arith.addi %add3A_35, %add3A_54 : i32
    %multiple_of3A_56 = tpu.assume_multiple %add3A_55, 128 : i32
    "tpu.region"() ({
      %run_scoped3A = tpu.sem_alloc : memref<!tpu.dma_semaphore, #tpu.memory_space<semaphore_mem>>
      %dma_start3A = arith.constant 0 : i32
      %dma_start3A_71 = tpu.memref_slice %arg19[%add3A_53, %dma_start3A] : memref<10240x64xf32, #tpu.memory_space<vmem_shared>> -> memref<128x64xf32, #tpu.memory_space<vmem_shared>>
      %dma_start3A_72 = arith.constant 0 : i32
      %dma_start3A_73 = tpu.memref_slice %arg19[%add3A_53, %dma_start3A_72] : memref<10240x64xf32, #tpu.memory_space<vmem_shared>> -> memref<128x64xf32, #tpu.memory_space<vmem_shared>>
      tpu.enqueue_dma source(%dma_start3A_73 : memref<128x64xf32, #tpu.memory_space<vmem_shared>>) target(%arg11 : memref<128x64xf32, #tpu.memory_space<vmem>>) target_semaphore(%run_scoped3A : memref<!tpu.dma_semaphore, #tpu.memory_space<semaphore_mem>>)
      %dma_wait3A = arith.constant 0 : i32
      %dma_wait3A_74 = tpu.memref_slice %arg19[%add3A_53, %dma_wait3A] : memref<10240x64xf32, #tpu.memory_space<vmem_shared>> -> memref<128x64xf32, #tpu.memory_space<vmem_shared>>
      %dma_wait3A_75 = arith.constant 0 : i32
      %dma_wait3A_76 = tpu.memref_slice %arg19[%add3A_53, %dma_wait3A_75] : memref<10240x64xf32, #tpu.memory_space<vmem_shared>> -> memref<128x64xf32, #tpu.memory_space<vmem_shared>>
      tpu.wait_dma2 semaphore(%run_scoped3A : memref<!tpu.dma_semaphore, #tpu.memory_space<semaphore_mem>>) src(%dma_wait3A_76 : memref<128x64xf32, #tpu.memory_space<vmem_shared>>) dst(%arg11 : memref<128x64xf32, #tpu.memory_space<vmem>>)
      tpu.yield
    }) : () -> ()
    "tpu.region"() ({
      %run_scoped3A = tpu.sem_alloc : memref<!tpu.dma_semaphore, #tpu.memory_space<semaphore_mem>>
      %dma_start3A = arith.constant 0 : i32
      %dma_start3A_71 = tpu.memref_slice %arg8[%multiple_of3A_56, %dma_start3A] : memref<20480x64xf32, #tpu.memory_space<hbm>> -> memref<128x64xf32, #tpu.memory_space<hbm>>
      %dma_start3A_72 = arith.constant 0 : i32
      %dma_start3A_73 = tpu.memref_slice %arg8[%multiple_of3A_56, %dma_start3A_72] : memref<20480x64xf32, #tpu.memory_space<hbm>> -> memref<128x64xf32, #tpu.memory_space<hbm>>
      tpu.enqueue_dma source(%arg11 : memref<128x64xf32, #tpu.memory_space<vmem>>) target(%dma_start3A_73 : memref<128x64xf32, #tpu.memory_space<hbm>>) target_semaphore(%run_scoped3A : memref<!tpu.dma_semaphore, #tpu.memory_space<semaphore_mem>>)
      %dma_wait3A = arith.constant 0 : i32
      %dma_wait3A_74 = tpu.memref_slice %arg8[%multiple_of3A_56, %dma_wait3A] : memref<20480x64xf32, #tpu.memory_space<hbm>> -> memref<128x64xf32, #tpu.memory_space<hbm>>
      %dma_wait3A_75 = arith.constant 0 : i32
      %dma_wait3A_76 = tpu.memref_slice %arg8[%multiple_of3A_56, %dma_wait3A_75] : memref<20480x64xf32, #tpu.memory_space<hbm>> -> memref<128x64xf32, #tpu.memory_space<hbm>>
      tpu.wait_dma2 semaphore(%run_scoped3A : memref<!tpu.dma_semaphore, #tpu.memory_space<semaphore_mem>>) src(%arg11 : memref<128x64xf32, #tpu.memory_space<vmem>>) dst(%dma_wait3A_76 : memref<128x64xf32, #tpu.memory_space<hbm>>)
      tpu.yield
    }) : () -> ()
    %mul3A_57 = arith.constant 640 : i32
    %mul3A_58 = arith.muli %arg1, %mul3A_57 : i32
    %add3A_59 = arith.constant 384 : i32
    %add3A_60 = arith.addi %mul3A_58, %add3A_59 : i32
    %add3A_61 = arith.constant 384 : i32
    %add3A_62 = arith.addi %add3A_35, %add3A_61 : i32
    %multiple_of3A_63 = tpu.assume_multiple %add3A_62, 128 : i32
    "tpu.region"() ({
      %run_scoped3A = tpu.sem_alloc : memref<!tpu.dma_semaphore, #tpu.memory_space<semaphore_mem>>
      %dma_start3A = arith.constant 0 : i32
      %dma_start3A_71 = tpu.memref_slice %arg19[%add3A_60, %dma_start3A] : memref<10240x64xf32, #tpu.memory_space<vmem_shared>> -> memref<128x64xf32, #tpu.memory_space<vmem_shared>>
      %dma_start3A_72 = arith.constant 0 : i32
      %dma_start3A_73 = tpu.memref_slice %arg19[%add3A_60, %dma_start3A_72] : memref<10240x64xf32, #tpu.memory_space<vmem_shared>> -> memref<128x64xf32, #tpu.memory_space<vmem_shared>>
      tpu.enqueue_dma source(%dma_start3A_73 : memref<128x64xf32, #tpu.memory_space<vmem_shared>>) target(%arg11 : memref<128x64xf32, #tpu.memory_space<vmem>>) target_semaphore(%run_scoped3A : memref<!tpu.dma_semaphore, #tpu.memory_space<semaphore_mem>>)
      %dma_wait3A = arith.constant 0 : i32
      %dma_wait3A_74 = tpu.memref_slice %arg19[%add3A_60, %dma_wait3A] : memref<10240x64xf32, #tpu.memory_space<vmem_shared>> -> memref<128x64xf32, #tpu.memory_space<vmem_shared>>
      %dma_wait3A_75 = arith.constant 0 : i32
      %dma_wait3A_76 = tpu.memref_slice %arg19[%add3A_60, %dma_wait3A_75] : memref<10240x64xf32, #tpu.memory_space<vmem_shared>> -> memref<128x64xf32, #tpu.memory_space<vmem_shared>>
      tpu.wait_dma2 semaphore(%run_scoped3A : memref<!tpu.dma_semaphore, #tpu.memory_space<semaphore_mem>>) src(%dma_wait3A_76 : memref<128x64xf32, #tpu.memory_space<vmem_shared>>) dst(%arg11 : memref<128x64xf32, #tpu.memory_space<vmem>>)
      tpu.yield
    }) : () -> ()
    "tpu.region"() ({
      %run_scoped3A = tpu.sem_alloc : memref<!tpu.dma_semaphore, #tpu.memory_space<semaphore_mem>>
      %dma_start3A = arith.constant 0 : i32
      %dma_start3A_71 = tpu.memref_slice %arg8[%multiple_of3A_63, %dma_start3A] : memref<20480x64xf32, #tpu.memory_space<hbm>> -> memref<128x64xf32, #tpu.memory_space<hbm>>
      %dma_start3A_72 = arith.constant 0 : i32
      %dma_start3A_73 = tpu.memref_slice %arg8[%multiple_of3A_63, %dma_start3A_72] : memref<20480x64xf32, #tpu.memory_space<hbm>> -> memref<128x64xf32, #tpu.memory_space<hbm>>
      tpu.enqueue_dma source(%arg11 : memref<128x64xf32, #tpu.memory_space<vmem>>) target(%dma_start3A_73 : memref<128x64xf32, #tpu.memory_space<hbm>>) target_semaphore(%run_scoped3A : memref<!tpu.dma_semaphore, #tpu.memory_space<semaphore_mem>>)
      %dma_wait3A = arith.constant 0 : i32
      %dma_wait3A_74 = tpu.memref_slice %arg8[%multiple_of3A_63, %dma_wait3A] : memref<20480x64xf32, #tpu.memory_space<hbm>> -> memref<128x64xf32, #tpu.memory_space<hbm>>
      %dma_wait3A_75 = arith.constant 0 : i32
      %dma_wait3A_76 = tpu.memref_slice %arg8[%multiple_of3A_63, %dma_wait3A_75] : memref<20480x64xf32, #tpu.memory_space<hbm>> -> memref<128x64xf32, #tpu.memory_space<hbm>>
      tpu.wait_dma2 semaphore(%run_scoped3A : memref<!tpu.dma_semaphore, #tpu.memory_space<semaphore_mem>>) src(%arg11 : memref<128x64xf32, #tpu.memory_space<vmem>>) dst(%dma_wait3A_76 : memref<128x64xf32, #tpu.memory_space<hbm>>)
      tpu.yield
    }) : () -> ()
    %mul3A_64 = arith.constant 640 : i32
    %mul3A_65 = arith.muli %arg1, %mul3A_64 : i32
    %add3A_66 = arith.constant 512 : i32
    %add3A_67 = arith.addi %mul3A_65, %add3A_66 : i32
    %add3A_68 = arith.constant 512 : i32
    %add3A_69 = arith.addi %add3A_35, %add3A_68 : i32
    %multiple_of3A_70 = tpu.assume_multiple %add3A_69, 128 : i32
    "tpu.region"() ({
      %run_scoped3A = tpu.sem_alloc : memref<!tpu.dma_semaphore, #tpu.memory_space<semaphore_mem>>
      %dma_start3A = arith.constant 0 : i32
      %dma_start3A_71 = tpu.memref_slice %arg19[%add3A_67, %dma_start3A] : memref<10240x64xf32, #tpu.memory_space<vmem_shared>> -> memref<128x64xf32, #tpu.memory_space<vmem_shared>>
      %dma_start3A_72 = arith.constant 0 : i32
      %dma_start3A_73 = tpu.memref_slice %arg19[%add3A_67, %dma_start3A_72] : memref<10240x64xf32, #tpu.memory_space<vmem_shared>> -> memref<128x64xf32, #tpu.memory_space<vmem_shared>>
      tpu.enqueue_dma source(%dma_start3A_73 : memref<128x64xf32, #tpu.memory_space<vmem_shared>>) target(%arg11 : memref<128x64xf32, #tpu.memory_space<vmem>>) target_semaphore(%run_scoped3A : memref<!tpu.dma_semaphore, #tpu.memory_space<semaphore_mem>>)
      %dma_wait3A = arith.constant 0 : i32
      %dma_wait3A_74 = tpu.memref_slice %arg19[%add3A_67, %dma_wait3A] : memref<10240x64xf32, #tpu.memory_space<vmem_shared>> -> memref<128x64xf32, #tpu.memory_space<vmem_shared>>
      %dma_wait3A_75 = arith.constant 0 : i32
      %dma_wait3A_76 = tpu.memref_slice %arg19[%add3A_67, %dma_wait3A_75] : memref<10240x64xf32, #tpu.memory_space<vmem_shared>> -> memref<128x64xf32, #tpu.memory_space<vmem_shared>>
      tpu.wait_dma2 semaphore(%run_scoped3A : memref<!tpu.dma_semaphore, #tpu.memory_space<semaphore_mem>>) src(%dma_wait3A_76 : memref<128x64xf32, #tpu.memory_space<vmem_shared>>) dst(%arg11 : memref<128x64xf32, #tpu.memory_space<vmem>>)
      tpu.yield
    }) : () -> ()
    "tpu.region"() ({
      %run_scoped3A = tpu.sem_alloc : memref<!tpu.dma_semaphore, #tpu.memory_space<semaphore_mem>>
      %dma_start3A = arith.constant 0 : i32
      %dma_start3A_71 = tpu.memref_slice %arg8[%multiple_of3A_70, %dma_start3A] : memref<20480x64xf32, #tpu.memory_space<hbm>> -> memref<128x64xf32, #tpu.memory_space<hbm>>
      %dma_start3A_72 = arith.constant 0 : i32
      %dma_start3A_73 = tpu.memref_slice %arg8[%multiple_of3A_70, %dma_start3A_72] : memref<20480x64xf32, #tpu.memory_space<hbm>> -> memref<128x64xf32, #tpu.memory_space<hbm>>
      tpu.enqueue_dma source(%arg11 : memref<128x64xf32, #tpu.memory_space<vmem>>) target(%dma_start3A_73 : memref<128x64xf32, #tpu.memory_space<hbm>>) target_semaphore(%run_scoped3A : memref<!tpu.dma_semaphore, #tpu.memory_space<semaphore_mem>>)
      %dma_wait3A = arith.constant 0 : i32
      %dma_wait3A_74 = tpu.memref_slice %arg8[%multiple_of3A_70, %dma_wait3A] : memref<20480x64xf32, #tpu.memory_space<hbm>> -> memref<128x64xf32, #tpu.memory_space<hbm>>
      %dma_wait3A_75 = arith.constant 0 : i32
      %dma_wait3A_76 = tpu.memref_slice %arg8[%multiple_of3A_70, %dma_wait3A_75] : memref<20480x64xf32, #tpu.memory_space<hbm>> -> memref<128x64xf32, #tpu.memory_space<hbm>>
      tpu.wait_dma2 semaphore(%run_scoped3A : memref<!tpu.dma_semaphore, #tpu.memory_space<semaphore_mem>>) src(%arg11 : memref<128x64xf32, #tpu.memory_space<vmem>>) dst(%dma_wait3A_76 : memref<128x64xf32, #tpu.memory_space<hbm>>)
      tpu.yield
    }) : () -> ()
    return
  }
}

module attributes {stable_mosaic.version = 14 : i64} {
  func.func @body(%arg0: i32, %arg1: memref<2x400x64xf32, #tpu.memory_space<vmem>>, %arg2: memref<1x400x16xf32, #tpu.memory_space<vmem>>, %arg3: memref<400x128xf32, #tpu.memory_space<vmem>>, %arg4: memref<128x128xf32, #tpu.memory_space<vmem>>, %arg5: memref<128x128xf32, #tpu.memory_space<vmem>>, %arg6: memref<1x128xf32, #tpu.memory_space<vmem>>, %arg7: memref<400x128xf32, #tpu.memory_space<vmem>>, %arg8: memref<2x400x64xf32, #tpu.memory_space<vmem>>) attributes {dimension_semantics = [#tpu.dimension_semantics<arbitrary>], iteration_bounds = array<i64: 25>, scalar_prefetch = 0 : i64, scratch_operands = 0 : i64, tpu.core_type = #tpu.core_type<tc>, window_params = [{transform_indices = @transform_0, window_bounds = array<i64: 2, 400, 64>}, {transform_indices = @transform_1, window_bounds = array<i64: 1, 400, 16>}, {transform_indices = @transform_2, window_bounds = array<i64: 400, 128>}, {pipeline_mode = #tpu.pipeline_mode<synchronous>, transform_indices = @transform_3, window_bounds = array<i64: 128, 128>}, {pipeline_mode = #tpu.pipeline_mode<synchronous>, transform_indices = @transform_4, window_bounds = array<i64: 128, 128>}, {pipeline_mode = #tpu.pipeline_mode<synchronous>, transform_indices = @transform_5, window_bounds = array<i64: 1, 128>}, {transform_indices = @transform_6, window_bounds = array<i64: 400, 128>}, {transform_indices = @transform_7, window_bounds = array<i64: 2, 400, 64>}]} {
    %get3A = arith.constant 0 : index
    %get3A_0 = arith.constant 0 : index
    %get3A_1 = arith.constant 0 : index
    %get3A_2 = vector.load %arg1[%get3A, %get3A_0, %get3A_1] : memref<2x400x64xf32, #tpu.memory_space<vmem>>, vector<1x400x64xf32>
    %get3A_3 = vector.shape_cast %get3A_2 : vector<1x400x64xf32> to vector<400x64xf32>
    %get3A_4 = arith.constant 1 : index
    %get3A_5 = arith.constant 0 : index
    %get3A_6 = arith.constant 0 : index
    %get3A_7 = vector.load %arg1[%get3A_4, %get3A_5, %get3A_6] : memref<2x400x64xf32, #tpu.memory_space<vmem>>, vector<1x400x64xf32>
    %get3A_8 = vector.shape_cast %get3A_7 : vector<1x400x64xf32> to vector<400x64xf32>
    %concatenate3A = tpu.concatenate %get3A_3, %get3A_8 in 1 : vector<400x64xf32>, vector<400x64xf32> -> vector<400x128xf32>
    %get3A_9 = arith.constant 0 : index
    %get3A_10 = arith.constant 0 : index
    %get3A_11 = arith.constant 0 : index
    %get3A_12 = vector.load %arg2[%get3A_9, %get3A_10, %get3A_11] : memref<1x400x16xf32, #tpu.memory_space<vmem>>, vector<1x400x1xf32>
    %get3A_13 = vector.shape_cast %get3A_12 : vector<1x400x1xf32> to vector<400x1xf32>
    %max3A = arith.constant 1.000000e+00 : f32
    %max3A_14 = vector.broadcast %max3A : f32 to vector<400x1xf32>
    %max3A_15 = arith.maximumf %get3A_13, %max3A_14 : vector<400x1xf32>
    %div3A = vector.broadcast %max3A_15 : vector<400x1xf32> to vector<400x128xf32>
    %div3A_16 = arith.divf %concatenate3A, %div3A : vector<400x128xf32>
    %get3A_17 = arith.constant 0 : index
    %get3A_18 = arith.constant 0 : index
    %get3A_19 = vector.load %arg4[%get3A_17, %get3A_18] : memref<128x128xf32, #tpu.memory_space<vmem>>, vector<128x128xf32>
    %dot_general3A = arith.constant dense<0.000000e+00> : vector<400x128xf32>
    %dot_general3A_20 = tpu.matmul %div3A_16, %get3A_19, %dot_general3A {dimension_numbers = #tpu.dot_dimension_numbers<[1], [0], [0], [1], [0, 0, 1, 1], [], []>, transpose_lhs_hint = false} : vector<400x128xf32>, vector<128x128xf32>, vector<400x128xf32> -> vector<400x128xf32>
    %get3A_21 = arith.constant 0 : index
    %get3A_22 = arith.constant 0 : index
    %get3A_23 = vector.load %arg3[%get3A_21, %get3A_22] : memref<400x128xf32, #tpu.memory_space<vmem>>, vector<400x128xf32>
    %get3A_24 = arith.constant 0 : index
    %get3A_25 = arith.constant 0 : index
    %get3A_26 = vector.load %arg5[%get3A_24, %get3A_25] : memref<128x128xf32, #tpu.memory_space<vmem>>, vector<128x128xf32>
    %dot_general3A_27 = arith.constant dense<0.000000e+00> : vector<400x128xf32>
    %dot_general3A_28 = tpu.matmul %get3A_23, %get3A_26, %dot_general3A_27 {dimension_numbers = #tpu.dot_dimension_numbers<[1], [0], [0], [1], [0, 0, 1, 1], [], []>, transpose_lhs_hint = false} : vector<400x128xf32>, vector<128x128xf32>, vector<400x128xf32> -> vector<400x128xf32>
    %add3A = arith.addf %dot_general3A_20, %dot_general3A_28 : vector<400x128xf32>
    %get3A_29 = arith.constant 0 : index
    %get3A_30 = arith.constant 0 : index
    %get3A_31 = vector.load %arg6[%get3A_29, %get3A_30] : memref<1x128xf32, #tpu.memory_space<vmem>>, vector<1x128xf32>
    %add3A_32 = vector.broadcast %get3A_31 : vector<1x128xf32> to vector<400x128xf32>
    %add3A_33 = arith.addf %add3A, %add3A_32 : vector<400x128xf32>
    %max3A_34 = arith.constant 0.000000e+00 : f32
    %max3A_35 = vector.broadcast %max3A_34 : f32 to vector<400x128xf32>
    %max3A_36 = arith.maximumf %add3A_33, %max3A_35 : vector<400x128xf32>
    %swap3A = arith.constant 0 : index
    %swap3A_37 = arith.constant 0 : index
    %swap3A_38 = vector.load %arg7[%swap3A, %swap3A_37] : memref<400x128xf32, #tpu.memory_space<vmem>>, vector<400x128xf32>
    tpu.vector_store %arg7[%swap3A, %swap3A_37], %max3A_36 {strides = array<i32>} : memref<400x128xf32, #tpu.memory_space<vmem>>, vector<400x128xf32>,
    %slice3A = vector.extract_strided_slice %max3A_36 {offsets = [0, 0], sizes = [400, 64], strides = [1, 1]} : vector<400x128xf32> to vector<400x64xf32>
    %swap3A_39 = arith.constant 0 : index
    %swap3A_40 = arith.constant 0 : index
    %swap3A_41 = arith.constant 0 : index
    %swap3A_42 = vector.load %arg8[%swap3A_39, %swap3A_40, %swap3A_41] : memref<2x400x64xf32, #tpu.memory_space<vmem>>, vector<1x400x64xf32>
    %swap3A_43 = vector.shape_cast %swap3A_42 : vector<1x400x64xf32> to vector<400x64xf32>
    %swap3A_44 = vector.shape_cast %slice3A : vector<400x64xf32> to vector<1x400x64xf32>
    tpu.vector_store %arg8[%swap3A_39, %swap3A_40, %swap3A_41], %swap3A_44 {strides = array<i32>} : memref<2x400x64xf32, #tpu.memory_space<vmem>>, vector<1x400x64xf32>,
    %slice3A_45 = vector.extract_strided_slice %max3A_36 {offsets = [0, 64], sizes = [400, 64], strides = [1, 1]} : vector<400x128xf32> to vector<400x64xf32>
    %swap3A_46 = arith.constant 1 : index
    %swap3A_47 = arith.constant 0 : index
    %swap3A_48 = arith.constant 0 : index
    %swap3A_49 = vector.load %arg8[%swap3A_46, %swap3A_47, %swap3A_48] : memref<2x400x64xf32, #tpu.memory_space<vmem>>, vector<1x400x64xf32>
    %swap3A_50 = vector.shape_cast %swap3A_49 : vector<1x400x64xf32> to vector<400x64xf32>
    %swap3A_51 = vector.shape_cast %slice3A_45 : vector<400x64xf32> to vector<1x400x64xf32>
    tpu.vector_store %arg8[%swap3A_46, %swap3A_47, %swap3A_48], %swap3A_51 {strides = array<i32>} : memref<2x400x64xf32, #tpu.memory_space<vmem>>, vector<1x400x64xf32>,
    return
  }
  func.func @transform_0(%arg0: i32) -> (i32, i32, i32) {
    %c0_i32 = arith.constant 0 : i32
    %c0_i32_0 = arith.constant 0 : i32
    %c0_i32_1 = arith.constant 0 : i32
    return %c0_i32, %arg0, %c0_i32_0 : i32, i32, i32
  }
  func.func @transform_1(%arg0: i32) -> (i32, i32, i32) {
    %c0_i32 = arith.constant 0 : i32
    %c0_i32_0 = arith.constant 0 : i32
    %c0_i32_1 = arith.constant 0 : i32
    return %c0_i32, %arg0, %c0_i32_0 : i32, i32, i32
  }
  func.func @transform_2(%arg0: i32) -> (i32, i32) {
    %c0_i32 = arith.constant 0 : i32
    %c0_i32_0 = arith.constant 0 : i32
    return %arg0, %c0_i32 : i32, i32
  }
  func.func @transform_3(%arg0: i32) -> (i32, i32) {
    %c0_i32 = arith.constant 0 : i32
    %c0_i32_0 = arith.constant 0 : i32
    %c0_i32_1 = arith.constant 0 : i32
    return %c0_i32, %c0_i32_0 : i32, i32
  }
  func.func @transform_4(%arg0: i32) -> (i32, i32) {
    %c0_i32 = arith.constant 0 : i32
    %c0_i32_0 = arith.constant 0 : i32
    %c0_i32_1 = arith.constant 0 : i32
    return %c0_i32, %c0_i32_0 : i32, i32
  }
  func.func @transform_5(%arg0: i32) -> (i32, i32) {
    %c0_i32 = arith.constant 0 : i32
    %c0_i32_0 = arith.constant 0 : i32
    %c0_i32_1 = arith.constant 0 : i32
    return %c0_i32, %c0_i32_0 : i32, i32
  }
  func.func @transform_6(%arg0: i32) -> (i32, i32) {
    %c0_i32 = arith.constant 0 : i32
    %c0_i32_0 = arith.constant 0 : i32
    return %arg0, %c0_i32 : i32, i32
  }
  func.func @transform_7(%arg0: i32) -> (i32, i32, i32) {
    %c0_i32 = arith.constant 0 : i32
    %c0_i32_0 = arith.constant 0 : i32
    %c0_i32_1 = arith.constant 0 : i32
    return %c0_i32, %arg0, %c0_i32_0 : i32, i32, i32
  }
}

module attributes {stable_mosaic.version = 14 : i64} {
  func.func @body(%arg0: i32, %arg1: memref<2x400x64xf32, #tpu.memory_space<vmem>>, %arg2: memref<1x400x16xf32, #tpu.memory_space<vmem>>, %arg3: memref<400x128xf32, #tpu.memory_space<vmem>>, %arg4: memref<128x128xf32, #tpu.memory_space<vmem>>, %arg5: memref<128x128xf32, #tpu.memory_space<vmem>>, %arg6: memref<1x128xf32, #tpu.memory_space<vmem>>, %arg7: memref<400x128xf32, #tpu.memory_space<vmem>>) attributes {dimension_semantics = [#tpu.dimension_semantics<arbitrary>], iteration_bounds = array<i64: 25>, scalar_prefetch = 0 : i64, scratch_operands = 0 : i64, tpu.core_type = #tpu.core_type<tc>, window_params = [{transform_indices = @transform_0, window_bounds = array<i64: 2, 400, 64>}, {transform_indices = @transform_1, window_bounds = array<i64: 1, 400, 16>}, {transform_indices = @transform_2, window_bounds = array<i64: 400, 128>}, {pipeline_mode = #tpu.pipeline_mode<synchronous>, transform_indices = @transform_3, window_bounds = array<i64: 128, 128>}, {pipeline_mode = #tpu.pipeline_mode<synchronous>, transform_indices = @transform_4, window_bounds = array<i64: 128, 128>}, {pipeline_mode = #tpu.pipeline_mode<synchronous>, transform_indices = @transform_5, window_bounds = array<i64: 1, 128>}, {transform_indices = @transform_6, window_bounds = array<i64: 400, 128>}]} {
    %get3A = arith.constant 0 : index
    %get3A_0 = arith.constant 0 : index
    %get3A_1 = arith.constant 0 : index
    %get3A_2 = vector.load %arg1[%get3A, %get3A_0, %get3A_1] : memref<2x400x64xf32, #tpu.memory_space<vmem>>, vector<1x400x64xf32>
    %get3A_3 = vector.shape_cast %get3A_2 : vector<1x400x64xf32> to vector<400x64xf32>
    %get3A_4 = arith.constant 1 : index
    %get3A_5 = arith.constant 0 : index
    %get3A_6 = arith.constant 0 : index
    %get3A_7 = vector.load %arg1[%get3A_4, %get3A_5, %get3A_6] : memref<2x400x64xf32, #tpu.memory_space<vmem>>, vector<1x400x64xf32>
    %get3A_8 = vector.shape_cast %get3A_7 : vector<1x400x64xf32> to vector<400x64xf32>
    %concatenate3A = tpu.concatenate %get3A_3, %get3A_8 in 1 : vector<400x64xf32>, vector<400x64xf32> -> vector<400x128xf32>
    %get3A_9 = arith.constant 0 : index
    %get3A_10 = arith.constant 0 : index
    %get3A_11 = arith.constant 0 : index
    %get3A_12 = vector.load %arg2[%get3A_9, %get3A_10, %get3A_11] : memref<1x400x16xf32, #tpu.memory_space<vmem>>, vector<1x400x1xf32>
    %get3A_13 = vector.shape_cast %get3A_12 : vector<1x400x1xf32> to vector<400x1xf32>
    %max3A = arith.constant 1.000000e+00 : f32
    %max3A_14 = vector.broadcast %max3A : f32 to vector<400x1xf32>
    %max3A_15 = arith.maximumf %get3A_13, %max3A_14 : vector<400x1xf32>
    %div3A = vector.broadcast %max3A_15 : vector<400x1xf32> to vector<400x128xf32>
    %div3A_16 = arith.divf %concatenate3A, %div3A : vector<400x128xf32>
    %get3A_17 = arith.constant 0 : index
    %get3A_18 = arith.constant 0 : index
    %get3A_19 = vector.load %arg4[%get3A_17, %get3A_18] : memref<128x128xf32, #tpu.memory_space<vmem>>, vector<128x128xf32>
    %dot_general3A = arith.constant dense<0.000000e+00> : vector<400x128xf32>
    %dot_general3A_20 = tpu.matmul %div3A_16, %get3A_19, %dot_general3A {dimension_numbers = #tpu.dot_dimension_numbers<[1], [0], [0], [1], [0, 0, 1, 1], [], []>, transpose_lhs_hint = false} : vector<400x128xf32>, vector<128x128xf32>, vector<400x128xf32> -> vector<400x128xf32>
    %get3A_21 = arith.constant 0 : index
    %get3A_22 = arith.constant 0 : index
    %get3A_23 = vector.load %arg3[%get3A_21, %get3A_22] : memref<400x128xf32, #tpu.memory_space<vmem>>, vector<400x128xf32>
    %get3A_24 = arith.constant 0 : index
    %get3A_25 = arith.constant 0 : index
    %get3A_26 = vector.load %arg5[%get3A_24, %get3A_25] : memref<128x128xf32, #tpu.memory_space<vmem>>, vector<128x128xf32>
    %dot_general3A_27 = arith.constant dense<0.000000e+00> : vector<400x128xf32>
    %dot_general3A_28 = tpu.matmul %get3A_23, %get3A_26, %dot_general3A_27 {dimension_numbers = #tpu.dot_dimension_numbers<[1], [0], [0], [1], [0, 0, 1, 1], [], []>, transpose_lhs_hint = false} : vector<400x128xf32>, vector<128x128xf32>, vector<400x128xf32> -> vector<400x128xf32>
    %add3A = arith.addf %dot_general3A_20, %dot_general3A_28 : vector<400x128xf32>
    %get3A_29 = arith.constant 0 : index
    %get3A_30 = arith.constant 0 : index
    %get3A_31 = vector.load %arg6[%get3A_29, %get3A_30] : memref<1x128xf32, #tpu.memory_space<vmem>>, vector<1x128xf32>
    %add3A_32 = vector.broadcast %get3A_31 : vector<1x128xf32> to vector<400x128xf32>
    %add3A_33 = arith.addf %add3A, %add3A_32 : vector<400x128xf32>
    %swap3A = arith.constant 0 : index
    %swap3A_34 = arith.constant 0 : index
    %swap3A_35 = vector.load %arg7[%swap3A, %swap3A_34] : memref<400x128xf32, #tpu.memory_space<vmem>>, vector<400x128xf32>
    tpu.vector_store %arg7[%swap3A, %swap3A_34], %add3A_33 {strides = array<i32>} : memref<400x128xf32, #tpu.memory_space<vmem>>, vector<400x128xf32>,
    return
  }
  func.func @transform_0(%arg0: i32) -> (i32, i32, i32) {
    %c0_i32 = arith.constant 0 : i32
    %c0_i32_0 = arith.constant 0 : i32
    %c0_i32_1 = arith.constant 0 : i32
    return %c0_i32, %arg0, %c0_i32_0 : i32, i32, i32
  }
  func.func @transform_1(%arg0: i32) -> (i32, i32, i32) {
    %c0_i32 = arith.constant 0 : i32
    %c0_i32_0 = arith.constant 0 : i32
    %c0_i32_1 = arith.constant 0 : i32
    return %c0_i32, %arg0, %c0_i32_0 : i32, i32, i32
  }
  func.func @transform_2(%arg0: i32) -> (i32, i32) {
    %c0_i32 = arith.constant 0 : i32
    %c0_i32_0 = arith.constant 0 : i32
    return %arg0, %c0_i32 : i32, i32
  }
  func.func @transform_3(%arg0: i32) -> (i32, i32) {
    %c0_i32 = arith.constant 0 : i32
    %c0_i32_0 = arith.constant 0 : i32
    %c0_i32_1 = arith.constant 0 : i32
    return %c0_i32, %c0_i32_0 : i32, i32
  }
  func.func @transform_4(%arg0: i32) -> (i32, i32) {
    %c0_i32 = arith.constant 0 : i32
    %c0_i32_0 = arith.constant 0 : i32
    %c0_i32_1 = arith.constant 0 : i32
    return %c0_i32, %c0_i32_0 : i32, i32
  }
  func.func @transform_5(%arg0: i32) -> (i32, i32) {
    %c0_i32 = arith.constant 0 : i32
    %c0_i32_0 = arith.constant 0 : i32
    %c0_i32_1 = arith.constant 0 : i32
    return %c0_i32, %c0_i32_0 : i32, i32
  }
  func.func @transform_6(%arg0: i32) -> (i32, i32) {
    %c0_i32 = arith.constant 0 : i32
    %c0_i32_0 = arith.constant 0 : i32
    return %arg0, %c0_i32 : i32, i32
  }
}

</mosaic_0001>

<sc_bundles>
// kernel: kernel.6.cloned.1.call-start
scs
__scs_entry_jumppad:
0x0: {  	(pc) =	sbr.rel $0x88, $3  }
0x1: {  	(tag) =	ssettag $0x0;
	lr =	simm.s32 $0x1  }
0x2: {  	[smem:$0x3F99] =	sst lr;
	_ =	strace $0xD0000000  }
0x3: {  	_ = 	snop  }
0x4: {  	_ = 	snop  }
0x5: {  	_ = 	snop  }
0x6: {  	_ = 	snop  }
0x7: {  	_ = 	snop  }
__scs_overlays_trampoline_lowered:
0x8: {  	[smem:$0x3FA8] =	sst s0  }
0x9: {  	[smem:$0x3FA9] =	sst s1  }
0xa: {  	[smem:$0x3FAA] =	sst s2  }
0xb: {  	[smem:$0x3FAB] =	sst s3  }
0xc: {  	[smem:$0x3FAC] =	sst s4  }
0xd: {  	[smem:$0x3FAD] =	sst s5  }
0xe: {  	[smem:$0x3FAE] =	sst s6  }
0xf: {  	[smem:$0x3FAF] =	sst s7  }
0x10: {  	[smem:$0x3FB0] =	sst s8  }
0x11: {  	[smem:$0x3FB1] =	sst s9;
	s0 =	simm.s32 @!p0 $0x0  }
0x12: {  	s1 =	sld [smem:$0x3F97];
	s0 =	simm.s32 @p0 $0x1  }
0x13: {  	[smem:$0x3FB2] =	sst s0;
	s0 =	simm.s32 @!p1 $0x0  }
0x14: {  	s2 =	sld [smem:$0x3F96];
	s0 =	simm.s32 @p1 $0x1  }
0x15: {  	[smem:$0x3FB3] =	sst s0;
	s0 =	simm.s32 @!p2 $0x0  }
0x16: {  	s3 =	sld [smem:$0x3FDB];
	s0 =	simm.s32 @p2 $0x1  }
0x17: {  	s4 =	simm.s32 $0x1BF5;
	[smem:$0x3FB5] =	sst s0  }
0x18: {  	s0 =	sld [smem:$0x3F98];
	_ =	swait.ge [sflag:s4], $0x0  }
0x19: {  	s7 =	sld [smem:$0x3F99]  }
0x1a: {  	s8 =	sadd.s32 $0xFFFFE003, lr  }
0x1b: {  	s9 =	sadd.s32 $0xFFFFFEF7, lr;
	s5 =	simm.s32 $0xFFFFFFFF;
	p2 =	slt.u32 s8, $0xFFFFF086  }
0x1c: {  	p1 =	slt.u32 s9, $0xF7A;
	s5 =	simm.s32 @!p2 $0x0  }
0x1d: {  	s5 =	simm.s32 @p1 $0x1;
	p0 =	seq.s32 s7, s2  }
0x1e: {  	s7 =	smul.u32 @!p0 $0xF7A, s2;
	p2 =	seq.s32 @!p0 s5, $0x0  }
0x1f: {  	s9 =	smul.u32 $0xF7A, s1;
	s8 =	simm.s32 @!p0 $0x1BF5;
	p2 =	por !p2, p0  }
0x20: {  	[sflag:s8] =	ssyncset.s32 @!p0 $0xFFFFF086;
	s6 =	sadd.s32 @!p0 s3, s7;
	s7 =	simm.s32 @!p0 $0x108  }
0x21: {  	s3 =	sadd.s32 s3, s9;
	s6 =	sadd.s32 @!p0 $0x88, s6;
	s7 =	simm.s32 @p2 $0x1082  }
0x22: {  	[simem:s7], [sflag:s8] =	dma.local @!p0 [hbm:s6], $0xF7A  }
0x23: {  	s9 =	sor.u32 $0xD0000000, s2;
	s6 =	simm.s32 $0x108;
	_ =	swait.ge @!p0 [sflag:s8], $0x0  }
0x24: {  	s3 =	sadd.s32 $0x88, s3;
	s6 =	simm.s32 @!p1 $0x1082;
	[sflag:s4] =	ssyncset.s32 $0xFFFFF086  }
0x25: {  	[simem:s6], [sflag:s4] =	dma.local [hbm:s3], $0xF7A  }
0x26: {  	[smem:$0x3F99] =	sst s1;
	(tag) =	ssettag s2;
	_ =	strace s9  }
0x27: {  	s1 =	sld [smem:$0x3FA9]  }
0x28: {  	s2 =	sld [smem:$0x3FAA]  }
0x29: {  	s4 =	sld [smem:$0x3FAC]  }
0x2a: {  	p0 =	seq.s32 s5, $0x0;
	s5 =	sld [smem:$0x3FAD]  }
0x2b: {  	s6 =	sld [smem:$0x3FAE]  }
0x2c: {  	s7 =	sld [smem:$0x3FAF]  }
0x2d: {  	s3 =	simm.s32 $0x108;
	s8 =	sld [smem:$0x3FB0]  }
0x2e: {  	s3 =	simm.s32 @!p0 $0x1082;
	s9 =	sld [smem:$0x3FB1]  }
0x2f: {  	lr =	sadd.s32 s0, s3;
	s0 =	sld [smem:$0x3FA8]  }
0x30: {  	s3 =	sld [smem:$0x3FAB]  }
0x31: {  	[smem:$0x3FB4] =	sst s10  }
0x32: {  	s10 =	sld [smem:$0x3FB2];
	_ =	sdelay $0x3  }
0x33: {  	p0 =	seq.s32 s10, $0x1;
	s10 =	sld [smem:$0x3FB4];
	_ =	sdelay $0x3  }
0x34: {  	[smem:$0x3FB4] =	sst s10  }
0x35: {  	s10 =	sld [smem:$0x3FB3];
	_ =	sdelay $0x3  }
0x36: {  	p1 =	seq.s32 s10, $0x1;
	s10 =	sld [smem:$0x3FB4];
	_ =	sdelay $0x3  }
0x37: {  	[smem:$0x3FB4] =	sst s10  }
0x38: {  	s10 =	sld [smem:$0x3FB5]  }
0x39: {  	_ = 	snop;
	(pc) =	sbr.ind lr, $3  }
0x3a: {  	_ = 	snop  }
0x3b: {  	_ = 	snop  }
0x3c: {  	p2 =	seq.s32 s10, $0x1;
	s10 =	sld [smem:$0x3FB4]  }
0x3d: {  	_ =	shalt  }
0x3e: {  	_ =	shalt  }
0x3f: {  	_ =	shalt  }
0x40: {  	_ =	shalt  }
0x41: {  	_ =	shalt  }
0x42: {  	_ =	shalt  }
0x43: {  	_ =	shalt  }
0x44: {  	_ =	shalt  }
0x45: {  	_ =	shalt  }
0x46: {  	_ =	shalt  }
0x47: {  	_ =	shalt  }
0x48: {  	_ =	shalt  }
0x49: {  	_ =	shalt  }
0x4a: {  	_ =	shalt  }
0x4b: {  	_ =	shalt  }
0x4c: {  	_ =	shalt  }
0x4d: {  	_ =	shalt  }
0x4e: {  	_ =	shalt  }
0x4f: {  	_ =	shalt  }
0x50: {  	_ =	shalt  }
0x51: {  	_ =	shalt  }
0x52: {  	_ =	shalt  }
0x53: {  	_ =	shalt  }
0x54: {  	_ =	shalt  }
0x55: {  	_ =	shalt  }
0x56: {  	_ =	shalt  }
0x57: {  	_ =	shalt  }
0x58: {  	_ =	shalt  }
0x59: {  	_ =	shalt  }
0x5a: {  	_ =	shalt  }
0x5b: {  	_ =	shalt  }
0x5c: {  	_ =	shalt  }
0x5d: {  	_ =	shalt  }
0x5e: {  	_ =	shalt  }
0x5f: {  	_ =	shalt  }
0x60: {  	_ =	shalt  }
0x61: {  	_ =	shalt  }
0x62: {  	_ =	shalt  }
0x63: {  	_ =	shalt  }
0x64: {  	_ =	shalt  }
0x65: {  	_ =	shalt  }
0x66: {  	_ =	shalt  }
0x67: {  	_ =	shalt  }
0x68: {  	_ =	shalt  }
0x69: {  	_ =	shalt  }
0x6a: {  	_ =	shalt  }
0x6b: {  	_ =	shalt  }
0x6c: {  	_ =	shalt  }
0x6d: {  	_ =	shalt  }
0x6e: {  	_ =	shalt  }
0x6f: {  	_ =	shalt  }
0x70: {  	_ =	shalt  }
0x71: {  	_ =	shalt  }
0x72: {  	_ =	shalt  }
0x73: {  	_ =	shalt  }
0x74: {  	_ =	shalt  }
0x75: {  	_ =	shalt  }
0x76: {  	_ =	shalt  }
0x77: {  	_ =	shalt  }
0x78: {  	_ =	shalt  }
0x79: {  	_ =	shalt  }
0x7a: {  	_ =	shalt  }
0x7b: {  	_ =	shalt  }
0x7c: {  	_ =	shalt  }
0x7d: {  	_ =	shalt  }
0x7e: {  	_ =	shalt  }
0x7f: {  	_ =	shalt  }
0x80: {  	_ =	shalt  }
0x81: {  	_ =	shalt  }
0x82: {  	_ =	shalt  }
0x83: {  	_ =	shalt  }
0x84: {  	_ =	shalt  }
0x85: {  	_ =	shalt  }
0x86: {  	_ =	shalt  }
0x87: {  	_ =	shalt  }
.Lfunc_end0:
.L_simem_size_0:
called_computation_lowered:
.L_overlay_start_0:
0x88: {  	s2 =	sld [smem:$0x3FD9]  }
0x89: {  	s3 =	sld [smem:$0x3FFE];
	_ =	sdelay $0x1  }
0x8a: {  	s1 =	srdreg.scid  }
0x8b: {  	s0 =	sand.u32 $0x1, s1  }
0x8c: {  	s17 =	sshll.u32 s0, $0xA;
	s2 =	sadd.s32 s3, s2  }
0x8d: {  	s2 =	sadd.s32 s2, s17  }
0x8e: {  	[smem:$0x3FC0] =	sst s2  }
0x8f: {  	_ = 	snop  }
0x90: {  	s2 =	sld [smem:$0x3FD0];
	(tm) =	ssettm $0x1  }
0x91: {  	s18 =	sld [smem:$0x3FFB];
	_ =	sdelay $0x3  }
0x92: {  	_ =	strace s18  }
0x93: {  	s3 =	sld [smem:$0x3FFC];
	_ =	sdelay $0x3  }
0x94: {  	_ =	strace s3  }
0x95: {  	s3 =	sld [smem:$0x3FFD];
	_ =	sdelay $0x3  }
0x96: {  	_ =	strace s3  }
0x97: {  	_ =	strace $0x8FFFFFFF  }
0x98: {  	s19 =	sld [smem:$0x3FDB];
	_ =	sdelay $0x1  }
0x99: {  	s4 =	simm.s32 $_scs_section_size  }
0x9a: {  	s5 =	simm.s32 $_size__tile_overlayer_lowered;
	s6 =	simm.s32 $_tile_overlayer_lowered  }
0x9b: {  	s22 =	simm.s32 $0x1BFF;
	s21 =	sshll.u32 s6, $0x1;
	s3 =	sadd.s32 s4, s19  }
0x9c: {  	s7 =	simm.s32 $0x0;
	s20 =	sshll.u32 s5, $0x1;
	s5 =	sadd.s32 s21, s3  }
0x9d: {  	[timem:s7], [sflag:s22] =	dma.local [hbm:s5], s20  }
0x9e: {  	_ =	swait.ge [sflag:s22], s20  }
0x9f: {  	s4 =	ssub.s32 $0x0, s20;
	[sflag:s22] =	ssyncset.done $0x0  }
0xa0: {  	[sflag:s22] =	ssyncadd.s32 s4;
	_ =	sdelay $0x1  }
0xa1: {  	s23 =	simm.s32 $0x1B8B  }
0xa2: {  	_ =	swait.ge [sflag:s23], $0x1  }
0xa3: {  	[sflag:s23] =	ssyncset.done $0x0  }
0xa4: {  	s25 =	simm.s32 $0x1B8E;
	s24 =	sld [smem:$0x3FFE];
	[sflag:s23] =	ssyncadd.s32 $0xFFFFFFFF  }
0xa5: {  	s26 =	simm.s32 $execute0_lowered;
	[smem:$0x3FD2] =	sst s25  }
0xa6: {  	s5 =	sshll.u32 s26, $0x1;
	_ =	strace $0x80000046;
	[dreg:$0x1] =	wrdreg $0xFFFFFFFF  }
0xa7: {  	s28 =	simm.s32 $_size_execute0_lowered;
	s3 =	sadd.s32 s3, s5;
	[dreg:$0x0] =	wrdreg $0x0  }
0xa8: {  	s5 =	sshll.u32 s28, $0x1;
	[dreg:$0x2] =	wrdreg s3  }
0xa9: {  	[dreg:$0x3] =	wrdreg s5  }
0xaa: {  	[dreg:$0x4] =	wrdreg $0xC0  }
0xab: {  	_ =	task [dreg:s7], $0x5FFFF  }
0xac: {  	[dreg:$0x1] =	wrdreg $0xFFFFFFFF  }
0xad: {  	[dreg:$0x0] =	wrdreg $0x60  }
0xae: {  	[dreg:$0x2] =	wrdreg s2  }
0xaf: {  	[dreg:$0x3] =	wrdreg s24  }
0xb0: {  	[dreg:$0x4] =	wrdreg $0x128000  }
0xb1: {  	[dreg:$0x5] =	wrdreg $0x1D0000  }
0xb2: {  	[dreg:$0x6] =	wrdreg $0x9  }
0xb3: {  	_ =	task.clear_ibuf [dreg:s7], $0x7FFFF;
	_ =	strace $0x90000046  }
0xb4: {  	s29 =	simm.s32 $0x9;
	_ =	strace $0x80000048  }
0xb5: {  	_ =	swait.ge [sflag:s29], $0x1  }
0xb6: {  	[sflag:s29] =	ssyncadd.s32 $0xFFFFFFFF  }
0xb7: {  	_ =	strace $0x90000048  }
0xb8: {  	_ =	sfence  }
0xb9: {  	s30 =	sld [smem:$0x0];
	_ =	sdelay $0x2  }
0xba: {  	s31 =	sshll.u32 s1, $0xD;
	s1 =	sshrl.u32 s1, $0x2  }
0xbb: {  	s3 =	sand.u32 $0x4000, s31;
	s1 =	sadd.s32 s1, s30  }
0xbc: {  	s0 =	sor.u32 s3, s0;
	s1 =	sshll.u32 s1, $0x11  }
0xbd: {  	s0 =	sor.u32 s1, s0  }
0xbe: {  	s0 =	sadd.s32 $0x8F2B, s0  }
0xbf: {  	[sflag:s0] =	ssyncadd.remote.s32 $0x1  }
0xc0: {  	_ =	sfence.sel $0xFFFF  }
0xc1: {  	[dreg:$0x0] =	wrdreg $0xFFFFFFFF;
	(pc) =	sbr.abs _section_cstart, $3  }
0xc2: {  	[dreg:$0x1] =	wrdreg $0xFFFFFFFF  }
0xc3: {  	_ =	task.clear_ibuf [dreg:s7], $0x2FFFF;
	_ =	strace $0x9FFFFFFF  }
0xc4: {  	(tm) =	ssettm $0x7FFFFFFF  }
0xc5: {  	_ =	shalt  }
tec
execute0_lowered:
.L_overlay_start_1:
0x0: {  	(tag) =	ssettag $0x1  }
0x1: {  	s1 =	rddreg [dreg:$0x0]  }
0x2: {  	s0 =	rddreg [dreg:$0x1]  }
0x3: {  	s2 =	rddreg [dreg:$0x2]  }
0x4: {  	s3 =	rddreg [dreg:$0x3];
	s20 =	simm.s32 $0x0  }
0x5: {  	s4 =	srdreg.scid;
	s19 =	stileid.u32;
	s29 =	simm.s32 $0x2  }
0x6: {  	s30 =	simm.s32 $0x3;
	s31 =	simm.s32 $0x4;
	s28 =	simm.s32 $0x0  }
0x7: {  	[smem:$0x7FF] =	sst s20;
	s5 =	sadd.s32 $0x1800, s0;
	s4 =	sand.u32 $0x1, s4  }
0x8: {  	s6 =	sadd.s32 $0x15800, s0;
	s8 =	sadd.s32 $0x1F800, s0;
	s12 =	smul.u32 $0x28000, s19  }
0x9: {  	_ =	strace $0x80000047;
	[dreg:$0x5] =	wrdreg s5;
	s5 =	smul.u32 $0x280, s19  }
0xa: {  	s26 =	sadd.s32 $0x2A000, s0;
	s10 =	sadd.s32 $0x20000, s0;
	s7 =	smul.u32 $0x2800, s4  }
0xb: {  	s23 =	smul.u32 $0xA000, s19;
	[dreg:$0x6] =	wrdreg s6;
	s25 =	ssub.s32 $0x2, s4  }
0xc: {  	[dreg:$0x7] =	wrdreg s8;
	s9 =	sshrl.u32 s25, $0x1;
	s7 =	sadd.s32 s5, s7  }
0xd: {  	s4 =	sshll.u32 s4, $0x4;
	s6 =	ssub.s32 s25, s9;
	s16 =	sshll.u32 s7, $0x3  }
0xe: {  	s11 =	sadd.s32 $0x80, s7;
	s13 =	sshll.u32 s7, $0x1;
	s21 =	sadd.s32 $0x100, s7  }
0xf: {  	s14 =	sadd.s32 $0x180, s7;
	s7 =	sadd.s32 $0x200, s7;
	s9 =	sadd.s32 s26, s16  }
0x10: {  	s17 =	sshll.u32 s11, $0x3;
	s18 =	sshll.u32 s11, $0x1;
	s15 =	sshll.u32 s21, $0x3  }
0x11: {  	s16 =	sshll.u32 s14, $0x3;
	s13 =	sadd.s32 s10, s13;
	s24 =	sshll.u32 s21, $0x1  }
0x12: {  	s25 =	sshll.u32 s14, $0x1;
	s11 =	sshrl.u32 s12, $0x2;
	s12 =	sshrl.u32 s23, $0x2  }
0x13: {  	s14 =	sadd.s32 $0x80, s5;
	s21 =	sadd.s32 $0x180, s5;
	[dreg:$0x8] =	wrdreg s9  }
0x14: {  	s9 =	sadd.s32 s26, s17;
	s17 =	sshll.u32 s7, $0x3;
	s15 =	sadd.s32 s26, s15  }
0x15: {  	s22 =	sadd.s32 s26, s16;
	[dreg:$0xd] =	wrdreg s13;
	s7 =	sshll.u32 s7, $0x1  }
0x16: {  	s13 =	sadd.s32 s12, s3;
	s16 =	sadd.s32 $0x100, s5;
	[dreg:$0x9] =	wrdreg s9  }
0x17: {  	s23 =	sshll.u32 s21, $0x6;
	s12 =	simm.s32 $0x11;
	[dreg:$0xa] =	wrdreg s15  }
0x18: {  	[dreg:$0xb] =	wrdreg s22;
	s8 =	sadd.s32 s26, s17;
	s9 =	sadd.s32 s10, s18  }
0x19: {  	s26 =	sadd.s32 s10, s25;
	s7 =	sadd.s32 s10, s7;
	[dreg:$0x16] =	wrdreg s13  }
0x1a: {  	s15 =	sshll.u32 s14, $0x6;
	s17 =	sshll.u32 s16, $0x6;
	s18 =	sshll.u32 s16, $0x4  }
0x1b: {  	s22 =	sadd.s32 $0x200, s5;
	s5 =	sadd.s32 s23, s2;
	[dreg:$0xc] =	wrdreg s8  }
0x1c: {  	s25 =	smax.u32 s6, $0x1;
	s13 =	simm.s32 $0x80;
	[dreg:$0xe] =	wrdreg s9  }
0x1d: {  	s23 =	simm.s32 $0xB;
	s6 =	simm.s32 $0x8;
	[dreg:$0x10] =	wrdreg s26  }
0x1e: {  	s9 =	sadd.s32 s10, s24;
	[dreg:$0x11] =	wrdreg s7;
	s10 =	sor.u32 s19, s4  }
0x1f: {  	s4 =	sadd.s32 s15, s2;
	[dreg:$0x1b] =	wrdreg s5;
	s24 =	sshll.u32 s22, $0x6  }
0x20: {  	[dreg:$0x1f] =	wrdreg s25;
	s26 =	smul.u32 $0xA0, s19;
	s5 =	simm.s32 $0x9  }
0x21: {  	s15 =	simm.s32 $0x6;
	s19 =	simm.s32 $0x12;
	[dreg:$0xf] =	wrdreg s9  }
0x22: {  	s25 =	simm.s32 $0x13;
	s9 =	sadd.s32 $0x1FC00, s0;
	[dreg:$0x17] =	wrdreg s4  }
0x23: {  	s7 =	simm.s32 $0xC;
	s0 =	sadd.s32 $0x1FE00, s0;
	[dreg:$0x12] =	wrdreg s9  }
0x24: {  	s8 =	simm.s32 $0xE;
	s4 =	sshll.u32 s21, $0x4;
	[dreg:$0x13] =	wrdreg s0  }
0x25: {  	s24 =	sadd.s32 s24, s2;
	s0 =	smul.u32 $0xA0, s10;
	[smem:$0x7FD] =	sst s26  }
0x26: {  	s21 =	simm.s32 $0x14;
	s4 =	sadd.s32 s4, s3;
	[dreg:$0x1d] =	wrdreg s24  }
0x27: {  	s26 =	simm.s32 $0x2800;
	[dreg:$0x14] =	wrdreg s0;
	s0 =	sadd.s32 s11, s2  }
0x28: {  	s10 =	simm.s32 $0x16;
	[dreg:$0x15] =	wrdreg s0;
	s0 =	sshll.u32 s14, $0x4  }
0x29: {  	s9 =	simm.s32 $0x18;
	[dreg:$0x1c] =	wrdreg s4;
	s0 =	sadd.s32 s0, s3  }
.Ltmp0:
0x2a: {  	[dreg:$0x18] =	wrdreg s0;
	s0 =	sadd.s32 s17, s2;
	(pc) =	sbr.rel .LBB2_1-.Ltmp0, $4  }
0x2b: {  	s4 =	simm.s32 $0x7;
	[dreg:$0x19] =	wrdreg s0;
	s0 =	sadd.s32 s18, s3  }
0x2c: {  	s11 =	simm.s32 $0x1C800;
	[dreg:$0x1a] =	wrdreg s0;
	s0 =	sshll.u32 s22, $0x4  }
0x2d: {  	s14 =	simm.s32 $0x10;
	s17 =	simm.s32 $0xA;
	s18 =	sadd.s32 s0, s3  }
0x2e: {  	s22 =	simm.s32 $0x19;
	s0 =	simm.s32 $0x5;
	[dreg:$0x1e] =	wrdreg s18  }
.LBB2_6:
0x2f: {  	[bflag:$0x0] =	sbarrier.arrive $0xFFFF  }
0x30: {  	s16 =	rddreg [dreg:$0x15]  }
0x31: {  	[tilespmem:s22], [sflag:$0x19] =	stream.linear.gather [spmem:s16], $0x2000, $0x38;
	[tilespmem:$0x1F800] =	vst v63  }
0x32: {  	_ =	swait.ge [sflag:s24], $0x2000  }
0x33: {  	[sflag:s24] =	ssyncset.done $0x0  }
0x34: {  	s20 =	simm.s32 $0x0;
	s26 =	rddreg [dreg:$0x8];
	[sflag:s24] =	ssyncadd.s32 $0xFFFFE000  }
0x35: {  	[hbm4b:s26+s20] =	stream.linear.scatter [tilespmem:s22], [sflag:$0x19], $0x2000, $0x38;
	[tilespmem:$0x1F800] =	vst v63  }
0x36: {  	_ =	swait.ge [sflag:s24], $0x2000  }
0x37: {  	[sflag:s24] =	ssyncset.done $0x0  }
0x38: {  	s18 =	rddreg [dreg:$0x16];
	[sflag:s24] =	ssyncadd.s32 $0xFFFFE000  }
0x39: {  	[tilespmem:s11], [sflag:$0x19] =	stream.linear.gather [spmem:s18], $0x800, $0x38;
	[tilespmem:$0x1F800] =	vst v63  }
0x3a: {  	_ =	swait.ge [sflag:s24], $0x800  }
0x3b: {  	[sflag:s24] =	ssyncset.done $0x0  }
0x3c: {  	s26 =	rddreg [dreg:$0xd];
	[sflag:s24] =	ssyncadd.s32 $0xFFFFF800  }
0x3d: {  	[hbm4b:s26+s20] =	stream.linear.scatter [tilespmem:s11], [sflag:$0x19], $0x800, $0x38;
	[tilespmem:$0x1F800] =	vst v63  }
0x3e: {  	_ =	swait.ge [sflag:s24], $0x800  }
0x3f: {  	[sflag:s24] =	ssyncset.done $0x0  }
0x40: {  	s18 =	rddreg [dreg:$0x17];
	[sflag:s24] =	ssyncadd.s32 $0xFFFFF800  }
0x41: {  	[tilespmem:s22], [sflag:$0x19] =	stream.linear.gather [spmem:s18], $0x2000, $0x38;
	[tilespmem:$0x1F800] =	vst v63  }
0x42: {  	_ =	swait.ge [sflag:s24], $0x2000  }
0x43: {  	[sflag:s24] =	ssyncset.done $0x0  }
0x44: {  	s26 =	rddreg [dreg:$0x9];
	[sflag:s24] =	ssyncadd.s32 $0xFFFFE000  }
0x45: {  	[hbm4b:s26+s20] =	stream.linear.scatter [tilespmem:s22], [sflag:$0x19], $0x2000, $0x38;
	[tilespmem:$0x1F800] =	vst v63  }
0x46: {  	_ =	swait.ge [sflag:s24], $0x2000  }
0x47: {  	[sflag:s24] =	ssyncset.done $0x0  }
0x48: {  	s18 =	rddreg [dreg:$0x18];
	[sflag:s24] =	ssyncadd.s32 $0xFFFFE000  }
0x49: {  	[tilespmem:s11], [sflag:$0x19] =	stream.linear.gather [spmem:s18], $0x800, $0x38;
	[tilespmem:$0x1F800] =	vst v63  }
0x4a: {  	_ =	swait.ge [sflag:s24], $0x800  }
0x4b: {  	[sflag:s24] =	ssyncset.done $0x0  }
0x4c: {  	s26 =	rddreg [dreg:$0xe];
	[sflag:s24] =	ssyncadd.s32 $0xFFFFF800  }
0x4d: {  	[hbm4b:s26+s20] =	stream.linear.scatter [tilespmem:s11], [sflag:$0x19], $0x800, $0x38;
	[tilespmem:$0x1F800] =	vst v63  }
0x4e: {  	_ =	swait.ge [sflag:s24], $0x800  }
0x4f: {  	[sflag:s24] =	ssyncset.done $0x0  }
0x50: {  	s18 =	rddreg [dreg:$0x19];
	[sflag:s24] =	ssyncadd.s32 $0xFFFFF800  }
0x51: {  	[tilespmem:s22], [sflag:$0x19] =	stream.linear.gather [spmem:s18], $0x2000, $0x38;
	[tilespmem:$0x1F800] =	vst v63  }
0x52: {  	_ =	swait.ge [sflag:s24], $0x2000  }
0x53: {  	[sflag:s24] =	ssyncset.done $0x0  }
0x54: {  	s26 =	rddreg [dreg:$0xa];
	[sflag:s24] =	ssyncadd.s32 $0xFFFFE000  }
0x55: {  	[hbm4b:s26+s20] =	stream.linear.scatter [tilespmem:s22], [sflag:$0x19], $0x2000, $0x38;
	[tilespmem:$0x1F800] =	vst v63  }
0x56: {  	_ =	swait.ge [sflag:s24], $0x2000  }
0x57: {  	[sflag:s24] =	ssyncset.done $0x0  }
0x58: {  	s18 =	rddreg [dreg:$0x1a];
	[sflag:s24] =	ssyncadd.s32 $0xFFFFE000  }
0x59: {  	[tilespmem:s11], [sflag:$0x19] =	stream.linear.gather [spmem:s18], $0x800, $0x38;
	[tilespmem:$0x1F800] =	vst v63  }
0x5a: {  	_ =	swait.ge [sflag:s24], $0x800  }
0x5b: {  	[sflag:s24] =	ssyncset.done $0x0  }
0x5c: {  	s26 =	rddreg [dreg:$0xf];
	[sflag:s24] =	ssyncadd.s32 $0xFFFFF800  }
0x5d: {  	[hbm4b:s26+s20] =	stream.linear.scatter [tilespmem:s11], [sflag:$0x19], $0x800, $0x38;
	[tilespmem:$0x1F800] =	vst v63  }
0x5e: {  	_ =	swait.ge [sflag:s24], $0x800  }
0x5f: {  	[sflag:s24] =	ssyncset.done $0x0  }
0x60: {  	s18 =	rddreg [dreg:$0x1b];
	[sflag:s24] =	ssyncadd.s32 $0xFFFFF800  }
0x61: {  	[tilespmem:s22], [sflag:$0x19] =	stream.linear.gather [spmem:s18], $0x2000, $0x38;
	[tilespmem:$0x1F800] =	vst v63  }
0x62: {  	_ =	swait.ge [sflag:s24], $0x2000  }
0x63: {  	[sflag:s24] =	ssyncset.done $0x0  }
0x64: {  	s26 =	rddreg [dreg:$0xb];
	[sflag:s24] =	ssyncadd.s32 $0xFFFFE000  }
0x65: {  	[hbm4b:s26+s20] =	stream.linear.scatter [tilespmem:s22], [sflag:$0x19], $0x2000, $0x38;
	[tilespmem:$0x1F800] =	vst v63  }
0x66: {  	_ =	swait.ge [sflag:s24], $0x2000  }
0x67: {  	[sflag:s24] =	ssyncset.done $0x0  }
0x68: {  	s18 =	rddreg [dreg:$0x1c];
	[sflag:s24] =	ssyncadd.s32 $0xFFFFE000  }
0x69: {  	[tilespmem:s11], [sflag:$0x19] =	stream.linear.gather [spmem:s18], $0x800, $0x38;
	[tilespmem:$0x1F800] =	vst v63  }
0x6a: {  	_ =	swait.ge [sflag:s24], $0x800  }
0x6b: {  	[sflag:s24] =	ssyncset.done $0x0  }
0x6c: {  	s22 =	rddreg [dreg:$0x10];
	[sflag:s24] =	ssyncadd.s32 $0xFFFFF800  }
0x6d: {  	[hbm4b:s22+s20] =	stream.linear.scatter [tilespmem:s11], [sflag:$0x19], $0x800, $0x38;
	[tilespmem:$0x1F800] =	vst v63  }
0x6e: {  	_ =	swait.ge [sflag:s24], $0x800  }
0x6f: {  	s26 =	simm.s32 $0x2800;
	[sflag:s24] =	ssyncset.done $0x0  }
0x70: {  	s22 =	simm.s32 $0x19;
	[sflag:s24] =	ssyncadd.s32 $0xFFFFF800;
	s24 =	rddreg [dreg:$0x1d]  }
0x71: {  	[tilespmem:s26], [sflag:$0x19] =	stream.linear.gather [spmem:s24], $0x2000, $0x38;
	[tilespmem:$0x1F800] =	vst v63  }
0x72: {  	_ =	swait.ge [sflag:s22], $0x2000  }
0x73: {  	[sflag:s22] =	ssyncset.done $0x0  }
0x74: {  	s18 =	rddreg [dreg:$0xc];
	[sflag:s22] =	ssyncadd.s32 $0xFFFFE000  }
0x75: {  	[hbm4b:s18+s20] =	stream.linear.scatter [tilespmem:s26], [sflag:$0x19], $0x2000, $0x38;
	[tilespmem:$0x1F800] =	vst v63  }
0x76: {  	_ =	swait.ge [sflag:s22], $0x2000  }
0x77: {  	[sflag:s22] =	ssyncset.done $0x0  }
0x78: {  	s18 =	rddreg [dreg:$0x1e];
	[sflag:s22] =	ssyncadd.s32 $0xFFFFE000  }
0x79: {  	[tilespmem:s11], [sflag:$0x19] =	stream.linear.gather [spmem:s18], $0x800, $0x38;
	[tilespmem:$0x1F800] =	vst v63  }
0x7a: {  	_ =	swait.ge [sflag:s22], $0x800  }
0x7b: {  	[sflag:s22] =	ssyncset.done $0x0  }
0x7c: {  	s16 =	rddreg [dreg:$0x11];
	[sflag:s22] =	ssyncadd.s32 $0xFFFFF800  }
0x7d: {  	[hbm4b:s16+s20] =	stream.linear.scatter [tilespmem:s11], [sflag:$0x19], $0x800, $0x38;
	[tilespmem:$0x1F800] =	vst v63  }
0x7e: {  	_ =	swait.ge [sflag:s22], $0x800  }
0x7f: {  	s28 =	sld [smem:$0x7FC];
	_ =	sdelay $0x2  }
0x80: {  	s16 =	rddreg [dreg:$0x1f];
	s28 =	sadd.s32 $0x1, s28  }
0x81: {  	p0 =	sne.s32 s28, s16  }
.Ltmp1:
0x82: {  	_ = 	snop;
	(pc) =	sbr.rel @!p0 .LBB2_7-.Ltmp1, $3  }
0x83: {  	_ =	sdelay $0x1  }
0x84: {  	[sflag:s22] =	ssyncset.done $0x0  }
0x85: {  	[sflag:s22] =	ssyncadd.s32 $0xFFFFF800  }
.LBB2_1:
0x86: {  	[smem:$0x7FC] =	sst s28  }
0x87: {  	s16 =	rddreg [dreg:$0x7]  }
0x88: {  	[tilespmem:s26], [sflag:$0x19] =	stream.linear.gather [hbm4b:s16+s20], $0x2000, $0x38;
	[tilespmem:$0x1F800] =	vst v63  }
0x89: {  	_ =	swait.ge [sflag:s22], $0x2000  }
0x8a: {  	[sflag:s22] =	ssyncset.done $0x0  }
0x8b: {  	s28 =	rddreg [dreg:$0x12];
	[sflag:s22] =	ssyncadd.s32 $0xFFFFE000  }
0x8c: {  	[tilespmem:s11], [sflag:$0x19] =	stream.linear.gather [hbm4b:s28+s20], $0x800, $0x38;
	[tilespmem:$0x1F800] =	vst v63  }
0x8d: {  	_ =	swait.ge [sflag:s22], $0x800  }
0x8e: {  	[sflag:s22] =	ssyncset.done $0x0  }
0x8f: {  	s28 =	rddreg [dreg:$0x15];
	[sflag:s22] =	ssyncadd.s32 $0xFFFFF800  }
0x90: {  	[spmem:s28] =	stream.linear.scatter [tilespmem:s26], [sflag:$0x19], $0x2000, $0x38;
	[tilespmem:$0x1F800] =	vst v63  }
0x91: {  	_ =	swait.ge [sflag:s22], $0x2000  }
0x92: {  	[sflag:s22] =	ssyncset.done $0x0  }
0x93: {  	s28 =	rddreg [dreg:$0x16];
	[sflag:s22] =	ssyncadd.s32 $0xFFFFE000  }
0x94: {  	[spmem:s28] =	stream.linear.scatter [tilespmem:s11], [sflag:$0x19], $0x800, $0x38;
	[tilespmem:$0x1F800] =	vst v63  }
0x95: {  	_ =	swait.ge [sflag:s22], $0x800  }
0x96: {  	[sflag:s22] =	ssyncset.done $0x0  }
0x97: {  	s28 =	rddreg [dreg:$0x17];
	[sflag:s22] =	ssyncadd.s32 $0xFFFFF800  }
0x98: {  	[spmem:s28] =	stream.linear.scatter [tilespmem:s26], [sflag:$0x19], $0x2000, $0x38;
	[tilespmem:$0x1F800] =	vst v63  }
0x99: {  	_ =	swait.ge [sflag:s22], $0x2000  }
0x9a: {  	[sflag:s22] =	ssyncset.done $0x0  }
0x9b: {  	s28 =	rddreg [dreg:$0x18];
	[sflag:s22] =	ssyncadd.s32 $0xFFFFE000  }
0x9c: {  	[spmem:s28] =	stream.linear.scatter [tilespmem:s11], [sflag:$0x19], $0x800, $0x38;
	[tilespmem:$0x1F800] =	vst v63  }
0x9d: {  	_ =	swait.ge [sflag:s22], $0x800  }
0x9e: {  	[sflag:s22] =	ssyncset.done $0x0  }
0x9f: {  	s28 =	rddreg [dreg:$0x19];
	[sflag:s22] =	ssyncadd.s32 $0xFFFFF800  }
0xa0: {  	[spmem:s28] =	stream.linear.scatter [tilespmem:s26], [sflag:$0x19], $0x2000, $0x38;
	[tilespmem:$0x1F800] =	vst v63  }
0xa1: {  	_ =	swait.ge [sflag:s22], $0x2000  }
0xa2: {  	[sflag:s22] =	ssyncset.done $0x0  }
0xa3: {  	s28 =	rddreg [dreg:$0x1a];
	[sflag:s22] =	ssyncadd.s32 $0xFFFFE000  }
0xa4: {  	[spmem:s28] =	stream.linear.scatter [tilespmem:s11], [sflag:$0x19], $0x800, $0x38;
	[tilespmem:$0x1F800] =	vst v63  }
0xa5: {  	_ =	swait.ge [sflag:s22], $0x800  }
0xa6: {  	[sflag:s22] =	ssyncset.done $0x0  }
0xa7: {  	s28 =	rddreg [dreg:$0x1b];
	[sflag:s22] =	ssyncadd.s32 $0xFFFFF800  }
0xa8: {  	[spmem:s28] =	stream.linear.scatter [tilespmem:s26], [sflag:$0x19], $0x2000, $0x38;
	[tilespmem:$0x1F800] =	vst v63  }
0xa9: {  	_ =	swait.ge [sflag:s22], $0x2000  }
0xaa: {  	[sflag:s22] =	ssyncset.done $0x0  }
0xab: {  	s28 =	rddreg [dreg:$0x1c];
	[sflag:s22] =	ssyncadd.s32 $0xFFFFE000  }
0xac: {  	[spmem:s28] =	stream.linear.scatter [tilespmem:s11], [sflag:$0x19], $0x800, $0x38;
	[tilespmem:$0x1F800] =	vst v63  }
0xad: {  	_ =	swait.ge [sflag:s22], $0x800  }
0xae: {  	[sflag:s22] =	ssyncset.done $0x0  }
0xaf: {  	[sflag:s22] =	ssyncadd.s32 $0xFFFFF800  }
0xb0: {  	[spmem:s24] =	stream.linear.scatter [tilespmem:s26], [sflag:$0x19], $0x2000, $0x38;
	[tilespmem:$0x1F800] =	vst v63  }
0xb1: {  	_ =	swait.ge [sflag:s22], $0x2000  }
0xb2: {  	[sflag:s22] =	ssyncset.done $0x0  }
0xb3: {  	[sflag:s22] =	ssyncadd.s32 $0xFFFFE000  }
0xb4: {  	[spmem:s18] =	stream.linear.scatter [tilespmem:s11], [sflag:$0x19], $0x800, $0x38;
	[tilespmem:$0x1F800] =	vst v63  }
0xb5: {  	_ =	swait.ge [sflag:s22], $0x800  }
0xb6: {  	[sflag:s22] =	ssyncset.done $0x0  }
0xb7: {  	s28 =	rddreg [dreg:$0x13];
	[sflag:s22] =	ssyncadd.s32 $0xFFFFF800  }
0xb8: {  	[tilespmem:s11], [sflag:$0x19] =	stream.linear.gather [hbm4b:s28+s20], $0x800, $0x38;
	[tilespmem:$0x1F800] =	vst v63  }
.Ltmp2:
0xb9: {  	_ =	swait.ge [sflag:s22], $0x800;
	(pc) =	sbr.rel .LBB2_2-.Ltmp2, $4  }
0xba: {  	[sflag:s22] =	ssyncset.done $0x0  }
0xbb: {  	[sflag:s22] =	ssyncadd.s32 $0xFFFFF800  }
0xbc: {  	s16 =	simm.s32 $0x0;
	[bflag:$0x0] =	sbarrier.arrive $0xFFFF  }
0xbd: {  	s24 =	simm.s32 $0x19;
	s26 =	simm.s32 $0x10800;
	s22 =	simm.s32 $0x2800  }
.LBB2_5:
0xbe: {  	s16 =	sld [smem:$0x7FB];
	_ =	sdelay $0x2  }
0xbf: {  	s16 =	sadd.s32 $0x1, s16  }
0xc0: {  	p0 =	sne.s32 s16, $0x4  }
.Ltmp3:
0xc1: {  	_ = 	snop;
	(pc) =	sbr.rel @!p0 .LBB2_6-.Ltmp3, $2  }
0xc2: {  	_ =	sdelay $0x2  }
0xc3: {  	s22 =	simm.s32 $0x2800;
	s24 =	simm.s32 $0x19;
	s26 =	simm.s32 $0x10800  }
.LBB2_2:
0xc4: {  	s18 =	smul.u32 $0x28, s16  }
0xc5: {  	s20 =	rddreg [dreg:$0x14]  }
0xc6: {  	[smem:$0x7FB] =	sst s16;
	s16 =	sadd.s32 s20, s18  }
0xc7: {  	s20 =	rddreg [dreg:$0x5];
	s16 =	sshll.u32 s16, $0x4  }
0xc8: {  	s20 =	sadd.s32 s20, s16;
	s16 =	simm.s32 $0x0  }
0xc9: {  	[tilespmem:s16], [sflag:$0x19] =	stream.linear.gather [hbm4b:s20+s16], $0x1400, $0x38;
	[tilespmem:$0x1F800] =	vst v63  }
0xca: {  	_ =	swait.ge [sflag:s24], $0x1400  }
0xcb: {  	s20 =	sld [smem:$0x7FD];
	_ =	sdelay $0x2  }
0xcc: {  	s18 =	sadd.s32 s20, s18  }
0xcd: {  	[sflag:s24] =	ssyncset.done $0x0;
	s20 =	rddreg [dreg:$0x6];
	s18 =	sshll.u32 s18, $0x4  }
0xce: {  	[sflag:s24] =	ssyncadd.s32 $0xFFFFEC00;
	s18 =	sadd.s32 s20, s18;
	s20 =	simm.s32 $0x1400  }
0xcf: {  	[tilespmem:s20], [sflag:$0x19] =	stream.linear.gather [hbm4b:s18+s16], $0x1400, $0x38;
	[tilespmem:$0x1F800] =	vst v63  }
0xd0: {  	_ =	swait.ge [sflag:s24], $0x1400  }
0xd1: {  	[sflag:s24] =	ssyncset.done $0x0  }
0xd2: {  	[sflag:s24] =	ssyncadd.s32 $0xFFFFEC00  }
0xd3: {  	[tilespmem:s22], [sflag:$0x1] =	stream.indirect.gather [hbm4b:s1+s13], $0x40, s16, s13, $0xb8;
	[tilespmem:$0x1F800] =	vst v63  }
0xd4: {  	s24 =	simm.s32 $0x4800  }
0xd5: {  	[tilespmem:s24], [sflag:$0x2] =	stream.indirect.gather [hbm4b:s1+s13], $0x40, s13, s13, $0xb8;
	[tilespmem:$0x1F800] =	vst v63  }
0xd6: {  	s20 =	simm.s32 $0x100;
	s24 =	simm.s32 $0x6800  }
0xd7: {  	[tilespmem:s24], [sflag:$0x3] =	stream.indirect.gather [hbm4b:s1+s13], $0x40, s20, s13, $0xb8;
	[tilespmem:$0x1F800] =	vst v63  }
0xd8: {  	s20 =	simm.s32 $0x180;
	s24 =	simm.s32 $0x8800  }
0xd9: {  	[tilespmem:s24], [sflag:$0x4] =	stream.indirect.gather [hbm4b:s1+s13], $0x40, s20, s13, $0xb8;
	[tilespmem:$0x1F800] =	vst v63  }
0xda: {  	s20 =	simm.s32 $0x200;
	s24 =	simm.s32 $0xA800  }
0xdb: {  	[tilespmem:s24], [sflag:$0x5] =	stream.indirect.gather [hbm4b:s1+s13], $0x40, s20, s13, $0xb8;
	[tilespmem:$0x1F800] =	vst v63  }
0xdc: {  	s20 =	simm.s32 $0x280;
	s24 =	simm.s32 $0xC800  }
0xdd: {  	[tilespmem:s24], [sflag:$0x6] =	stream.indirect.gather [hbm4b:s1+s13], $0x40, s20, s13, $0xb8;
	[tilespmem:$0x1F800] =	vst v63  }
0xde: {  	s20 =	simm.s32 $0x300;
	s24 =	simm.s32 $0xE800  }
0xdf: {  	[tilespmem:s24], [sflag:$0x7] =	stream.indirect.gather [hbm4b:s1+s13], $0x40, s20, s13, $0xb8;
	[tilespmem:$0x1F800] =	vst v63  }
0xe0: {  	s28 =	simm.s32 $0x10800;
	s24 =	simm.s32 $0x380  }
0xe1: {  	[tilespmem:s26], [sflag:$0x8] =	stream.indirect.gather [hbm4b:s1+s13], $0x40, s24, s13, $0xb8;
	[tilespmem:$0x1F800] =	vst v63  }
.LBB2_3:
0xe2: {  	s20 =	simm.s32 $0x1  }
0xe3: {  	_ =	swait.ge [sflag:s20], $0x2000  }
0xe4: {  	s18 =	sshra.s32 s16, $0x2;
	[sflag:s20] =	ssyncset.done $0x0  }
0xe5: {  	s24 =	sadd.s32 $0x1400, s18;
	[sflag:s20] =	ssyncadd.s32 $0xFFFFE000  }
0xe6: {  	[spmem:s2] =	stream.indirect.scatter.add.f32 [tilespmem:s22], [sflag:$0x9], $0x40, s24, s13, $0xb8;
	[tilespmem:$0x1F800] =	vst v63  }
0xe7: {  	_ = 	snop  }
0xe8: {  	[spmem:s3] =	stream.indirect.scatter.add.f32 [tilespmem:s11], [sflag:$0x11], $0x10, s24, s13, $0xb8;
	[tilespmem:$0x1F800] =	vst v63  }
0xe9: {  	_ =	swait.ge [sflag:s29], $0x2000  }
0xea: {  	[sflag:s29] =	ssyncset.done $0x0  }
0xeb: {  	s26 =	sadd.s32 $0x1480, s18;
	s24 =	simm.s32 $0x4800;
	[sflag:s29] =	ssyncadd.s32 $0xFFFFE000  }
0xec: {  	[spmem:s2] =	stream.indirect.scatter.add.f32 [tilespmem:s24], [sflag:$0xA], $0x40, s26, s13, $0xb8;
	[tilespmem:$0x1F800] =	vst v63  }
0xed: {  	_ = 	snop  }
0xee: {  	[spmem:s3] =	stream.indirect.scatter.add.f32 [tilespmem:s11], [sflag:$0x12], $0x10, s26, s13, $0xb8;
	[tilespmem:$0x1F800] =	vst v63  }
0xef: {  	_ =	swait.ge [sflag:s30], $0x2000  }
0xf0: {  	[sflag:s30] =	ssyncset.done $0x0  }
0xf1: {  	s24 =	simm.s32 $0x6800;
	s26 =	sadd.s32 $0x1500, s18;
	[sflag:s30] =	ssyncadd.s32 $0xFFFFE000  }
0xf2: {  	[spmem:s2] =	stream.indirect.scatter.add.f32 [tilespmem:s24], [sflag:$0xB], $0x40, s26, s13, $0xb8;
	[tilespmem:$0x1F800] =	vst v63  }
0xf3: {  	_ = 	snop  }
0xf4: {  	[spmem:s3] =	stream.indirect.scatter.add.f32 [tilespmem:s11], [sflag:$0x13], $0x10, s26, s13, $0xb8;
	[tilespmem:$0x1F800] =	vst v63  }
0xf5: {  	_ =	swait.ge [sflag:s31], $0x2000  }
0xf6: {  	[sflag:s31] =	ssyncset.done $0x0  }
0xf7: {  	s24 =	simm.s32 $0x8800;
	s26 =	sadd.s32 $0x1580, s18;
	[sflag:s31] =	ssyncadd.s32 $0xFFFFE000  }
0xf8: {  	[spmem:s2] =	stream.indirect.scatter.add.f32 [tilespmem:s24], [sflag:$0xC], $0x40, s26, s13, $0xb8;
	[tilespmem:$0x1F800] =	vst v63  }
0xf9: {  	_ = 	snop  }
0xfa: {  	[spmem:s3] =	stream.indirect.scatter.add.f32 [tilespmem:s11], [sflag:$0x14], $0x10, s26, s13, $0xb8;
	[tilespmem:$0x1F800] =	vst v63  }
0xfb: {  	_ =	swait.ge [sflag:s0], $0x2000  }
0xfc: {  	[sflag:s0] =	ssyncset.done $0x0  }
0xfd: {  	s24 =	simm.s32 $0xA800;
	s26 =	sadd.s32 $0x1600, s18;
	[sflag:s0] =	ssyncadd.s32 $0xFFFFE000  }
0xfe: {  	[spmem:s2] =	stream.indirect.scatter.add.f32 [tilespmem:s24], [sflag:$0xD], $0x40, s26, s13, $0xb8;
	[tilespmem:$0x1F800] =	vst v63  }
0xff: {  	_ = 	snop  }
0x100: {  	[spmem:s3] =	stream.indirect.scatter.add.f32 [tilespmem:s11], [sflag:$0x15], $0x10, s26, s13, $0xb8;
	[tilespmem:$0x1F800] =	vst v63  }
0x101: {  	_ =	swait.ge [sflag:s5], $0x2000  }
0x102: {  	[sflag:s5] =	ssyncset.done $0x0  }
0x103: {  	[sflag:s5] =	ssyncadd.s32 $0xFFFFE000  }
0x104: {  	p0 =	seq.s32 s16, $0x4000;
	_ =	swait.ge [sflag:s12], $0x800  }
0x105: {  	s20 =	sshra.s32 @!p0 s16, $0x2;
	s22 =	simm.s32 @!p0 $0x80;
	[sflag:s12] =	ssyncset.done $0x0  }
0x106: {  	s24 =	sadd.s32 @!p0 $0x400, s20;
	s26 =	simm.s32 @!p0 $0x2800;
	[sflag:s12] =	ssyncadd.s32 $0xFFFFF800  }
0x107: {  	[tilespmem:s26], [sflag:$0x1] =	stream.indirect.gather @!p0 [hbm4b:s1+s22], $0x40, s24, s22, $0xb8;
	[tilespmem:$0x1F800] =	vst v63  }
0x108: {  	_ =	swait.ge [sflag:s15], $0x2000  }
0x109: {  	[sflag:s15] =	ssyncset.done $0x0  }
0x10a: {  	s24 =	sadd.s32 $0x1680, s18;
	s26 =	simm.s32 $0xC800;
	[sflag:s15] =	ssyncadd.s32 $0xFFFFE000  }
0x10b: {  	[spmem:s2] =	stream.indirect.scatter.add.f32 [tilespmem:s26], [sflag:$0xE], $0x40, s24, s13, $0xb8;
	[tilespmem:$0x1F800] =	vst v63  }
0x10c: {  	_ = 	snop  }
0x10d: {  	[spmem:s3] =	stream.indirect.scatter.add.f32 [tilespmem:s11], [sflag:$0x16], $0x10, s24, s13, $0xb8;
	[tilespmem:$0x1F800] =	vst v63  }
0x10e: {  	_ =	swait.ge [sflag:s17], $0x2000  }
0x10f: {  	[sflag:s17] =	ssyncset.done $0x0  }
0x110: {  	[sflag:s17] =	ssyncadd.s32 $0xFFFFE000  }
0x111: {  	_ =	swait.ge [sflag:s19], $0x800  }
0x112: {  	[sflag:s19] =	ssyncset.done $0x0  }
0x113: {  	s26 =	simm.s32 @!p0 $0x4800;
	s24 =	sadd.s32 @!p0 $0x480, s20;
	[sflag:s19] =	ssyncadd.s32 $0xFFFFF800  }
0x114: {  	[tilespmem:s26], [sflag:$0x2] =	stream.indirect.gather @!p0 [hbm4b:s1+s22], $0x40, s24, s22, $0xb8;
	[tilespmem:$0x1F800] =	vst v63  }
0x115: {  	_ =	swait.ge [sflag:s4], $0x2000  }
0x116: {  	[sflag:s4] =	ssyncset.done $0x0  }
0x117: {  	s24 =	sadd.s32 $0x1700, s18;
	s26 =	simm.s32 $0xE800;
	[sflag:s4] =	ssyncadd.s32 $0xFFFFE000  }
0x118: {  	[spmem:s2] =	stream.indirect.scatter.add.f32 [tilespmem:s26], [sflag:$0xF], $0x40, s24, s13, $0xb8;
	[tilespmem:$0x1F800] =	vst v63  }
0x119: {  	_ = 	snop  }
0x11a: {  	[spmem:s3] =	stream.indirect.scatter.add.f32 [tilespmem:s11], [sflag:$0x17], $0x10, s24, s13, $0xb8;
	[tilespmem:$0x1F800] =	vst v63  }
0x11b: {  	_ =	swait.ge [sflag:s23], $0x2000  }
0x11c: {  	[sflag:s23] =	ssyncset.done $0x0  }
0x11d: {  	[sflag:s23] =	ssyncadd.s32 $0xFFFFE000  }
0x11e: {  	_ =	swait.ge [sflag:s25], $0x800  }
0x11f: {  	[sflag:s25] =	ssyncset.done $0x0  }
0x120: {  	s26 =	simm.s32 @!p0 $0x6800;
	s24 =	sadd.s32 @!p0 $0x500, s20;
	[sflag:s25] =	ssyncadd.s32 $0xFFFFF800  }
0x121: {  	[tilespmem:s26], [sflag:$0x3] =	stream.indirect.gather @!p0 [hbm4b:s1+s22], $0x40, s24, s22, $0xb8;
	[tilespmem:$0x1F800] =	vst v63  }
0x122: {  	_ =	swait.ge [sflag:s6], $0x2000  }
0x123: {  	[sflag:s6] =	ssyncset.done $0x0  }
0x124: {  	s26 =	sadd.s32 $0x1780, s18;
	[sflag:s6] =	ssyncadd.s32 $0xFFFFE000  }
0x125: {  	[spmem:s2] =	stream.indirect.scatter.add.f32 [tilespmem:s28], [sflag:$0x10], $0x40, s26, s13, $0xb8;
	[tilespmem:$0x1F800] =	vst v63  }
0x126: {  	_ = 	snop  }
0x127: {  	[spmem:s3] =	stream.indirect.scatter.add.f32 [tilespmem:s11], [sflag:$0x18], $0x10, s26, s13, $0xb8;
	[tilespmem:$0x1F800] =	vst v63  }
0x128: {  	_ =	swait.ge [sflag:s7], $0x2000  }
0x129: {  	[sflag:s7] =	ssyncset.done $0x0  }
0x12a: {  	[sflag:s7] =	ssyncadd.s32 $0xFFFFE000  }
0x12b: {  	_ =	swait.ge [sflag:s21], $0x800  }
0x12c: {  	[sflag:s21] =	ssyncset.done $0x0  }
0x12d: {  	s24 =	simm.s32 @p0 $0xD;
	[sflag:s21] =	ssyncadd.s32 $0xFFFFF800  }
0x12e: {  	_ =	swait.ge @p0 [sflag:s24], $0x2000  }
0x12f: {  	[sflag:s24] =	ssyncset.done @p0 $0x0  }
0x130: {  	[sflag:s24] =	ssyncadd.s32 @p0 $0xFFFFE000;
	s24 =	simm.s32 @p0 $0x15  }
0x131: {  	_ =	swait.ge @p0 [sflag:s24], $0x800  }
0x132: {  	[sflag:s24] =	ssyncset.done @p0 $0x0  }
0x133: {  	s26 =	simm.s32 @!p0 $0x8800;
	[sflag:s24] =	ssyncadd.s32 @p0 $0xFFFFF800;
	s24 =	sadd.s32 @!p0 $0x580, s20  }
0x134: {  	[tilespmem:s26], [sflag:$0x4] =	stream.indirect.gather @!p0 [hbm4b:s1+s22], $0x40, s24, s22, $0xb8;
	[tilespmem:$0x1F800] =	vst v63  }
0x135: {  	s24 =	simm.s32 @!p0 $0xD  }
0x136: {  	_ =	swait.ge @!p0 [sflag:s24], $0x2000  }
0x137: {  	[sflag:s24] =	ssyncset.done @!p0 $0x0  }
0x138: {  	[sflag:s24] =	ssyncadd.s32 @!p0 $0xFFFFE000;
	s24 =	simm.s32 @!p0 $0x15  }
0x139: {  	_ =	swait.ge @!p0 [sflag:s24], $0x800  }
0x13a: {  	[sflag:s24] =	ssyncset.done @!p0 $0x0  }
0x13b: {  	s26 =	simm.s32 @!p0 $0xA800;
	[sflag:s24] =	ssyncadd.s32 @!p0 $0xFFFFF800;
	s24 =	sadd.s32 @!p0 $0x600, s20  }
0x13c: {  	[tilespmem:s26], [sflag:$0x5] =	stream.indirect.gather @!p0 [hbm4b:s1+s22], $0x40, s24, s22, $0xb8;
	[tilespmem:$0x1F800] =	vst v63  }
0x13d: {  	_ =	swait.ge [sflag:s8], $0x2000  }
0x13e: {  	[sflag:s8] =	ssyncset.done $0x0  }
0x13f: {  	[sflag:s8] =	ssyncadd.s32 $0xFFFFE000  }
0x140: {  	_ =	swait.ge [sflag:s10], $0x800  }
0x141: {  	[sflag:s10] =	ssyncset.done $0x0  }
0x142: {  	s24 =	simm.s32 @p0 $0xF;
	[sflag:s10] =	ssyncadd.s32 $0xFFFFF800  }
0x143: {  	_ =	swait.ge @p0 [sflag:s24], $0x2000  }
0x144: {  	[sflag:s24] =	ssyncset.done @p0 $0x0  }
0x145: {  	[sflag:s24] =	ssyncadd.s32 @p0 $0xFFFFE000;
	s24 =	simm.s32 @p0 $0x17  }
0x146: {  	_ =	swait.ge @p0 [sflag:s24], $0x800  }
0x147: {  	[sflag:s24] =	ssyncset.done @p0 $0x0  }
0x148: {  	s26 =	simm.s32 @!p0 $0xC800;
	[sflag:s24] =	ssyncadd.s32 @p0 $0xFFFFF800;
	s24 =	sadd.s32 @!p0 $0x680, s20  }
0x149: {  	[tilespmem:s26], [sflag:$0x6] =	stream.indirect.gather @!p0 [hbm4b:s1+s22], $0x40, s24, s22, $0xb8;
	[tilespmem:$0x1F800] =	vst v63  }
0x14a: {  	s24 =	simm.s32 @!p0 $0xF  }
0x14b: {  	_ =	swait.ge @!p0 [sflag:s24], $0x2000  }
0x14c: {  	[sflag:s24] =	ssyncset.done @!p0 $0x0  }
0x14d: {  	[sflag:s24] =	ssyncadd.s32 @!p0 $0xFFFFE000;
	s24 =	simm.s32 @!p0 $0x17  }
0x14e: {  	_ =	swait.ge @!p0 [sflag:s24], $0x800  }
0x14f: {  	[sflag:s24] =	ssyncset.done @!p0 $0x0  }
0x150: {  	s20 =	sadd.s32 @!p0 $0x700, s20;
	[sflag:s24] =	ssyncadd.s32 @!p0 $0xFFFFF800;
	s24 =	simm.s32 @!p0 $0xE800  }
0x151: {  	[tilespmem:s24], [sflag:$0x7] =	stream.indirect.gather @!p0 [hbm4b:s1+s22], $0x40, s20, s22, $0xb8;
	[tilespmem:$0x1F800] =	vst v63  }
0x152: {  	_ =	swait.ge [sflag:s14], $0x2000  }
.Ltmp4:
0x153: {  	[sflag:s14] =	ssyncset.done $0x0;
	(pc) =	sbr.rel @p0 .LBB2_5-.Ltmp4, $4  }
0x154: {  	[sflag:s14] =	ssyncadd.s32 $0xFFFFE000  }
0x155: {  	_ =	swait.ge [sflag:s9], $0x800  }
0x156: {  	[sflag:s9] =	ssyncset.done $0x0  }
0x157: {  	[sflag:s9] =	ssyncadd.s32 $0xFFFFF800  }
.Ltmp5:
0x158: {  	(pc) =	sbr.rel .LBB2_3-.Ltmp5, $3  }
0x159: {  	_ =	sdelay $0x1  }
0x15a: {  	s18 =	sadd.s32 $0x780, s18;
	s16 =	sadd.s32 $0x1000, s16;
	s22 =	simm.s32 $0x2800  }
0x15b: {  	[tilespmem:s28], [sflag:$0x8] =	stream.indirect.gather [hbm4b:s1+s13], $0x40, s18, s13, $0xb8;
	[tilespmem:$0x1F800] =	vst v63  }
.LBB2_7:
0x15c: {  	_ =	sfence.sel $0x180000  }
0x15d: {  	[bflag:$0x0] =	sbarrier.arrive $0xFFFF  }
0x15e: {  	_ =	strace $0x90000047  }
0x15f: {  	s0 =	stileid.u32;
	[bflag:$0x2] =	sbarrier.arrive $0xFFFF  }
0x160: {  	p0 =	sne.s32 s0, $0x0;
	s0 =	rddreg [dreg:$0x4]  }
0x161: {  	s0 =	sadd.s32 @!p0 $0x100000, s0  }
0x162: {  	[sflag:s0] =	ssyncadd.tile.s32 @!p0 $0x1;
	_ =	shalt  }
.Lfunc_end2:
_tile_overlayer_lowered:
.L_overlay_start_2:
0x163: {  	(tag) =	ssettag $0x2  }
0x164: {  	s0 =	rddreg [dreg:$0x0];
	s2 =	stileid.u32  }
0x165: {  	s1 =	rddreg [dreg:$0x1];
	p0 =	sne.s32 s2, $0x0  }
0x166: {  	s3 =	rddreg [dreg:$0x2];
	[bflag:$0x3] =	sbarrier.arrive $0xFFFF;
	s2 =	simm.s32 @!p0 $0x1C19  }
0x167: {  	[timem:s3], [sflag:s2] =	dma.local @!p0 [hbm:s0], s1  }
0x168: {  	s0 =	simm.s32 @!p0 $0x19  }
0x169: {  	_ =	swait.ge @!p0 [sflag:s0], s1  }
0x16a: {  	s1 =	ssub.s32 @!p0 $0x0, s1;
	[sflag:s0] =	ssyncset.done @!p0 $0x0  }
0x16b: {  	[sflag:s0] =	ssyncadd.s32 @!p0 s1  }
0x16c: {  	[bflag:$0x3] =	sbarrier.arrive $0xFFFF  }
0x16d: {  	_ =	shalt  }

// kernel: kernel.9.cloned.1.call-start
scs
__scs_entry_jumppad:
0x0: {  	(pc) =	sbr.rel $0x88, $3  }
0x1: {  	(tag) =	ssettag $0x0;
	lr =	simm.s32 $0x1  }
0x2: {  	[smem:$0x3F99] =	sst lr;
	_ =	strace $0xD0000000  }
0x3: {  	_ = 	snop  }
0x4: {  	_ = 	snop  }
0x5: {  	_ = 	snop  }
0x6: {  	_ = 	snop  }
0x7: {  	_ = 	snop  }
__scs_overlays_trampoline_lowered:
0x8: {  	[smem:$0x3FA8] =	sst s0  }
0x9: {  	[smem:$0x3FA9] =	sst s1  }
0xa: {  	[smem:$0x3FAA] =	sst s2  }
0xb: {  	[smem:$0x3FAB] =	sst s3  }
0xc: {  	[smem:$0x3FAC] =	sst s4  }
0xd: {  	[smem:$0x3FAD] =	sst s5  }
0xe: {  	[smem:$0x3FAE] =	sst s6  }
0xf: {  	[smem:$0x3FAF] =	sst s7  }
0x10: {  	[smem:$0x3FB0] =	sst s8  }
0x11: {  	[smem:$0x3FB1] =	sst s9;
	s0 =	simm.s32 @!p0 $0x0  }
0x12: {  	s1 =	sld [smem:$0x3F97];
	s0 =	simm.s32 @p0 $0x1  }
0x13: {  	[smem:$0x3FB2] =	sst s0;
	s0 =	simm.s32 @!p1 $0x0  }
0x14: {  	s2 =	sld [smem:$0x3F96];
	s0 =	simm.s32 @p1 $0x1  }
0x15: {  	[smem:$0x3FB3] =	sst s0;
	s0 =	simm.s32 @!p2 $0x0  }
0x16: {  	s3 =	sld [smem:$0x3FDB];
	s0 =	simm.s32 @p2 $0x1  }
0x17: {  	s4 =	simm.s32 $0x1BF5;
	[smem:$0x3FB5] =	sst s0  }
0x18: {  	s0 =	sld [smem:$0x3F98];
	_ =	swait.ge [sflag:s4], $0x0  }
0x19: {  	s7 =	sld [smem:$0x3F99]  }
0x1a: {  	s8 =	sadd.s32 $0xFFFFE003, lr  }
0x1b: {  	s9 =	sadd.s32 $0xFFFFFEF7, lr;
	s5 =	simm.s32 $0xFFFFFFFF;
	p2 =	slt.u32 s8, $0xFFFFF086  }
0x1c: {  	p1 =	slt.u32 s9, $0xF7A;
	s5 =	simm.s32 @!p2 $0x0  }
0x1d: {  	s5 =	simm.s32 @p1 $0x1;
	p0 =	seq.s32 s7, s2  }
0x1e: {  	s7 =	smul.u32 @!p0 $0xF7A, s2;
	p2 =	seq.s32 @!p0 s5, $0x0  }
0x1f: {  	s9 =	smul.u32 $0xF7A, s1;
	s8 =	simm.s32 @!p0 $0x1BF5;
	p2 =	por !p2, p0  }
0x20: {  	[sflag:s8] =	ssyncset.s32 @!p0 $0xFFFFF086;
	s6 =	sadd.s32 @!p0 s3, s7;
	s7 =	simm.s32 @!p0 $0x108  }
0x21: {  	s3 =	sadd.s32 s3, s9;
	s6 =	sadd.s32 @!p0 $0x88, s6;
	s7 =	simm.s32 @p2 $0x1082  }
0x22: {  	[simem:s7], [sflag:s8] =	dma.local @!p0 [hbm:s6], $0xF7A  }
0x23: {  	s9 =	sor.u32 $0xD0000000, s2;
	s6 =	simm.s32 $0x108;
	_ =	swait.ge @!p0 [sflag:s8], $0x0  }
0x24: {  	s3 =	sadd.s32 $0x88, s3;
	s6 =	simm.s32 @!p1 $0x1082;
	[sflag:s4] =	ssyncset.s32 $0xFFFFF086  }
0x25: {  	[simem:s6], [sflag:s4] =	dma.local [hbm:s3], $0xF7A  }
0x26: {  	[smem:$0x3F99] =	sst s1;
	(tag) =	ssettag s2;
	_ =	strace s9  }
0x27: {  	s1 =	sld [smem:$0x3FA9]  }
0x28: {  	s2 =	sld [smem:$0x3FAA]  }
0x29: {  	s4 =	sld [smem:$0x3FAC]  }
0x2a: {  	p0 =	seq.s32 s5, $0x0;
	s5 =	sld [smem:$0x3FAD]  }
0x2b: {  	s6 =	sld [smem:$0x3FAE]  }
0x2c: {  	s7 =	sld [smem:$0x3FAF]  }
0x2d: {  	s3 =	simm.s32 $0x108;
	s8 =	sld [smem:$0x3FB0]  }
0x2e: {  	s3 =	simm.s32 @!p0 $0x1082;
	s9 =	sld [smem:$0x3FB1]  }
0x2f: {  	lr =	sadd.s32 s0, s3;
	s0 =	sld [smem:$0x3FA8]  }
0x30: {  	s3 =	sld [smem:$0x3FAB]  }
0x31: {  	[smem:$0x3FB4] =	sst s10  }
0x32: {  	s10 =	sld [smem:$0x3FB2];
	_ =	sdelay $0x3  }
0x33: {  	p0 =	seq.s32 s10, $0x1;
	s10 =	sld [smem:$0x3FB4];
	_ =	sdelay $0x3  }
0x34: {  	[smem:$0x3FB4] =	sst s10  }
0x35: {  	s10 =	sld [smem:$0x3FB3];
	_ =	sdelay $0x3  }
0x36: {  	p1 =	seq.s32 s10, $0x1;
	s10 =	sld [smem:$0x3FB4];
	_ =	sdelay $0x3  }
0x37: {  	[smem:$0x3FB4] =	sst s10  }
0x38: {  	s10 =	sld [smem:$0x3FB5]  }
0x39: {  	_ = 	snop;
	(pc) =	sbr.ind lr, $3  }
0x3a: {  	_ = 	snop  }
0x3b: {  	_ = 	snop  }
0x3c: {  	p2 =	seq.s32 s10, $0x1;
	s10 =	sld [smem:$0x3FB4]  }
0x3d: {  	_ =	shalt  }
0x3e: {  	_ =	shalt  }
0x3f: {  	_ =	shalt  }
0x40: {  	_ =	shalt  }
0x41: {  	_ =	shalt  }
0x42: {  	_ =	shalt  }
0x43: {  	_ =	shalt  }
0x44: {  	_ =	shalt  }
0x45: {  	_ =	shalt  }
0x46: {  	_ =	shalt  }
0x47: {  	_ =	shalt  }
0x48: {  	_ =	shalt  }
0x49: {  	_ =	shalt  }
0x4a: {  	_ =	shalt  }
0x4b: {  	_ =	shalt  }
0x4c: {  	_ =	shalt  }
0x4d: {  	_ =	shalt  }
0x4e: {  	_ =	shalt  }
0x4f: {  	_ =	shalt  }
0x50: {  	_ =	shalt  }
0x51: {  	_ =	shalt  }
0x52: {  	_ =	shalt  }
0x53: {  	_ =	shalt  }
0x54: {  	_ =	shalt  }
0x55: {  	_ =	shalt  }
0x56: {  	_ =	shalt  }
0x57: {  	_ =	shalt  }
0x58: {  	_ =	shalt  }
0x59: {  	_ =	shalt  }
0x5a: {  	_ =	shalt  }
0x5b: {  	_ =	shalt  }
0x5c: {  	_ =	shalt  }
0x5d: {  	_ =	shalt  }
0x5e: {  	_ =	shalt  }
0x5f: {  	_ =	shalt  }
0x60: {  	_ =	shalt  }
0x61: {  	_ =	shalt  }
0x62: {  	_ =	shalt  }
0x63: {  	_ =	shalt  }
0x64: {  	_ =	shalt  }
0x65: {  	_ =	shalt  }
0x66: {  	_ =	shalt  }
0x67: {  	_ =	shalt  }
0x68: {  	_ =	shalt  }
0x69: {  	_ =	shalt  }
0x6a: {  	_ =	shalt  }
0x6b: {  	_ =	shalt  }
0x6c: {  	_ =	shalt  }
0x6d: {  	_ =	shalt  }
0x6e: {  	_ =	shalt  }
0x6f: {  	_ =	shalt  }
0x70: {  	_ =	shalt  }
0x71: {  	_ =	shalt  }
0x72: {  	_ =	shalt  }
0x73: {  	_ =	shalt  }
0x74: {  	_ =	shalt  }
0x75: {  	_ =	shalt  }
0x76: {  	_ =	shalt  }
0x77: {  	_ =	shalt  }
0x78: {  	_ =	shalt  }
0x79: {  	_ =	shalt  }
0x7a: {  	_ =	shalt  }
0x7b: {  	_ =	shalt  }
0x7c: {  	_ =	shalt  }
0x7d: {  	_ =	shalt  }
0x7e: {  	_ =	shalt  }
0x7f: {  	_ =	shalt  }
0x80: {  	_ =	shalt  }
0x81: {  	_ =	shalt  }
0x82: {  	_ =	shalt  }
0x83: {  	_ =	shalt  }
0x84: {  	_ =	shalt  }
0x85: {  	_ =	shalt  }
0x86: {  	_ =	shalt  }
0x87: {  	_ =	shalt  }
.Lfunc_end0:
.L_simem_size_0:
called_computation.1_lowered:
.L_overlay_start_0:
0x88: {  	s2 =	sld [smem:$0x3FD9]  }
0x89: {  	s3 =	sld [smem:$0x3FFE];
	_ =	sdelay $0x1  }
0x8a: {  	s1 =	srdreg.scid  }
0x8b: {  	s0 =	sand.u32 $0x1, s1  }
0x8c: {  	s17 =	sshll.u32 s0, $0xA;
	s2 =	sadd.s32 s3, s2  }
0x8d: {  	s2 =	sadd.s32 s2, s17  }
0x8e: {  	[smem:$0x3FC0] =	sst s2  }
0x8f: {  	_ = 	snop  }
0x90: {  	s2 =	sld [smem:$0x3FD0];
	(tm) =	ssettm $0x1  }
0x91: {  	s18 =	sld [smem:$0x3FFB];
	_ =	sdelay $0x3  }
0x92: {  	_ =	strace s18  }
0x93: {  	s3 =	sld [smem:$0x3FFC];
	_ =	sdelay $0x3  }
0x94: {  	_ =	strace s3  }
0x95: {  	s3 =	sld [smem:$0x3FFD];
	_ =	sdelay $0x3  }
0x96: {  	_ =	strace s3  }
0x97: {  	_ =	strace $0x8FFFFFFF  }
0x98: {  	s19 =	sld [smem:$0x3FDB];
	_ =	sdelay $0x1  }
0x99: {  	s4 =	simm.s32 $_scs_section_size  }
0x9a: {  	s5 =	simm.s32 $_size__tile_overlayer_lowered;
	s6 =	simm.s32 $_tile_overlayer_lowered  }
0x9b: {  	s22 =	simm.s32 $0x1BFF;
	s21 =	sshll.u32 s6, $0x1;
	s3 =	sadd.s32 s4, s19  }
0x9c: {  	s7 =	simm.s32 $0x0;
	s20 =	sshll.u32 s5, $0x1;
	s5 =	sadd.s32 s21, s3  }
0x9d: {  	[timem:s7], [sflag:s22] =	dma.local [hbm:s5], s20  }
0x9e: {  	_ =	swait.ge [sflag:s22], s20  }
0x9f: {  	s4 =	ssub.s32 $0x0, s20;
	[sflag:s22] =	ssyncset.done $0x0  }
0xa0: {  	[sflag:s22] =	ssyncadd.s32 s4;
	_ =	sdelay $0x1  }
0xa1: {  	s23 =	simm.s32 $0x1B8B  }
0xa2: {  	_ =	swait.ge [sflag:s23], $0x1  }
0xa3: {  	[sflag:s23] =	ssyncset.done $0x0  }
0xa4: {  	s25 =	simm.s32 $0x1B8E;
	s24 =	sld [smem:$0x3FFE];
	[sflag:s23] =	ssyncadd.s32 $0xFFFFFFFF  }
0xa5: {  	s26 =	simm.s32 $execute0_lowered;
	[smem:$0x3FD2] =	sst s25  }
0xa6: {  	s5 =	sshll.u32 s26, $0x1;
	_ =	strace $0x80000049;
	[dreg:$0x1] =	wrdreg $0xFFFFFFFF  }
0xa7: {  	s28 =	simm.s32 $_size_execute0_lowered;
	s3 =	sadd.s32 s3, s5;
	[dreg:$0x0] =	wrdreg $0x0  }
0xa8: {  	s5 =	sshll.u32 s28, $0x1;
	[dreg:$0x2] =	wrdreg s3  }
0xa9: {  	[dreg:$0x3] =	wrdreg s5  }
0xaa: {  	[dreg:$0x4] =	wrdreg $0xC0  }
0xab: {  	_ =	task [dreg:s7], $0x5FFFF  }
0xac: {  	[dreg:$0x1] =	wrdreg $0xFFFFFFFF  }
0xad: {  	[dreg:$0x0] =	wrdreg $0x60  }
0xae: {  	[dreg:$0x2] =	wrdreg s2  }
0xaf: {  	[dreg:$0x3] =	wrdreg s24  }
0xb0: {  	[dreg:$0x4] =	wrdreg $0x128000  }
0xb1: {  	[dreg:$0x5] =	wrdreg $0x9  }
0xb2: {  	_ =	task.clear_ibuf [dreg:s7], $0x6FFFF;
	_ =	strace $0x90000049  }
0xb3: {  	s29 =	simm.s32 $0x9;
	_ =	strace $0x8000004B  }
0xb4: {  	_ =	swait.ge [sflag:s29], $0x1  }
0xb5: {  	[sflag:s29] =	ssyncadd.s32 $0xFFFFFFFF  }
0xb6: {  	_ =	strace $0x9000004B  }
0xb7: {  	_ =	sfence  }
0xb8: {  	s30 =	sld [smem:$0x0];
	_ =	sdelay $0x2  }
0xb9: {  	s31 =	sshll.u32 s1, $0xD;
	s1 =	sshrl.u32 s1, $0x2  }
0xba: {  	s3 =	sand.u32 $0x4000, s31;
	s1 =	sadd.s32 s1, s30  }
0xbb: {  	s0 =	sor.u32 s3, s0;
	s1 =	sshll.u32 s1, $0x11  }
0xbc: {  	s0 =	sor.u32 s1, s0  }
0xbd: {  	s0 =	sadd.s32 $0x8F2B, s0  }
0xbe: {  	[sflag:s0] =	ssyncadd.remote.s32 $0x1  }
0xbf: {  	_ =	sfence.sel $0xFFFF  }
0xc0: {  	[dreg:$0x0] =	wrdreg $0xFFFFFFFF;
	(pc) =	sbr.abs _section_cstart, $3  }
0xc1: {  	[dreg:$0x1] =	wrdreg $0xFFFFFFFF  }
0xc2: {  	_ =	task.clear_ibuf [dreg:s7], $0x2FFFF;
	_ =	strace $0x9FFFFFFF  }
0xc3: {  	(tm) =	ssettm $0x7FFFFFFF  }
tec
execute0_lowered:
.L_overlay_start_1:
0x0: {  	(tag) =	ssettag $0x1  }
0x1: {  	s1 =	rddreg [dreg:$0x0]  }
0x2: {  	s0 =	rddreg [dreg:$0x1]  }
0x3: {  	s3 =	rddreg [dreg:$0x2]  }
0x4: {  	s2 =	srdreg.scid;
	s7 =	stileid.u32  }
0x5: {  	s8 =	simm.s32 $0x0;
	s9 =	simm.s32 $0x11;
	s28 =	simm.s32 $0x6800  }
0x6: {  	s30 =	simm.s32 $0x8800;
	s11 =	simm.s32 $0x3;
	s10 =	simm.s32 $0x7  }
0x7: {  	s29 =	simm.s32 $0xD;
	s2 =	sand.u32 $0x1, s2;
	s4 =	smul.u32 $0x280, s7  }
0x8: {  	[smem:$0x7FF] =	sst s8;
	s6 =	sadd.s32 $0x1800, s0;
	s12 =	sadd.s32 $0x15800, s0  }
0x9: {  	s15 =	smul.u32 $0x28000, s7;
	_ =	strace $0x8000004A;
	[dreg:$0x4] =	wrdreg s6  }
0xa: {  	s13 =	sadd.s32 $0x1F800, s0;
	s19 =	smul.u32 $0xA0, s7;
	[dreg:$0x5] =	wrdreg s12  }
0xb: {  	s31 =	simm.s32 $0xE;
	s5 =	smul.u32 $0x2800, s2;
	[dreg:$0x6] =	wrdreg s13  }
0xc: {  	s14 =	sshll.u32 s2, $0x4;
	s2 =	ssub.s32 $0x2, s2;
	s12 =	simm.s32 $0x4  }
0xd: {  	s13 =	simm.s32 $0x5;
	s6 =	simm.s32 $0x0;
	s16 =	sor.u32 s7, s14  }
0xe: {  	s17 =	sshrl.u32 s2, $0x1;
	s18 =	sshrl.u32 s15, $0x2;
	[dreg:$0x8] =	wrdreg s19  }
0xf: {  	s7 =	simm.s32 $0xC800;
	s19 =	simm.s32 $0x1;
	s14 =	simm.s32 $0x9  }
0x10: {  	[dreg:$0x14] =	wrdreg s6;
	s2 =	ssub.s32 s2, s17;
	s17 =	sadd.s32 s18, s3  }
0x11: {  	s4 =	sadd.s32 s4, s5;
	s20 =	sadd.s32 $0x4000, s17;
	[dreg:$0x9] =	wrdreg s17  }
0x12: {  	s4 =	sshll.u32 s4, $0x3;
	s26 =	smax.u32 s2, $0x1;
	[dreg:$0xb] =	wrdreg s20  }
0x13: {  	s22 =	sadd.s32 $0x6000, s17;
	s5 =	sadd.s32 $0x8000, s17;
	[dreg:$0x13] =	wrdreg s26  }
0x14: {  	s0 =	sadd.s32 s4, s0;
	s4 =	smul.u32 $0xA0, s16;
	[dreg:$0xc] =	wrdreg s22  }
0x15: {  	s15 =	simm.s32 $0x10;
	s18 =	simm.s32 $0x10800;
	[dreg:$0xd] =	wrdreg s5  }
0x16: {  	s2 =	simm.s32 $0xF;
	s21 =	sadd.s32 $0x20000, s0;
	[dreg:$0x7] =	wrdreg s4  }
0x17: {  	s16 =	simm.s32 $0xE800;
	s23 =	sadd.s32 $0x20400, s0;
	[dreg:$0xe] =	wrdreg s21  }
0x18: {  	s20 =	simm.s32 $0x2;
	s24 =	sadd.s32 $0x20800, s0;
	[dreg:$0xf] =	wrdreg s23  }
.Ltmp0:
0x19: {  	s25 =	sadd.s32 $0x20C00, s0;
	[dreg:$0x10] =	wrdreg s24;
	(pc) =	sbr.rel .LBB2_1-.Ltmp0, $4  }
0x1a: {  	s26 =	simm.s32 $0xC;
	s0 =	sadd.s32 $0x21000, s0;
	[dreg:$0x11] =	wrdreg s25  }
0x1b: {  	s4 =	sadd.s32 $0x2000, s17;
	[dreg:$0x12] =	wrdreg s0;
	s21 =	simm.s32 $0x2800  }
0x1c: {  	s24 =	simm.s32 $0x80;
	s25 =	simm.s32 $0x4800;
	s0 =	simm.s32 $0xA800  }
0x1d: {  	s23 =	simm.s32 $0x8;
	[dreg:$0xa] =	wrdreg s4;
	s4 =	simm.s32 $0xB  }
.LBB2_6:
0x1e: {  	[bflag:$0x0] =	sbarrier.arrive $0xFFFF  }
0x1f: {  	s5 =	rddreg [dreg:$0x9]  }
0x20: {  	[tilespmem:s21], [sflag:$0x11] =	stream.linear.gather [spmem:s5], $0x2000, $0x38;
	[tilespmem:$0x1C800] =	vst v63  }
0x21: {  	_ =	swait.ge [sflag:s9], $0x2000  }
0x22: {  	[sflag:s9] =	ssyncset.done $0x0  }
0x23: {  	s8 =	simm.s32 $0x0;
	s22 =	rddreg [dreg:$0xe];
	[sflag:s9] =	ssyncadd.s32 $0xFFFFE000  }
0x24: {  	[hbm4b:s22+s8] =	stream.linear.scatter [tilespmem:s21], [sflag:$0x11], $0x2000, $0x38;
	[tilespmem:$0x1C800] =	vst v63  }
0x25: {  	_ =	swait.ge [sflag:s9], $0x2000  }
0x26: {  	[sflag:s9] =	ssyncset.done $0x0  }
0x27: {  	s6 =	rddreg [dreg:$0xa];
	[sflag:s9] =	ssyncadd.s32 $0xFFFFE000;
	s9 =	simm.s32 $0x11  }
0x28: {  	[tilespmem:s21], [sflag:$0x11] =	stream.linear.gather [spmem:s6], $0x2000, $0x38;
	[tilespmem:$0x1C800] =	vst v63  }
0x29: {  	_ =	swait.ge [sflag:s9], $0x2000  }
0x2a: {  	[sflag:s9] =	ssyncset.done $0x0  }
0x2b: {  	s17 =	rddreg [dreg:$0xf];
	[sflag:s9] =	ssyncadd.s32 $0xFFFFE000  }
0x2c: {  	[hbm4b:s17+s8] =	stream.linear.scatter [tilespmem:s21], [sflag:$0x11], $0x2000, $0x38;
	[tilespmem:$0x1C800] =	vst v63  }
0x2d: {  	_ =	swait.ge [sflag:s9], $0x2000  }
0x2e: {  	[sflag:s9] =	ssyncset.done $0x0  }
0x2f: {  	s22 =	rddreg [dreg:$0xb];
	[sflag:s9] =	ssyncadd.s32 $0xFFFFE000  }
0x30: {  	[tilespmem:s21], [sflag:$0x11] =	stream.linear.gather [spmem:s22], $0x2000, $0x38;
	[tilespmem:$0x1C800] =	vst v63  }
0x31: {  	_ =	swait.ge [sflag:s9], $0x2000  }
0x32: {  	[sflag:s9] =	ssyncset.done $0x0  }
0x33: {  	s6 =	rddreg [dreg:$0x10];
	[sflag:s9] =	ssyncadd.s32 $0xFFFFE000  }
0x34: {  	[hbm4b:s6+s8] =	stream.linear.scatter [tilespmem:s21], [sflag:$0x11], $0x2000, $0x38;
	[tilespmem:$0x1C800] =	vst v63  }
0x35: {  	_ =	swait.ge [sflag:s9], $0x2000  }
0x36: {  	[sflag:s9] =	ssyncset.done $0x0  }
0x37: {  	s22 =	rddreg [dreg:$0xc];
	[sflag:s9] =	ssyncadd.s32 $0xFFFFE000  }
0x38: {  	[tilespmem:s21], [sflag:$0x11] =	stream.linear.gather [spmem:s22], $0x2000, $0x38;
	[tilespmem:$0x1C800] =	vst v63  }
0x39: {  	_ =	swait.ge [sflag:s9], $0x2000  }
0x3a: {  	[sflag:s9] =	ssyncset.done $0x0  }
0x3b: {  	s17 =	rddreg [dreg:$0x11];
	[sflag:s9] =	ssyncadd.s32 $0xFFFFE000  }
0x3c: {  	[hbm4b:s17+s8] =	stream.linear.scatter [tilespmem:s21], [sflag:$0x11], $0x2000, $0x38;
	[tilespmem:$0x1C800] =	vst v63  }
0x3d: {  	_ =	swait.ge [sflag:s9], $0x2000  }
0x3e: {  	[sflag:s9] =	ssyncset.done $0x0  }
0x3f: {  	s5 =	rddreg [dreg:$0xd];
	[sflag:s9] =	ssyncadd.s32 $0xFFFFE000  }
0x40: {  	[tilespmem:s21], [sflag:$0x11] =	stream.linear.gather [spmem:s5], $0x2000, $0x38;
	[tilespmem:$0x1C800] =	vst v63  }
0x41: {  	_ =	swait.ge [sflag:s9], $0x2000  }
0x42: {  	[sflag:s9] =	ssyncset.done $0x0  }
0x43: {  	s6 =	rddreg [dreg:$0x12];
	[sflag:s9] =	ssyncadd.s32 $0xFFFFE000  }
0x44: {  	[hbm4b:s6+s8] =	stream.linear.scatter [tilespmem:s21], [sflag:$0x11], $0x2000, $0x38;
	[tilespmem:$0x1C800] =	vst v63  }
0x45: {  	_ =	swait.ge [sflag:s9], $0x2000  }
0x46: {  	s17 =	rddreg [dreg:$0x14]  }
0x47: {  	s6 =	rddreg [dreg:$0x13];
	s17 =	sadd.s32 $0x1, s17  }
0x48: {  	p0 =	sne.s32 s17, s6  }
.Ltmp1:
0x49: {  	_ = 	snop;
	(pc) =	sbr.rel @!p0 .LBB2_7-.Ltmp1, $3  }
0x4a: {  	_ =	sdelay $0x1  }
0x4b: {  	[sflag:s9] =	ssyncset.done $0x0;
	[dreg:$0x14] =	wrdreg s17  }
0x4c: {  	[sflag:s9] =	ssyncadd.s32 $0xFFFFE000;
	s17 =	rddreg [dreg:$0x9]  }
.LBB2_1:
0x4d: {  	s6 =	smov.u32 s5;
	s5 =	rddreg [dreg:$0x6]  }
0x4e: {  	[tilespmem:s21], [sflag:$0x11] =	stream.linear.gather [hbm4b:s5+s8], $0x2000, $0x38;
	[tilespmem:$0x1C800] =	vst v63  }
0x4f: {  	_ =	swait.ge [sflag:s9], $0x2000  }
0x50: {  	[sflag:s9] =	ssyncset.done $0x0  }
0x51: {  	[sflag:s9] =	ssyncadd.s32 $0xFFFFE000  }
0x52: {  	[spmem:s17] =	stream.linear.scatter [tilespmem:s21], [sflag:$0x11], $0x2000, $0x38;
	[tilespmem:$0x1C800] =	vst v63  }
0x53: {  	_ =	swait.ge [sflag:s9], $0x2000  }
0x54: {  	[sflag:s9] =	ssyncset.done $0x0  }
0x55: {  	s8 =	rddreg [dreg:$0xa];
	[sflag:s9] =	ssyncadd.s32 $0xFFFFE000  }
0x56: {  	[spmem:s8] =	stream.linear.scatter [tilespmem:s21], [sflag:$0x11], $0x2000, $0x38;
	[tilespmem:$0x1C800] =	vst v63  }
0x57: {  	_ =	swait.ge [sflag:s9], $0x2000  }
0x58: {  	[sflag:s9] =	ssyncset.done $0x0  }
0x59: {  	s17 =	rddreg [dreg:$0xb];
	[sflag:s9] =	ssyncadd.s32 $0xFFFFE000  }
0x5a: {  	[spmem:s17] =	stream.linear.scatter [tilespmem:s21], [sflag:$0x11], $0x2000, $0x38;
	[tilespmem:$0x1C800] =	vst v63  }
0x5b: {  	_ =	swait.ge [sflag:s9], $0x2000  }
0x5c: {  	[sflag:s9] =	ssyncset.done $0x0  }
0x5d: {  	[sflag:s9] =	ssyncadd.s32 $0xFFFFE000  }
0x5e: {  	[spmem:s22] =	stream.linear.scatter [tilespmem:s21], [sflag:$0x11], $0x2000, $0x38;
	[tilespmem:$0x1C800] =	vst v63  }
0x5f: {  	_ =	swait.ge [sflag:s9], $0x2000  }
0x60: {  	[sflag:s9] =	ssyncset.done $0x0  }
0x61: {  	[sflag:s9] =	ssyncadd.s32 $0xFFFFE000  }
0x62: {  	[spmem:s6] =	stream.linear.scatter [tilespmem:s21], [sflag:$0x11], $0x2000, $0x38;
	[tilespmem:$0x1C800] =	vst v63  }
.Ltmp2:
0x63: {  	_ =	swait.ge [sflag:s9], $0x2000;
	(pc) =	sbr.rel .LBB2_2-.Ltmp2, $4  }
0x64: {  	[sflag:s9] =	ssyncset.done $0x0  }
0x65: {  	[sflag:s9] =	ssyncadd.s32 $0xFFFFE000  }
0x66: {  	[bflag:$0x0] =	sbarrier.arrive $0xFFFF  }
0x67: {  	s5 =	simm.s32 $0x0;
	s9 =	simm.s32 $0x11  }
.LBB2_5:
0x68: {  	_ =	swait.ge [sflag:s23], $0x2000  }
0x69: {  	[sflag:s23] =	ssyncset.done $0x0  }
0x6a: {  	[sflag:s23] =	ssyncadd.s32 $0xFFFFE000  }
0x6b: {  	[spmem:s3] =	stream.indirect.scatter.add.f32 [tilespmem:s18], [sflag:$0x10], $0x40, s8, s24, $0xb8;
	[tilespmem:$0x1C800] =	vst v63  }
0x6c: {  	_ =	swait.ge [sflag:s26], $0x2000  }
0x6d: {  	[sflag:s26] =	ssyncset.done $0x0  }
0x6e: {  	[sflag:s26] =	ssyncadd.s32 $0xFFFFE000  }
0x6f: {  	_ =	swait.ge [sflag:s29], $0x2000  }
0x70: {  	[sflag:s29] =	ssyncset.done $0x0  }
0x71: {  	[sflag:s29] =	ssyncadd.s32 $0xFFFFE000  }
0x72: {  	_ =	swait.ge [sflag:s31], $0x2000  }
0x73: {  	[sflag:s31] =	ssyncset.done $0x0  }
0x74: {  	[sflag:s31] =	ssyncadd.s32 $0xFFFFE000  }
0x75: {  	_ =	swait.ge [sflag:s2], $0x2000  }
0x76: {  	[sflag:s2] =	ssyncset.done $0x0  }
0x77: {  	[sflag:s2] =	ssyncadd.s32 $0xFFFFE000  }
0x78: {  	_ =	swait.ge [sflag:s15], $0x2000  }
0x79: {  	s5 =	rddreg [dreg:$0x15]  }
0x7a: {  	s5 =	sadd.s32 $0x1, s5  }
0x7b: {  	p0 =	sne.s32 s5, $0x4  }
.Ltmp3:
0x7c: {  	_ = 	snop;
	(pc) =	sbr.rel @!p0 .LBB2_6-.Ltmp3, $3  }
0x7d: {  	_ =	sdelay $0x1  }
0x7e: {  	[sflag:s15] =	ssyncset.done $0x0  }
0x7f: {  	s9 =	simm.s32 $0x11;
	[sflag:s15] =	ssyncadd.s32 $0xFFFFE000  }
.LBB2_2:
0x80: {  	s6 =	smul.u32 $0x28, s5  }
0x81: {  	s17 =	rddreg [dreg:$0x7]  }
0x82: {  	[dreg:$0x15] =	wrdreg s5;
	s5 =	sadd.s32 s17, s6  }
0x83: {  	s8 =	rddreg [dreg:$0x4];
	s5 =	sshll.u32 s5, $0x4  }
0x84: {  	s8 =	sadd.s32 s8, s5;
	s5 =	simm.s32 $0x0  }
0x85: {  	[tilespmem:s5], [sflag:$0x11] =	stream.linear.gather [hbm4b:s8+s5], $0x1400, $0x38;
	[tilespmem:$0x1C800] =	vst v63  }
0x86: {  	_ =	swait.ge [sflag:s9], $0x1400  }
0x87: {  	s22 =	rddreg [dreg:$0x8]  }
0x88: {  	s6 =	sadd.s32 s22, s6  }
0x89: {  	[sflag:s9] =	ssyncset.done $0x0;
	s17 =	rddreg [dreg:$0x5];
	s6 =	sshll.u32 s6, $0x4  }
0x8a: {  	[sflag:s9] =	ssyncadd.s32 $0xFFFFEC00;
	s22 =	simm.s32 $0x1400;
	s6 =	sadd.s32 s17, s6  }
0x8b: {  	[tilespmem:s22], [sflag:$0x11] =	stream.linear.gather [hbm4b:s6+s5], $0x1400, $0x38;
	[tilespmem:$0x1C800] =	vst v63  }
0x8c: {  	_ =	swait.ge [sflag:s9], $0x1400  }
0x8d: {  	[sflag:s9] =	ssyncset.done $0x0  }
0x8e: {  	[sflag:s9] =	ssyncadd.s32 $0xFFFFEC00  }
0x8f: {  	[tilespmem:s21], [sflag:$0x1] =	stream.indirect.gather [hbm4b:s1+s24], $0x40, s5, s24, $0xb8;
	[tilespmem:$0x1C800] =	vst v63  }
0x90: {  	_ = 	snop  }
0x91: {  	[tilespmem:s25], [sflag:$0x2] =	stream.indirect.gather [hbm4b:s1+s24], $0x40, s24, s24, $0xb8;
	[tilespmem:$0x1C800] =	vst v63  }
0x92: {  	s17 =	simm.s32 $0x100  }
0x93: {  	[tilespmem:s28], [sflag:$0x3] =	stream.indirect.gather [hbm4b:s1+s24], $0x40, s17, s24, $0xb8;
	[tilespmem:$0x1C800] =	vst v63  }
0x94: {  	s22 =	simm.s32 $0x180  }
0x95: {  	[tilespmem:s30], [sflag:$0x4] =	stream.indirect.gather [hbm4b:s1+s24], $0x40, s22, s24, $0xb8;
	[tilespmem:$0x1C800] =	vst v63  }
0x96: {  	s8 =	simm.s32 $0x200  }
0x97: {  	[tilespmem:s0], [sflag:$0x5] =	stream.indirect.gather [hbm4b:s1+s24], $0x40, s8, s24, $0xb8;
	[tilespmem:$0x1C800] =	vst v63  }
0x98: {  	s9 =	simm.s32 $0x280  }
0x99: {  	[tilespmem:s7], [sflag:$0x6] =	stream.indirect.gather [hbm4b:s1+s24], $0x40, s9, s24, $0xb8;
	[tilespmem:$0x1C800] =	vst v63  }
0x9a: {  	s17 =	simm.s32 $0x300  }
0x9b: {  	[tilespmem:s16], [sflag:$0x7] =	stream.indirect.gather [hbm4b:s1+s24], $0x40, s17, s24, $0xb8;
	[tilespmem:$0x1C800] =	vst v63  }
0x9c: {  	s22 =	simm.s32 $0x380  }
0x9d: {  	[tilespmem:s18], [sflag:$0x8] =	stream.indirect.gather [hbm4b:s1+s24], $0x40, s22, s24, $0xb8;
	[tilespmem:$0x1C800] =	vst v63  }
.LBB2_3:
0x9e: {  	_ =	swait.ge [sflag:s19], $0x2000  }
0x9f: {  	s6 =	sshra.s32 s5, $0x2;
	[sflag:s19] =	ssyncset.done $0x0  }
0xa0: {  	s8 =	sadd.s32 $0x1400, s6;
	[sflag:s19] =	ssyncadd.s32 $0xFFFFE000  }
0xa1: {  	[spmem:s3] =	stream.indirect.scatter.add.f32 [tilespmem:s21], [sflag:$0x9], $0x40, s8, s24, $0xb8;
	[tilespmem:$0x1C800] =	vst v63  }
0xa2: {  	_ =	swait.ge [sflag:s20], $0x2000  }
0xa3: {  	[sflag:s20] =	ssyncset.done $0x0  }
0xa4: {  	s17 =	sadd.s32 $0x1480, s6;
	[sflag:s20] =	ssyncadd.s32 $0xFFFFE000  }
0xa5: {  	[spmem:s3] =	stream.indirect.scatter.add.f32 [tilespmem:s25], [sflag:$0xA], $0x40, s17, s24, $0xb8;
	[tilespmem:$0x1C800] =	vst v63  }
0xa6: {  	_ =	swait.ge [sflag:s11], $0x2000  }
0xa7: {  	[sflag:s11] =	ssyncset.done $0x0  }
0xa8: {  	s22 =	sadd.s32 $0x1500, s6;
	[sflag:s11] =	ssyncadd.s32 $0xFFFFE000  }
0xa9: {  	[spmem:s3] =	stream.indirect.scatter.add.f32 [tilespmem:s28], [sflag:$0xB], $0x40, s22, s24, $0xb8;
	[tilespmem:$0x1C800] =	vst v63  }
0xaa: {  	_ =	swait.ge [sflag:s12], $0x2000  }
0xab: {  	[sflag:s12] =	ssyncset.done $0x0  }
0xac: {  	s9 =	sadd.s32 $0x1580, s6;
	[sflag:s12] =	ssyncadd.s32 $0xFFFFE000  }
0xad: {  	[spmem:s3] =	stream.indirect.scatter.add.f32 [tilespmem:s30], [sflag:$0xC], $0x40, s9, s24, $0xb8;
	[tilespmem:$0x1C800] =	vst v63  }
0xae: {  	_ =	swait.ge [sflag:s13], $0x2000  }
0xaf: {  	[sflag:s13] =	ssyncset.done $0x0  }
0xb0: {  	s17 =	sadd.s32 $0x1600, s6;
	[sflag:s13] =	ssyncadd.s32 $0xFFFFE000  }
0xb1: {  	[spmem:s3] =	stream.indirect.scatter.add.f32 [tilespmem:s0], [sflag:$0xD], $0x40, s17, s24, $0xb8;
	[tilespmem:$0x1C800] =	vst v63  }
0xb2: {  	_ =	swait.ge [sflag:s14], $0x2000  }
0xb3: {  	p0 =	seq.s32 s5, $0x4000;
	[sflag:s14] =	ssyncset.done $0x0  }
0xb4: {  	s8 =	simm.s32 @p0 $0x6;
	[sflag:s14] =	ssyncadd.s32 $0xFFFFE000  }
0xb5: {  	_ =	swait.ge @p0 [sflag:s8], $0x2000  }
0xb6: {  	[sflag:s8] =	ssyncset.done @p0 $0x0  }
0xb7: {  	[sflag:s8] =	ssyncadd.s32 @p0 $0xFFFFE000;
	s8 =	sshra.s32 @p0 s5, $0x2  }
0xb8: {  	s22 =	simm.s32 @p0 $0xC800;
	s9 =	simm.s32 @p0 $0x80;
	s8 =	sadd.s32 @p0 $0x1680, s8  }
0xb9: {  	[spmem:s3] =	stream.indirect.scatter.add.f32 @p0 [tilespmem:s22], [sflag:$0xE], $0x40, s8, s9, $0xb8;
	[tilespmem:$0x1C800] =	vst v63  }
0xba: {  	s8 =	simm.s32 @p0 $0xA  }
0xbb: {  	_ =	swait.ge @p0 [sflag:s8], $0x2000  }
0xbc: {  	[sflag:s8] =	ssyncset.done @p0 $0x0  }
0xbd: {  	[sflag:s8] =	ssyncadd.s32 @p0 $0xFFFFE000;
	s8 =	sshra.s32 @!p0 s5, $0x2  }
0xbe: {  	s17 =	simm.s32 @!p0 $0x2800;
	s22 =	simm.s32 @!p0 $0x80;
	s9 =	sadd.s32 @!p0 $0x400, s8  }
0xbf: {  	[tilespmem:s17], [sflag:$0x1] =	stream.indirect.gather @!p0 [hbm4b:s1+s22], $0x40, s9, s22, $0xb8;
	[tilespmem:$0x1C800] =	vst v63  }
0xc0: {  	s9 =	simm.s32 @!p0 $0x6  }
0xc1: {  	_ =	swait.ge @!p0 [sflag:s9], $0x2000  }
0xc2: {  	[sflag:s9] =	ssyncset.done @!p0 $0x0  }
0xc3: {  	s17 =	simm.s32 @!p0 $0xC800;
	[sflag:s9] =	ssyncadd.s32 @!p0 $0xFFFFE000;
	s9 =	sadd.s32 @!p0 $0x1680, s8  }
0xc4: {  	[spmem:s3] =	stream.indirect.scatter.add.f32 @!p0 [tilespmem:s17], [sflag:$0xE], $0x40, s9, s22, $0xb8;
	[tilespmem:$0x1C800] =	vst v63  }
0xc5: {  	s9 =	simm.s32 @!p0 $0xA  }
0xc6: {  	_ =	swait.ge @!p0 [sflag:s9], $0x2000  }
0xc7: {  	[sflag:s9] =	ssyncset.done @!p0 $0x0  }
0xc8: {  	s8 =	sadd.s32 @!p0 $0x480, s8;
	[sflag:s9] =	ssyncadd.s32 @!p0 $0xFFFFE000;
	s9 =	simm.s32 @!p0 $0x4800  }
0xc9: {  	[tilespmem:s9], [sflag:$0x2] =	stream.indirect.gather @!p0 [hbm4b:s1+s22], $0x40, s8, s22, $0xb8;
	[tilespmem:$0x1C800] =	vst v63  }
0xca: {  	_ =	swait.ge [sflag:s10], $0x2000  }
0xcb: {  	[sflag:s10] =	ssyncset.done $0x0  }
.Ltmp4:
0xcc: {  	s22 =	sadd.s32 $0x1700, s6;
	[sflag:s10] =	ssyncadd.s32 $0xFFFFE000;
	(pc) =	sbr.rel @p0 .LBB2_5-.Ltmp4, $4  }
0xcd: {  	[spmem:s3] =	stream.indirect.scatter.add.f32 [tilespmem:s16], [sflag:$0xF], $0x40, s22, s24, $0xb8;
	[tilespmem:$0x1C800] =	vst v63  }
0xce: {  	_ =	swait.ge [sflag:s4], $0x2000  }
0xcf: {  	[sflag:s4] =	ssyncset.done $0x0  }
0xd0: {  	s8 =	sadd.s32 $0x1780, s6;
	[sflag:s4] =	ssyncadd.s32 $0xFFFFE000  }
0xd1: {  	s9 =	sadd.s32 $0x500, s6  }
0xd2: {  	[tilespmem:s28], [sflag:$0x3] =	stream.indirect.gather [hbm4b:s1+s24], $0x40, s9, s24, $0xb8;
	[tilespmem:$0x1C800] =	vst v63  }
0xd3: {  	_ =	swait.ge [sflag:s23], $0x2000  }
0xd4: {  	[sflag:s23] =	ssyncset.done $0x0  }
0xd5: {  	[sflag:s23] =	ssyncadd.s32 $0xFFFFE000  }
0xd6: {  	[spmem:s3] =	stream.indirect.scatter.add.f32 [tilespmem:s18], [sflag:$0x10], $0x40, s8, s24, $0xb8;
	[tilespmem:$0x1C800] =	vst v63  }
0xd7: {  	_ =	swait.ge [sflag:s26], $0x2000  }
0xd8: {  	[sflag:s26] =	ssyncset.done $0x0  }
0xd9: {  	s17 =	sadd.s32 $0x580, s6;
	[sflag:s26] =	ssyncadd.s32 $0xFFFFE000  }
0xda: {  	[tilespmem:s30], [sflag:$0x4] =	stream.indirect.gather [hbm4b:s1+s24], $0x40, s17, s24, $0xb8;
	[tilespmem:$0x1C800] =	vst v63  }
0xdb: {  	_ =	swait.ge [sflag:s29], $0x2000  }
0xdc: {  	[sflag:s29] =	ssyncset.done $0x0  }
0xdd: {  	s22 =	sadd.s32 $0x600, s6;
	[sflag:s29] =	ssyncadd.s32 $0xFFFFE000  }
0xde: {  	[tilespmem:s0], [sflag:$0x5] =	stream.indirect.gather [hbm4b:s1+s24], $0x40, s22, s24, $0xb8;
	[tilespmem:$0x1C800] =	vst v63  }
0xdf: {  	_ =	swait.ge [sflag:s31], $0x2000  }
0xe0: {  	[sflag:s31] =	ssyncset.done $0x0  }
0xe1: {  	s9 =	sadd.s32 $0x680, s6;
	[sflag:s31] =	ssyncadd.s32 $0xFFFFE000  }
0xe2: {  	[tilespmem:s7], [sflag:$0x6] =	stream.indirect.gather [hbm4b:s1+s24], $0x40, s9, s24, $0xb8;
	[tilespmem:$0x1C800] =	vst v63  }
0xe3: {  	_ =	swait.ge [sflag:s2], $0x2000  }
0xe4: {  	[sflag:s2] =	ssyncset.done $0x0  }
0xe5: {  	s17 =	sadd.s32 $0x700, s6;
	[sflag:s2] =	ssyncadd.s32 $0xFFFFE000  }
0xe6: {  	[tilespmem:s16], [sflag:$0x7] =	stream.indirect.gather [hbm4b:s1+s24], $0x40, s17, s24, $0xb8;
	[tilespmem:$0x1C800] =	vst v63  }
.Ltmp5:
0xe7: {  	_ = 	snop;
	(pc) =	sbr.rel .LBB2_3-.Ltmp5, $4  }
0xe8: {  	_ =	swait.ge [sflag:s15], $0x2000  }
0xe9: {  	[sflag:s15] =	ssyncset.done $0x0  }
0xea: {  	s5 =	sadd.s32 $0x1000, s5;
	s22 =	sadd.s32 $0x780, s6;
	[sflag:s15] =	ssyncadd.s32 $0xFFFFE000  }
0xeb: {  	[tilespmem:s18], [sflag:$0x8] =	stream.indirect.gather [hbm4b:s1+s24], $0x40, s22, s24, $0xb8;
	[tilespmem:$0x1C800] =	vst v63  }
.LBB2_7:
0xec: {  	_ =	sfence.sel $0x180000  }
0xed: {  	[bflag:$0x0] =	sbarrier.arrive $0xFFFF  }
0xee: {  	_ =	strace $0x9000004A  }
0xef: {  	s0 =	stileid.u32;
	[bflag:$0x2] =	sbarrier.arrive $0xFFFF  }
0xf0: {  	p0 =	sne.s32 s0, $0x0;
	s0 =	rddreg [dreg:$0x3]  }
0xf1: {  	s0 =	sadd.s32 @!p0 $0x100000, s0  }
0xf2: {  	[sflag:s0] =	ssyncadd.tile.s32 @!p0 $0x1;
	_ =	shalt  }
.Lfunc_end2:
_tile_overlayer_lowered:
.L_overlay_start_2:
0xf3: {  	(tag) =	ssettag $0x2  }
0xf4: {  	s0 =	rddreg [dreg:$0x0];
	s2 =	stileid.u32  }
0xf5: {  	s1 =	rddreg [dreg:$0x1];
	p0 =	sne.s32 s2, $0x0  }
0xf6: {  	s3 =	rddreg [dreg:$0x2];
	[bflag:$0x3] =	sbarrier.arrive $0xFFFF;
	s2 =	simm.s32 @!p0 $0x1C11  }
0xf7: {  	[timem:s3], [sflag:s2] =	dma.local @!p0 [hbm:s0], s1  }
0xf8: {  	s0 =	simm.s32 @!p0 $0x11  }
0xf9: {  	_ =	swait.ge @!p0 [sflag:s0], s1  }
0xfa: {  	s1 =	ssub.s32 @!p0 $0x0, s1;
	[sflag:s0] =	ssyncset.done @!p0 $0x0  }
0xfb: {  	[sflag:s0] =	ssyncadd.s32 @!p0 s1  }
0xfc: {  	[bflag:$0x3] =	sbarrier.arrive $0xFFFF  }
0xfd: {  	_ =	shalt  }

</sc_bundles>
